<compile_context>
chip_gen: v7x
topology: tpu7x:2x2x1
jax: 0.10.2.dev20260603
libtpu: 0.0.44.dev20260713+nightly
codegen_flags: <defaults>
</compile_context>

<pallas_src>
import functools

import jax
import jax.numpy as jnp
from jax import lax
from jax.experimental import pallas as pl
from jax.experimental.pallas import tpu as pltpu
from jax.experimental.pallas import tpu_sc as plsc

BATCH = 16384
HIST = 50
DIM = 32

NUM_CORES = 2
NUM_SUBCORES = 16
NUM_WORKERS = NUM_CORES * NUM_SUBCORES

BBLK = 256
NBLK = BATCH // BBLK
UNITS = HIST * NBLK
UNITS_PER_W = UNITS // NUM_WORKERS
NGRP = BBLK // 16

_MESH = plsc.VectorSubcoreMesh(core_axis_name="c", subcore_axis_name="s")


@functools.partial(
    pl.kernel,
    out_type=jax.ShapeDtypeStruct((HIST, DIM, BATCH), jnp.float32),
    mesh=_MESH,
    compiler_params=pltpu.CompilerParams(needs_layout_passes=False),
    scratch_types=[
        pltpu.VMEM((BBLK,), jnp.int32),
        pltpu.VMEM((BBLK,), jnp.int32),
        pltpu.VMEM((BBLK,), jnp.int32),
        pltpu.VMEM((BBLK,), jnp.int32),
        pltpu.VMEM((BBLK, 128), jnp.float32),
        pltpu.VMEM((BBLK, 128), jnp.float32),
        pltpu.VMEM((DIM, BBLK), jnp.float32),
        pltpu.SemaphoreType.DMA,
        pltpu.SemaphoreType.DMA,
    ],
)
def _sc_lookup(xt_hbm, tbl_hbm, out_hbm, idx0, idx1, jid0, jid1, gat0, gat1,
               tr_v, sem0, sem1):
    wid = lax.axis_index("s") * NUM_CORES + lax.axis_index("c")
    base = wid * UNITS_PER_W
    lanes = lax.iota(jnp.int32, 16)
    slots = ((idx0, jid0, gat0, sem0), (idx1, jid1, gat1, sem1))

    def stage(u, buf):
        idx_v, jid_v, gat_v, sem = slots[buf]
        h = u // NBLK
        b0 = (u % NBLK) * BBLK
        pltpu.sync_copy(xt_hbm.at[h, pl.ds(b0, BBLK)], idx_v)

        @plsc.parallel_loop(0, NGRP)
        def pack(g):
            v = idx_v[pl.ds(g * 16, 16)]
            jid_v[pl.ds(g * 16, 16)] = lax.shift_right_logical(v, 2)

        pltpu.async_copy(tbl_hbm.at[jid_v], gat_v, sem)

    def drain(u, buf):
        idx_v, jid_v, gat_v, sem = slots[buf]
        h = u // NBLK
        b0 = (u % NBLK) * BBLK
        pltpu.make_async_copy(tbl_hbm.at[jid_v], gat_v, sem).wait()

        @plsc.parallel_loop(0, NGRP, unroll=2)
        def xpose(g):
            brow = lanes + g * 16
            sub = (idx_v[pl.ds(g * 16, 16)] & 3) * DIM
            for d in range(DIM):
                vals = plsc.load_gather(gat_v, [brow, sub + d])
                tr_v[d, pl.ds(g * 16, 16)] = vals

        pltpu.sync_copy(tr_v, out_hbm.at[h, :, pl.ds(b0, BBLK)])

    stage(base, 0)

    def pair(i, carry):
        u = base + 2 * i
        stage(u + 1, 1)
        drain(u, 0)

        @pl.when(2 * i + 2 < UNITS_PER_W)
        def _():
            stage(u + 2, 0)

        drain(u + 1, 1)
        return carry

    lax.fori_loop(0, UNITS_PER_W // 2, pair, 0)


def kernel(x, table):
    xt = x.T
    tbl = table.reshape(250000, 128)
    ot = _sc_lookup(xt.astype(jnp.int32), tbl)
    return ot.transpose(2, 0, 1)

# --- scband reference (transcript-rebuilt; emitter-appended) ---
"""Pipeline reference for scband-model-71820443123814 (READ-ONLY COPY).

The authoritative reference and input builder live on the scoring server;
editing this copy changes nothing except your own understanding.
"""

import jax, jax.numpy as jnp
import numpy as np

NUM_EMBEDDINGS = 1000000
EMBEDDING_DIM = 32
BATCH = 16384
HIST = 50

def setup_inputs(seed: int = 0) -> dict:
    key = jax.random.key(seed)
    k1, k2 = jax.random.split(key)
    x = jax.random.randint(k1, (BATCH, HIST), 0, NUM_EMBEDDINGS, dtype=jnp.int64) if jax.config.jax_enable_x64 else jax.random.randint(k1, (BATCH, HIST), 0, NUM_EMBEDDINGS, dtype=jnp.int32)
    table = jax.random.normal(k2, (NUM_EMBEDDINGS, EMBEDDING_DIM), dtype=jnp.float32)
    return {"x": x, "table": table}

def reference(x, table):
    # torch.nn.Embedding forward: simple row gather from the table
    return jnp.take(table, x, axis=0)

if __name__ == "__main__":
    import jax
    _d = setup_inputs()
    print(jax.jit(kernel)(*tuple(_d.values())))

</pallas_src>

<mosaic_0001>
#map = affine_map<(d0, d1) -> (0, 0)>
#map1 = affine_map<(d0, d1) -> (0, 0, 0)>
module attributes {stable_mosaic.version = 14 : i64} {
  func.func @_sc_lookup(%arg0: i32, %arg1: i32, %arg2: memref<50x16384xi32, #tpu.memory_space<hbm>>, %arg3: memref<250000x128xf32, #tpu.memory_space<hbm>>, %arg4: memref<50x32x16384xf32, #tpu.memory_space<hbm>>, %arg5: memref<256xi32, #tpu.memory_space<vmem>>, %arg6: memref<256xi32, #tpu.memory_space<vmem>>, %arg7: memref<256xi32, #tpu.memory_space<vmem>>, %arg8: memref<256xi32, #tpu.memory_space<vmem>>, %arg9: memref<256x128xf32, #tpu.memory_space<vmem>>, %arg10: memref<256x128xf32, #tpu.memory_space<vmem>>, %arg11: memref<32x256xf32, #tpu.memory_space<vmem>>, %arg12: memref<!tpu.dma_semaphore, #tpu.memory_space<semaphore_mem>>, %arg13: memref<!tpu.dma_semaphore, #tpu.memory_space<semaphore_mem>>) attributes {dimension_semantics = [#tpu.dimension_semantics<core_parallel>, #tpu.dimension_semantics<subcore_parallel>], iteration_bounds = array<i64: 2, 16>, scalar_prefetch = 0 : i64, scratch_operands = 9 : i64, tpu.core_type = #tpu.core_type<sc_vector_subcore>, window_params = [{transform_indices = #map}, {transform_indices = #map}, {transform_indices = #map1}]} {
    %mul3A = arith.constant 2 : i32
    %mul3A_0 = arith.muli %arg1, %mul3A : i32
    %add3A = arith.addi %mul3A_0, %arg0 : i32
    %mul3A_1 = arith.constant 100 : i32
    %mul3A_2 = arith.muli %add3A, %mul3A_1 : i32
    %iota3A = tpu.iota {dimensions = array<i32: 0>} : vector<16xi32>
    %jit3A = arith.constant 64 : i32
    %div3A = arith.divsi %mul3A_2, %jit3A : i32
    %sign3A = arith.constant 0 : i32
    %sign3A_3 = arith.cmpi sgt, %mul3A_2, %sign3A : i32
    %sign3A_4 = arith.extui %sign3A_3 : i1 to i32
    %sign3A_5 = arith.constant 0 : i32
    %sign3A_6 = arith.cmpi slt, %mul3A_2, %sign3A_5 : i32
    %sign3A_7 = arith.extui %sign3A_6 : i1 to i32
    %sign3A_8 = arith.subi %sign3A_4, %sign3A_7 : i32
    %sign3A_9 = arith.constant 0 : i32
    %sign3A_10 = arith.cmpi sgt, %jit3A, %sign3A_9 : i32
    %sign3A_11 = arith.extui %sign3A_10 : i1 to i32
    %sign3A_12 = arith.constant 0 : i32
    %sign3A_13 = arith.cmpi slt, %jit3A, %sign3A_12 : i32
    %sign3A_14 = arith.extui %sign3A_13 : i1 to i32
    %sign3A_15 = arith.subi %sign3A_11, %sign3A_14 : i32
    %ne3A = arith.cmpi ne, %sign3A_8, %sign3A_15 : i32
    %rem3A = arith.remsi %mul3A_2, %jit3A : i32
    %ne3A_16 = arith.constant 0 : i32
    %ne3A_17 = arith.cmpi ne, %rem3A, %ne3A_16 : i32
    %and3A = arith.andi %ne3A, %ne3A_17 : i1
    %sub3A = arith.constant 1 : i32
    %sub3A_18 = arith.subi %div3A, %sub3A : i32
    %select_n3A = arith.select %and3A, %sub3A_18, %div3A : i32
    %jit3A_19 = arith.constant 64 : i32
    %eq3A = arith.constant 0 : i32
    %eq3A_20 = arith.cmpi eq, %jit3A_19, %eq3A : i32
    %jit3A_21 = arith.constant 1 : i32
    %select_n3A_22 = arith.select %eq3A_20, %jit3A_21, %jit3A_19 : i32
    %rem3A_23 = arith.remsi %mul3A_2, %select_n3A_22 : i32
    %ne3A_24 = arith.constant 0 : i32
    %ne3A_25 = arith.cmpi ne, %rem3A_23, %ne3A_24 : i32
    %lt3A = arith.constant 0 : i32
    %lt3A_26 = arith.cmpi slt, %rem3A_23, %lt3A : i32
    %lt3A_27 = arith.constant 0 : i32
    %lt3A_28 = arith.cmpi slt, %select_n3A_22, %lt3A_27 : i32
    %ne3A_29 = arith.xori %lt3A_26, %lt3A_28 : i1
    %and3A_30 = arith.andi %ne3A_29, %ne3A_25 : i1
    %add3A_31 = arith.addi %rem3A_23, %select_n3A_22 : i32
    %select_n3A_32 = arith.select %and3A_30, %add3A_31, %rem3A_23 : i32
    %mul3A_33 = arith.constant 256 : i32
    %mul3A_34 = arith.muli %select_n3A_32, %mul3A_33 : i32
    "tpu.region"() ({
      %run_scoped3A = tpu.sem_alloc : memref<!tpu.dma_semaphore, #tpu.memory_space<semaphore_mem>>
      %dma_start3A_44 = tpu.memref_slice %arg2[%select_n3A, %mul3A_34] : memref<50x16384xi32, #tpu.memory_space<hbm>> -> memref<1x256xi32, #tpu.memory_space<hbm>>
      %dma_start3A_45 = tpu.memref_squeeze %dma_start3A_44 : memref<1x256xi32, #tpu.memory_space<hbm>> -> memref<256xi32, #tpu.memory_space<hbm>>
      %dma_start3A_46 = tpu.memref_slice %arg2[%select_n3A, %mul3A_34] : memref<50x16384xi32, #tpu.memory_space<hbm>> -> memref<1x256xi32, #tpu.memory_space<hbm>>
      %dma_start3A_47 = tpu.memref_squeeze %dma_start3A_46 : memref<1x256xi32, #tpu.memory_space<hbm>> -> memref<256xi32, #tpu.memory_space<hbm>>
      tpu.enqueue_dma source(%dma_start3A_47 : memref<256xi32, #tpu.memory_space<hbm>>) target(%arg5 : memref<256xi32, #tpu.memory_space<vmem>>) target_semaphore(%run_scoped3A : memref<!tpu.dma_semaphore, #tpu.memory_space<semaphore_mem>>)
      %dma_wait3A = tpu.memref_slice %arg2[%select_n3A, %mul3A_34] : memref<50x16384xi32, #tpu.memory_space<hbm>> -> memref<1x256xi32, #tpu.memory_space<hbm>>
      %dma_wait3A_48 = tpu.memref_squeeze %dma_wait3A : memref<1x256xi32, #tpu.memory_space<hbm>> -> memref<256xi32, #tpu.memory_space<hbm>>
      %dma_wait3A_49 = tpu.memref_slice %arg2[%select_n3A, %mul3A_34] : memref<50x16384xi32, #tpu.memory_space<hbm>> -> memref<1x256xi32, #tpu.memory_space<hbm>>
      %dma_wait3A_50 = tpu.memref_squeeze %dma_wait3A_49 : memref<1x256xi32, #tpu.memory_space<hbm>> -> memref<256xi32, #tpu.memory_space<hbm>>
      tpu.wait_dma2 semaphore(%run_scoped3A : memref<!tpu.dma_semaphore, #tpu.memory_space<semaphore_mem>>) src(%dma_wait3A_50 : memref<256xi32, #tpu.memory_space<hbm>>) dst(%arg5 : memref<256xi32, #tpu.memory_space<vmem>>)
      tpu.yield
    }) : () -> ()
    %parallel_loop3A = arith.constant 0 : i32
    %parallel_loop3A_35 = arith.constant 16 : i32
    %parallel_loop3A_36 = arith.constant 1 : i32
    scf.for %parallel_loop3A_44 = %parallel_loop3A to %parallel_loop3A_35 step %parallel_loop3A_36  : i32 {
      %parallel_loop3A_45 = arith.constant 16 : i32
      %parallel_loop3A_46 = arith.muli %parallel_loop3A_44, %parallel_loop3A_45 : i32
      %parallel_loop3A_47 = arith.index_cast %parallel_loop3A_46 : i32 to index
      %parallel_loop3A_48 = tpu.vector_load %arg5[%parallel_loop3A_47] {strides = array<i32>} : memref<256xi32, #tpu.memory_space<vmem>>, vector<16xi32>,
      %parallel_loop3A_49 = arith.constant 2 : i32
      %parallel_loop3A_50 = vector.broadcast %parallel_loop3A_49 : i32 to vector<16xi32>
      %parallel_loop3A_51 = arith.shrui %parallel_loop3A_48, %parallel_loop3A_50 : vector<16xi32>
      %parallel_loop3A_52 = arith.constant 16 : i32
      %parallel_loop3A_53 = arith.muli %parallel_loop3A_44, %parallel_loop3A_52 : i32
      %parallel_loop3A_54 = arith.index_cast %parallel_loop3A_53 : i32 to index
      %parallel_loop3A_55 = tpu.vector_load %arg7[%parallel_loop3A_54] {strides = array<i32>} : memref<256xi32, #tpu.memory_space<vmem>>, vector<16xi32>,
      tpu.vector_store %arg7[%parallel_loop3A_54], %parallel_loop3A_51 {strides = array<i32>} : memref<256xi32, #tpu.memory_space<vmem>>, vector<16xi32>,
    } {sc.loop_unroll_factor = 1 : i64, sc.parallel_access}
    %dma_start3A = arith.constant 0 : i32
    %dma_start3A_37 = arith.constant 0 : i32
    %dma_start3A_38 = tpu.memref_slice %arg3[%dma_start3A, %dma_start3A_37] : memref<250000x128xf32, #tpu.memory_space<hbm>> -> memref<250000x128xf32, #tpu.memory_space<hbm>>
    tpu.enqueue_indirect_dma source(%dma_start3A_38 : memref<250000x128xf32, #tpu.memory_space<hbm>>) target(%arg9 : memref<256x128xf32, #tpu.memory_space<vmem>>) offsets(%arg7 : memref<256xi32, #tpu.memory_space<vmem>>) semaphore(%arg12 : memref<!tpu.dma_semaphore, #tpu.memory_space<semaphore_mem>>)
    %scan3A = arith.constant 0 : i32
    %scan3A_39 = arith.constant 0 : i32
    %scan3A_40 = arith.constant 50 : i32
    %scan3A_41 = arith.addi %scan3A_39, %scan3A_40 : i32
    %scan3A_42 = arith.constant 1 : i32
    scf.for %scan3A_44 = %scan3A_39 to %scan3A_41 step %scan3A_42  : i32 {
      %mul3A_45 = arith.constant 2 : i32
      %mul3A_46 = arith.muli %mul3A_45, %scan3A_44 : i32
      %add3A_47 = arith.addi %mul3A_2, %mul3A_46 : i32
      %add3A_48 = arith.constant 1 : i32
      %add3A_49 = arith.addi %add3A_47, %add3A_48 : i32
      %jit3A_50 = arith.constant 64 : i32
      %div3A_51 = arith.divsi %add3A_49, %jit3A_50 : i32
      %sign3A_52 = arith.constant 0 : i32
      %sign3A_53 = arith.cmpi sgt, %add3A_49, %sign3A_52 : i32
      %sign3A_54 = arith.extui %sign3A_53 : i1 to i32
      %sign3A_55 = arith.constant 0 : i32
      %sign3A_56 = arith.cmpi slt, %add3A_49, %sign3A_55 : i32
      %sign3A_57 = arith.extui %sign3A_56 : i1 to i32
      %sign3A_58 = arith.subi %sign3A_54, %sign3A_57 : i32
      %sign3A_59 = arith.constant 0 : i32
      %sign3A_60 = arith.cmpi sgt, %jit3A_50, %sign3A_59 : i32
      %sign3A_61 = arith.extui %sign3A_60 : i1 to i32
      %sign3A_62 = arith.constant 0 : i32
      %sign3A_63 = arith.cmpi slt, %jit3A_50, %sign3A_62 : i32
      %sign3A_64 = arith.extui %sign3A_63 : i1 to i32
      %sign3A_65 = arith.subi %sign3A_61, %sign3A_64 : i32
      %ne3A_66 = arith.cmpi ne, %sign3A_58, %sign3A_65 : i32
      %rem3A_67 = arith.remsi %add3A_49, %jit3A_50 : i32
      %ne3A_68 = arith.constant 0 : i32
      %ne3A_69 = arith.cmpi ne, %rem3A_67, %ne3A_68 : i32
      %and3A_70 = arith.andi %ne3A_66, %ne3A_69 : i1
      %sub3A_71 = arith.constant 1 : i32
      %sub3A_72 = arith.subi %div3A_51, %sub3A_71 : i32
      %select_n3A_73 = arith.select %and3A_70, %sub3A_72, %div3A_51 : i32
      %jit3A_74 = arith.constant 64 : i32
      %eq3A_75 = arith.constant 0 : i32
      %eq3A_76 = arith.cmpi eq, %jit3A_74, %eq3A_75 : i32
      %jit3A_77 = arith.constant 1 : i32
      %select_n3A_78 = arith.select %eq3A_76, %jit3A_77, %jit3A_74 : i32
      %rem3A_79 = arith.remsi %add3A_49, %select_n3A_78 : i32
      %ne3A_80 = arith.constant 0 : i32
      %ne3A_81 = arith.cmpi ne, %rem3A_79, %ne3A_80 : i32
      %lt3A_82 = arith.constant 0 : i32
      %lt3A_83 = arith.cmpi slt, %rem3A_79, %lt3A_82 : i32
      %lt3A_84 = arith.constant 0 : i32
      %lt3A_85 = arith.cmpi slt, %select_n3A_78, %lt3A_84 : i32
      %ne3A_86 = arith.xori %lt3A_83, %lt3A_85 : i1
      %and3A_87 = arith.andi %ne3A_86, %ne3A_81 : i1
      %add3A_88 = arith.addi %rem3A_79, %select_n3A_78 : i32
      %select_n3A_89 = arith.select %and3A_87, %add3A_88, %rem3A_79 : i32
      %mul3A_90 = arith.constant 256 : i32
      %mul3A_91 = arith.muli %select_n3A_89, %mul3A_90 : i32
      "tpu.region"() ({
        %run_scoped3A = tpu.sem_alloc : memref<!tpu.dma_semaphore, #tpu.memory_space<semaphore_mem>>
        %dma_start3A_202 = tpu.memref_slice %arg2[%select_n3A_73, %mul3A_91] : memref<50x16384xi32, #tpu.memory_space<hbm>> -> memref<1x256xi32, #tpu.memory_space<hbm>>
        %dma_start3A_203 = tpu.memref_squeeze %dma_start3A_202 : memref<1x256xi32, #tpu.memory_space<hbm>> -> memref<256xi32, #tpu.memory_space<hbm>>
        %dma_start3A_204 = tpu.memref_slice %arg2[%select_n3A_73, %mul3A_91] : memref<50x16384xi32, #tpu.memory_space<hbm>> -> memref<1x256xi32, #tpu.memory_space<hbm>>
        %dma_start3A_205 = tpu.memref_squeeze %dma_start3A_204 : memref<1x256xi32, #tpu.memory_space<hbm>> -> memref<256xi32, #tpu.memory_space<hbm>>
        tpu.enqueue_dma source(%dma_start3A_205 : memref<256xi32, #tpu.memory_space<hbm>>) target(%arg6 : memref<256xi32, #tpu.memory_space<vmem>>) target_semaphore(%run_scoped3A : memref<!tpu.dma_semaphore, #tpu.memory_space<semaphore_mem>>)
        %dma_wait3A_206 = tpu.memref_slice %arg2[%select_n3A_73, %mul3A_91] : memref<50x16384xi32, #tpu.memory_space<hbm>> -> memref<1x256xi32, #tpu.memory_space<hbm>>
        %dma_wait3A_207 = tpu.memref_squeeze %dma_wait3A_206 : memref<1x256xi32, #tpu.memory_space<hbm>> -> memref<256xi32, #tpu.memory_space<hbm>>
        %dma_wait3A_208 = tpu.memref_slice %arg2[%select_n3A_73, %mul3A_91] : memref<50x16384xi32, #tpu.memory_space<hbm>> -> memref<1x256xi32, #tpu.memory_space<hbm>>
        %dma_wait3A_209 = tpu.memref_squeeze %dma_wait3A_208 : memref<1x256xi32, #tpu.memory_space<hbm>> -> memref<256xi32, #tpu.memory_space<hbm>>
        tpu.wait_dma2 semaphore(%run_scoped3A : memref<!tpu.dma_semaphore, #tpu.memory_space<semaphore_mem>>) src(%dma_wait3A_209 : memref<256xi32, #tpu.memory_space<hbm>>) dst(%arg6 : memref<256xi32, #tpu.memory_space<vmem>>)
        tpu.yield
      }) : () -> ()
      %parallel_loop3A_92 = arith.constant 0 : i32
      %parallel_loop3A_93 = arith.constant 16 : i32
      %parallel_loop3A_94 = arith.constant 1 : i32
      scf.for %parallel_loop3A_202 = %parallel_loop3A_92 to %parallel_loop3A_93 step %parallel_loop3A_94  : i32 {
        %parallel_loop3A_203 = arith.constant 16 : i32
        %parallel_loop3A_204 = arith.muli %parallel_loop3A_202, %parallel_loop3A_203 : i32
        %parallel_loop3A_205 = arith.index_cast %parallel_loop3A_204 : i32 to index
        %parallel_loop3A_206 = tpu.vector_load %arg6[%parallel_loop3A_205] {strides = array<i32>} : memref<256xi32, #tpu.memory_space<vmem>>, vector<16xi32>,
        %parallel_loop3A_207 = arith.constant 2 : i32
        %parallel_loop3A_208 = vector.broadcast %parallel_loop3A_207 : i32 to vector<16xi32>
        %parallel_loop3A_209 = arith.shrui %parallel_loop3A_206, %parallel_loop3A_208 : vector<16xi32>
        %parallel_loop3A_210 = arith.constant 16 : i32
        %parallel_loop3A_211 = arith.muli %parallel_loop3A_202, %parallel_loop3A_210 : i32
        %parallel_loop3A_212 = arith.index_cast %parallel_loop3A_211 : i32 to index
        %parallel_loop3A_213 = tpu.vector_load %arg8[%parallel_loop3A_212] {strides = array<i32>} : memref<256xi32, #tpu.memory_space<vmem>>, vector<16xi32>,
        tpu.vector_store %arg8[%parallel_loop3A_212], %parallel_loop3A_209 {strides = array<i32>} : memref<256xi32, #tpu.memory_space<vmem>>, vector<16xi32>,
      } {sc.loop_unroll_factor = 1 : i64, sc.parallel_access}
      %dma_start3A_95 = arith.constant 0 : i32
      %dma_start3A_96 = arith.constant 0 : i32
      %dma_start3A_97 = tpu.memref_slice %arg3[%dma_start3A_95, %dma_start3A_96] : memref<250000x128xf32, #tpu.memory_space<hbm>> -> memref<250000x128xf32, #tpu.memory_space<hbm>>
      tpu.enqueue_indirect_dma source(%dma_start3A_97 : memref<250000x128xf32, #tpu.memory_space<hbm>>) target(%arg10 : memref<256x128xf32, #tpu.memory_space<vmem>>) offsets(%arg8 : memref<256xi32, #tpu.memory_space<vmem>>) semaphore(%arg13 : memref<!tpu.dma_semaphore, #tpu.memory_space<semaphore_mem>>)
      %jit3A_98 = arith.constant 64 : i32
      %div3A_99 = arith.divsi %add3A_47, %jit3A_98 : i32
      %sign3A_100 = arith.constant 0 : i32
      %sign3A_101 = arith.cmpi sgt, %add3A_47, %sign3A_100 : i32
      %sign3A_102 = arith.extui %sign3A_101 : i1 to i32
      %sign3A_103 = arith.constant 0 : i32
      %sign3A_104 = arith.cmpi slt, %add3A_47, %sign3A_103 : i32
      %sign3A_105 = arith.extui %sign3A_104 : i1 to i32
      %sign3A_106 = arith.subi %sign3A_102, %sign3A_105 : i32
      %sign3A_107 = arith.constant 0 : i32
      %sign3A_108 = arith.cmpi sgt, %jit3A_98, %sign3A_107 : i32
      %sign3A_109 = arith.extui %sign3A_108 : i1 to i32
      %sign3A_110 = arith.constant 0 : i32
      %sign3A_111 = arith.cmpi slt, %jit3A_98, %sign3A_110 : i32
      %sign3A_112 = arith.extui %sign3A_111 : i1 to i32
      %sign3A_113 = arith.subi %sign3A_109, %sign3A_112 : i32
      %ne3A_114 = arith.cmpi ne, %sign3A_106, %sign3A_113 : i32
      %rem3A_115 = arith.remsi %add3A_47, %jit3A_98 : i32
      %ne3A_116 = arith.constant 0 : i32
      %ne3A_117 = arith.cmpi ne, %rem3A_115, %ne3A_116 : i32
      %and3A_118 = arith.andi %ne3A_114, %ne3A_117 : i1
      %sub3A_119 = arith.constant 1 : i32
      %sub3A_120 = arith.subi %div3A_99, %sub3A_119 : i32
      %select_n3A_121 = arith.select %and3A_118, %sub3A_120, %div3A_99 : i32
      %jit3A_122 = arith.constant 64 : i32
      %eq3A_123 = arith.constant 0 : i32
      %eq3A_124 = arith.cmpi eq, %jit3A_122, %eq3A_123 : i32
      %jit3A_125 = arith.constant 1 : i32
      %select_n3A_126 = arith.select %eq3A_124, %jit3A_125, %jit3A_122 : i32
      %rem3A_127 = arith.remsi %add3A_47, %select_n3A_126 : i32
      %ne3A_128 = arith.constant 0 : i32
      %ne3A_129 = arith.cmpi ne, %rem3A_127, %ne3A_128 : i32
      %lt3A_130 = arith.constant 0 : i32
      %lt3A_131 = arith.cmpi slt, %rem3A_127, %lt3A_130 : i32
      %lt3A_132 = arith.constant 0 : i32
      %lt3A_133 = arith.cmpi slt, %select_n3A_126, %lt3A_132 : i32
      %ne3A_134 = arith.xori %lt3A_131, %lt3A_133 : i1
      %and3A_135 = arith.andi %ne3A_134, %ne3A_129 : i1
      %add3A_136 = arith.addi %rem3A_127, %select_n3A_126 : i32
      %select_n3A_137 = arith.select %and3A_135, %add3A_136, %rem3A_127 : i32
      %mul3A_138 = arith.constant 256 : i32
      %mul3A_139 = arith.muli %select_n3A_137, %mul3A_138 : i32
      %dma_wait3A = arith.constant 0 : i32
      %dma_wait3A_140 = arith.constant 0 : i32
      %dma_wait3A_141 = tpu.memref_slice %arg3[%dma_wait3A, %dma_wait3A_140] : memref<250000x128xf32, #tpu.memory_space<hbm>> -> memref<250000x128xf32, #tpu.memory_space<hbm>>
      tpu.wait_indirect_dma semaphore(%arg12 : memref<!tpu.dma_semaphore, #tpu.memory_space<semaphore_mem>>) src(%dma_wait3A_141 : memref<250000x128xf32, #tpu.memory_space<hbm>>) dst(%arg9 : memref<256x128xf32, #tpu.memory_space<vmem>>)
      %parallel_loop3A_142 = arith.constant 0 : i32
      %parallel_loop3A_143 = arith.constant 16 : i32
      %parallel_loop3A_144 = arith.constant 1 : i32
      scf.for %parallel_loop3A_202 = %parallel_loop3A_142 to %parallel_loop3A_143 step %parallel_loop3A_144  : i32 {
        %parallel_loop3A_203 = arith.constant 16 : i32
        %parallel_loop3A_204 = arith.muli %parallel_loop3A_202, %parallel_loop3A_203 : i32
        %parallel_loop3A_205 = vector.broadcast %parallel_loop3A_204 : i32 to vector<16xi32>
        %parallel_loop3A_206 = arith.addi %iota3A, %parallel_loop3A_205 : vector<16xi32>
        %parallel_loop3A_207 = arith.constant 16 : i32
        %parallel_loop3A_208 = arith.muli %parallel_loop3A_202, %parallel_loop3A_207 : i32
        %parallel_loop3A_209 = arith.index_cast %parallel_loop3A_208 : i32 to index
        %parallel_loop3A_210 = tpu.vector_load %arg5[%parallel_loop3A_209] {strides = array<i32>} : memref<256xi32, #tpu.memory_space<vmem>>, vector<16xi32>,
        %parallel_loop3A_211 = arith.constant 3 : i32
        %parallel_loop3A_212 = vector.broadcast %parallel_loop3A_211 : i32 to vector<16xi32>
        %parallel_loop3A_213 = arith.andi %parallel_loop3A_210, %parallel_loop3A_212 : vector<16xi32>
        %parallel_loop3A_214 = arith.constant 32 : i32
        %parallel_loop3A_215 = vector.broadcast %parallel_loop3A_214 : i32 to vector<16xi32>
        %parallel_loop3A_216 = arith.muli %parallel_loop3A_213, %parallel_loop3A_215 : vector<16xi32>
        %parallel_loop3A_217 = arith.constant 0 : i32
        %parallel_loop3A_218 = vector.broadcast %parallel_loop3A_217 : i32 to vector<16xi32>
        %parallel_loop3A_219 = arith.addi %parallel_loop3A_216, %parallel_loop3A_218 : vector<16xi32>
        %parallel_loop3A_220 = tpu.vector_load_idx %arg9[%parallel_loop3A_206, %parallel_loop3A_219] : memref<256x128xf32, #tpu.memory_space<vmem>>[vector<16xi32>, vector<16xi32>], vector<16xf32>,
        %parallel_loop3A_221 = arith.constant 16 : i32
        %parallel_loop3A_222 = arith.muli %parallel_loop3A_202, %parallel_loop3A_221 : i32
        %parallel_loop3A_223 = arith.constant 0 : i32
        %parallel_loop3A_224 = arith.index_cast %parallel_loop3A_223 : i32 to index
        %parallel_loop3A_225 = arith.index_cast %parallel_loop3A_222 : i32 to index
        %parallel_loop3A_226 = tpu.vector_load %arg11[%parallel_loop3A_224, %parallel_loop3A_225] {strides = array<i32>} : memref<32x256xf32, #tpu.memory_space<vmem>>, vector<16xf32>,
        tpu.vector_store %arg11[%parallel_loop3A_224, %parallel_loop3A_225], %parallel_loop3A_220 {strides = array<i32>} : memref<32x256xf32, #tpu.memory_space<vmem>>, vector<16xf32>,
        %parallel_loop3A_227 = arith.constant 1 : i32
        %parallel_loop3A_228 = vector.broadcast %parallel_loop3A_227 : i32 to vector<16xi32>
        %parallel_loop3A_229 = arith.addi %parallel_loop3A_216, %parallel_loop3A_228 : vector<16xi32>
        %parallel_loop3A_230 = tpu.vector_load_idx %arg9[%parallel_loop3A_206, %parallel_loop3A_229] : memref<256x128xf32, #tpu.memory_space<vmem>>[vector<16xi32>, vector<16xi32>], vector<16xf32>,
        %parallel_loop3A_231 = arith.constant 16 : i32
        %parallel_loop3A_232 = arith.muli %parallel_loop3A_202, %parallel_loop3A_231 : i32
        %parallel_loop3A_233 = arith.constant 1 : i32
        %parallel_loop3A_234 = arith.index_cast %parallel_loop3A_233 : i32 to index
        %parallel_loop3A_235 = arith.index_cast %parallel_loop3A_232 : i32 to index
        %parallel_loop3A_236 = tpu.vector_load %arg11[%parallel_loop3A_234, %parallel_loop3A_235] {strides = array<i32>} : memref<32x256xf32, #tpu.memory_space<vmem>>, vector<16xf32>,
        tpu.vector_store %arg11[%parallel_loop3A_234, %parallel_loop3A_235], %parallel_loop3A_230 {strides = array<i32>} : memref<32x256xf32, #tpu.memory_space<vmem>>, vector<16xf32>,
        %parallel_loop3A_237 = arith.constant 2 : i32
        %parallel_loop3A_238 = vector.broadcast %parallel_loop3A_237 : i32 to vector<16xi32>
        %parallel_loop3A_239 = arith.addi %parallel_loop3A_216, %parallel_loop3A_238 : vector<16xi32>
        %parallel_loop3A_240 = tpu.vector_load_idx %arg9[%parallel_loop3A_206, %parallel_loop3A_239] : memref<256x128xf32, #tpu.memory_space<vmem>>[vector<16xi32>, vector<16xi32>], vector<16xf32>,
        %parallel_loop3A_241 = arith.constant 16 : i32
        %parallel_loop3A_242 = arith.muli %parallel_loop3A_202, %parallel_loop3A_241 : i32
        %parallel_loop3A_243 = arith.constant 2 : i32
        %parallel_loop3A_244 = arith.index_cast %parallel_loop3A_243 : i32 to index
        %parallel_loop3A_245 = arith.index_cast %parallel_loop3A_242 : i32 to index
        %parallel_loop3A_246 = tpu.vector_load %arg11[%parallel_loop3A_244, %parallel_loop3A_245] {strides = array<i32>} : memref<32x256xf32, #tpu.memory_space<vmem>>, vector<16xf32>,
        tpu.vector_store %arg11[%parallel_loop3A_244, %parallel_loop3A_245], %parallel_loop3A_240 {strides = array<i32>} : memref<32x256xf32, #tpu.memory_space<vmem>>, vector<16xf32>,
        %parallel_loop3A_247 = arith.constant 3 : i32
        %parallel_loop3A_248 = vector.broadcast %parallel_loop3A_247 : i32 to vector<16xi32>
        %parallel_loop3A_249 = arith.addi %parallel_loop3A_216, %parallel_loop3A_248 : vector<16xi32>
        %parallel_loop3A_250 = tpu.vector_load_idx %arg9[%parallel_loop3A_206, %parallel_loop3A_249] : memref<256x128xf32, #tpu.memory_space<vmem>>[vector<16xi32>, vector<16xi32>], vector<16xf32>,
        %parallel_loop3A_251 = arith.constant 16 : i32
        %parallel_loop3A_252 = arith.muli %parallel_loop3A_202, %parallel_loop3A_251 : i32
        %parallel_loop3A_253 = arith.constant 3 : i32
        %parallel_loop3A_254 = arith.index_cast %parallel_loop3A_253 : i32 to index
        %parallel_loop3A_255 = arith.index_cast %parallel_loop3A_252 : i32 to index
        %parallel_loop3A_256 = tpu.vector_load %arg11[%parallel_loop3A_254, %parallel_loop3A_255] {strides = array<i32>} : memref<32x256xf32, #tpu.memory_space<vmem>>, vector<16xf32>,
        tpu.vector_store %arg11[%parallel_loop3A_254, %parallel_loop3A_255], %parallel_loop3A_250 {strides = array<i32>} : memref<32x256xf32, #tpu.memory_space<vmem>>, vector<16xf32>,
        %parallel_loop3A_257 = arith.constant 4 : i32
        %parallel_loop3A_258 = vector.broadcast %parallel_loop3A_257 : i32 to vector<16xi32>
        %parallel_loop3A_259 = arith.addi %parallel_loop3A_216, %parallel_loop3A_258 : vector<16xi32>
        %parallel_loop3A_260 = tpu.vector_load_idx %arg9[%parallel_loop3A_206, %parallel_loop3A_259] : memref<256x128xf32, #tpu.memory_space<vmem>>[vector<16xi32>, vector<16xi32>], vector<16xf32>,
        %parallel_loop3A_261 = arith.constant 16 : i32
        %parallel_loop3A_262 = arith.muli %parallel_loop3A_202, %parallel_loop3A_261 : i32
        %parallel_loop3A_263 = arith.constant 4 : i32
        %parallel_loop3A_264 = arith.index_cast %parallel_loop3A_263 : i32 to index
        %parallel_loop3A_265 = arith.index_cast %parallel_loop3A_262 : i32 to index
        %parallel_loop3A_266 = tpu.vector_load %arg11[%parallel_loop3A_264, %parallel_loop3A_265] {strides = array<i32>} : memref<32x256xf32, #tpu.memory_space<vmem>>, vector<16xf32>,
        tpu.vector_store %arg11[%parallel_loop3A_264, %parallel_loop3A_265], %parallel_loop3A_260 {strides = array<i32>} : memref<32x256xf32, #tpu.memory_space<vmem>>, vector<16xf32>,
        %parallel_loop3A_267 = arith.constant 5 : i32
        %parallel_loop3A_268 = vector.broadcast %parallel_loop3A_267 : i32 to vector<16xi32>
        %parallel_loop3A_269 = arith.addi %parallel_loop3A_216, %parallel_loop3A_268 : vector<16xi32>
        %parallel_loop3A_270 = tpu.vector_load_idx %arg9[%parallel_loop3A_206, %parallel_loop3A_269] : memref<256x128xf32, #tpu.memory_space<vmem>>[vector<16xi32>, vector<16xi32>], vector<16xf32>,
        %parallel_loop3A_271 = arith.constant 16 : i32
        %parallel_loop3A_272 = arith.muli %parallel_loop3A_202, %parallel_loop3A_271 : i32
        %parallel_loop3A_273 = arith.constant 5 : i32
        %parallel_loop3A_274 = arith.index_cast %parallel_loop3A_273 : i32 to index
        %parallel_loop3A_275 = arith.index_cast %parallel_loop3A_272 : i32 to index
        %parallel_loop3A_276 = tpu.vector_load %arg11[%parallel_loop3A_274, %parallel_loop3A_275] {strides = array<i32>} : memref<32x256xf32, #tpu.memory_space<vmem>>, vector<16xf32>,
        tpu.vector_store %arg11[%parallel_loop3A_274, %parallel_loop3A_275], %parallel_loop3A_270 {strides = array<i32>} : memref<32x256xf32, #tpu.memory_space<vmem>>, vector<16xf32>,
        %parallel_loop3A_277 = arith.constant 6 : i32
        %parallel_loop3A_278 = vector.broadcast %parallel_loop3A_277 : i32 to vector<16xi32>
        %parallel_loop3A_279 = arith.addi %parallel_loop3A_216, %parallel_loop3A_278 : vector<16xi32>
        %parallel_loop3A_280 = tpu.vector_load_idx %arg9[%parallel_loop3A_206, %parallel_loop3A_279] : memref<256x128xf32, #tpu.memory_space<vmem>>[vector<16xi32>, vector<16xi32>], vector<16xf32>,
        %parallel_loop3A_281 = arith.constant 16 : i32
        %parallel_loop3A_282 = arith.muli %parallel_loop3A_202, %parallel_loop3A_281 : i32
        %parallel_loop3A_283 = arith.constant 6 : i32
        %parallel_loop3A_284 = arith.index_cast %parallel_loop3A_283 : i32 to index
        %parallel_loop3A_285 = arith.index_cast %parallel_loop3A_282 : i32 to index
        %parallel_loop3A_286 = tpu.vector_load %arg11[%parallel_loop3A_284, %parallel_loop3A_285] {strides = array<i32>} : memref<32x256xf32, #tpu.memory_space<vmem>>, vector<16xf32>,
        tpu.vector_store %arg11[%parallel_loop3A_284, %parallel_loop3A_285], %parallel_loop3A_280 {strides = array<i32>} : memref<32x256xf32, #tpu.memory_space<vmem>>, vector<16xf32>,
        %parallel_loop3A_287 = arith.constant 7 : i32
        %parallel_loop3A_288 = vector.broadcast %parallel_loop3A_287 : i32 to vector<16xi32>
        %parallel_loop3A_289 = arith.addi %parallel_loop3A_216, %parallel_loop3A_288 : vector<16xi32>
        %parallel_loop3A_290 = tpu.vector_load_idx %arg9[%parallel_loop3A_206, %parallel_loop3A_289] : memref<256x128xf32, #tpu.memory_space<vmem>>[vector<16xi32>, vector<16xi32>], vector<16xf32>,
        %parallel_loop3A_291 = arith.constant 16 : i32
        %parallel_loop3A_292 = arith.muli %parallel_loop3A_202, %parallel_loop3A_291 : i32
        %parallel_loop3A_293 = arith.constant 7 : i32
        %parallel_loop3A_294 = arith.index_cast %parallel_loop3A_293 : i32 to index
        %parallel_loop3A_295 = arith.index_cast %parallel_loop3A_292 : i32 to index
        %parallel_loop3A_296 = tpu.vector_load %arg11[%parallel_loop3A_294, %parallel_loop3A_295] {strides = array<i32>} : memref<32x256xf32, #tpu.memory_space<vmem>>, vector<16xf32>,
        tpu.vector_store %arg11[%parallel_loop3A_294, %parallel_loop3A_295], %parallel_loop3A_290 {strides = array<i32>} : memref<32x256xf32, #tpu.memory_space<vmem>>, vector<16xf32>,
        %parallel_loop3A_297 = arith.constant 8 : i32
        %parallel_loop3A_298 = vector.broadcast %parallel_loop3A_297 : i32 to vector<16xi32>
        %parallel_loop3A_299 = arith.addi %parallel_loop3A_216, %parallel_loop3A_298 : vector<16xi32>
        %parallel_loop3A_300 = tpu.vector_load_idx %arg9[%parallel_loop3A_206, %parallel_loop3A_299] : memref<256x128xf32, #tpu.memory_space<vmem>>[vector<16xi32>, vector<16xi32>], vector<16xf32>,
        %parallel_loop3A_301 = arith.constant 16 : i32
        %parallel_loop3A_302 = arith.muli %parallel_loop3A_202, %parallel_loop3A_301 : i32
        %parallel_loop3A_303 = arith.constant 8 : i32
        %parallel_loop3A_304 = arith.index_cast %parallel_loop3A_303 : i32 to index
        %parallel_loop3A_305 = arith.index_cast %parallel_loop3A_302 : i32 to index
        %parallel_loop3A_306 = tpu.vector_load %arg11[%parallel_loop3A_304, %parallel_loop3A_305] {strides = array<i32>} : memref<32x256xf32, #tpu.memory_space<vmem>>, vector<16xf32>,
        tpu.vector_store %arg11[%parallel_loop3A_304, %parallel_loop3A_305], %parallel_loop3A_300 {strides = array<i32>} : memref<32x256xf32, #tpu.memory_space<vmem>>, vector<16xf32>,
        %parallel_loop3A_307 = arith.constant 9 : i32
        %parallel_loop3A_308 = vector.broadcast %parallel_loop3A_307 : i32 to vector<16xi32>
        %parallel_loop3A_309 = arith.addi %parallel_loop3A_216, %parallel_loop3A_308 : vector<16xi32>
        %parallel_loop3A_310 = tpu.vector_load_idx %arg9[%parallel_loop3A_206, %parallel_loop3A_309] : memref<256x128xf32, #tpu.memory_space<vmem>>[vector<16xi32>, vector<16xi32>], vector<16xf32>,
        %parallel_loop3A_311 = arith.constant 16 : i32
        %parallel_loop3A_312 = arith.muli %parallel_loop3A_202, %parallel_loop3A_311 : i32
        %parallel_loop3A_313 = arith.constant 9 : i32
        %parallel_loop3A_314 = arith.index_cast %parallel_loop3A_313 : i32 to index
        %parallel_loop3A_315 = arith.index_cast %parallel_loop3A_312 : i32 to index
        %parallel_loop3A_316 = tpu.vector_load %arg11[%parallel_loop3A_314, %parallel_loop3A_315] {strides = array<i32>} : memref<32x256xf32, #tpu.memory_space<vmem>>, vector<16xf32>,
        tpu.vector_store %arg11[%parallel_loop3A_314, %parallel_loop3A_315], %parallel_loop3A_310 {strides = array<i32>} : memref<32x256xf32, #tpu.memory_space<vmem>>, vector<16xf32>,
        %parallel_loop3A_317 = arith.constant 10 : i32
        %parallel_loop3A_318 = vector.broadcast %parallel_loop3A_317 : i32 to vector<16xi32>
        %parallel_loop3A_319 = arith.addi %parallel_loop3A_216, %parallel_loop3A_318 : vector<16xi32>
        %parallel_loop3A_320 = tpu.vector_load_idx %arg9[%parallel_loop3A_206, %parallel_loop3A_319] : memref<256x128xf32, #tpu.memory_space<vmem>>[vector<16xi32>, vector<16xi32>], vector<16xf32>,
        %parallel_loop3A_321 = arith.constant 16 : i32
        %parallel_loop3A_322 = arith.muli %parallel_loop3A_202, %parallel_loop3A_321 : i32
        %parallel_loop3A_323 = arith.constant 10 : i32
        %parallel_loop3A_324 = arith.index_cast %parallel_loop3A_323 : i32 to index
        %parallel_loop3A_325 = arith.index_cast %parallel_loop3A_322 : i32 to index
        %parallel_loop3A_326 = tpu.vector_load %arg11[%parallel_loop3A_324, %parallel_loop3A_325] {strides = array<i32>} : memref<32x256xf32, #tpu.memory_space<vmem>>, vector<16xf32>,
        tpu.vector_store %arg11[%parallel_loop3A_324, %parallel_loop3A_325], %parallel_loop3A_320 {strides = array<i32>} : memref<32x256xf32, #tpu.memory_space<vmem>>, vector<16xf32>,
        %parallel_loop3A_327 = arith.constant 11 : i32
        %parallel_loop3A_328 = vector.broadcast %parallel_loop3A_327 : i32 to vector<16xi32>
        %parallel_loop3A_329 = arith.addi %parallel_loop3A_216, %parallel_loop3A_328 : vector<16xi32>
        %parallel_loop3A_330 = tpu.vector_load_idx %arg9[%parallel_loop3A_206, %parallel_loop3A_329] : memref<256x128xf32, #tpu.memory_space<vmem>>[vector<16xi32>, vector<16xi32>], vector<16xf32>,
        %parallel_loop3A_331 = arith.constant 16 : i32
        %parallel_loop3A_332 = arith.muli %parallel_loop3A_202, %parallel_loop3A_331 : i32
        %parallel_loop3A_333 = arith.constant 11 : i32
        %parallel_loop3A_334 = arith.index_cast %parallel_loop3A_333 : i32 to index
        %parallel_loop3A_335 = arith.index_cast %parallel_loop3A_332 : i32 to index
        %parallel_loop3A_336 = tpu.vector_load %arg11[%parallel_loop3A_334, %parallel_loop3A_335] {strides = array<i32>} : memref<32x256xf32, #tpu.memory_space<vmem>>, vector<16xf32>,
        tpu.vector_store %arg11[%parallel_loop3A_334, %parallel_loop3A_335], %parallel_loop3A_330 {strides = array<i32>} : memref<32x256xf32, #tpu.memory_space<vmem>>, vector<16xf32>,
        %parallel_loop3A_337 = arith.constant 12 : i32
        %parallel_loop3A_338 = vector.broadcast %parallel_loop3A_337 : i32 to vector<16xi32>
        %parallel_loop3A_339 = arith.addi %parallel_loop3A_216, %parallel_loop3A_338 : vector<16xi32>
        %parallel_loop3A_340 = tpu.vector_load_idx %arg9[%parallel_loop3A_206, %parallel_loop3A_339] : memref<256x128xf32, #tpu.memory_space<vmem>>[vector<16xi32>, vector<16xi32>], vector<16xf32>,
        %parallel_loop3A_341 = arith.constant 16 : i32
        %parallel_loop3A_342 = arith.muli %parallel_loop3A_202, %parallel_loop3A_341 : i32
        %parallel_loop3A_343 = arith.constant 12 : i32
        %parallel_loop3A_344 = arith.index_cast %parallel_loop3A_343 : i32 to index
        %parallel_loop3A_345 = arith.index_cast %parallel_loop3A_342 : i32 to index
        %parallel_loop3A_346 = tpu.vector_load %arg11[%parallel_loop3A_344, %parallel_loop3A_345] {strides = array<i32>} : memref<32x256xf32, #tpu.memory_space<vmem>>, vector<16xf32>,
        tpu.vector_store %arg11[%parallel_loop3A_344, %parallel_loop3A_345], %parallel_loop3A_340 {strides = array<i32>} : memref<32x256xf32, #tpu.memory_space<vmem>>, vector<16xf32>,
        %parallel_loop3A_347 = arith.constant 13 : i32
        %parallel_loop3A_348 = vector.broadcast %parallel_loop3A_347 : i32 to vector<16xi32>
        %parallel_loop3A_349 = arith.addi %parallel_loop3A_216, %parallel_loop3A_348 : vector<16xi32>
        %parallel_loop3A_350 = tpu.vector_load_idx %arg9[%parallel_loop3A_206, %parallel_loop3A_349] : memref<256x128xf32, #tpu.memory_space<vmem>>[vector<16xi32>, vector<16xi32>], vector<16xf32>,
        %parallel_loop3A_351 = arith.constant 16 : i32
        %parallel_loop3A_352 = arith.muli %parallel_loop3A_202, %parallel_loop3A_351 : i32
        %parallel_loop3A_353 = arith.constant 13 : i32
        %parallel_loop3A_354 = arith.index_cast %parallel_loop3A_353 : i32 to index
        %parallel_loop3A_355 = arith.index_cast %parallel_loop3A_352 : i32 to index
        %parallel_loop3A_356 = tpu.vector_load %arg11[%parallel_loop3A_354, %parallel_loop3A_355] {strides = array<i32>} : memref<32x256xf32, #tpu.memory_space<vmem>>, vector<16xf32>,
        tpu.vector_store %arg11[%parallel_loop3A_354, %parallel_loop3A_355], %parallel_loop3A_350 {strides = array<i32>} : memref<32x256xf32, #tpu.memory_space<vmem>>, vector<16xf32>,
        %parallel_loop3A_357 = arith.constant 14 : i32
        %parallel_loop3A_358 = vector.broadcast %parallel_loop3A_357 : i32 to vector<16xi32>
        %parallel_loop3A_359 = arith.addi %parallel_loop3A_216, %parallel_loop3A_358 : vector<16xi32>
        %parallel_loop3A_360 = tpu.vector_load_idx %arg9[%parallel_loop3A_206, %parallel_loop3A_359] : memref<256x128xf32, #tpu.memory_space<vmem>>[vector<16xi32>, vector<16xi32>], vector<16xf32>,
        %parallel_loop3A_361 = arith.constant 16 : i32
        %parallel_loop3A_362 = arith.muli %parallel_loop3A_202, %parallel_loop3A_361 : i32
        %parallel_loop3A_363 = arith.constant 14 : i32
        %parallel_loop3A_364 = arith.index_cast %parallel_loop3A_363 : i32 to index
        %parallel_loop3A_365 = arith.index_cast %parallel_loop3A_362 : i32 to index
        %parallel_loop3A_366 = tpu.vector_load %arg11[%parallel_loop3A_364, %parallel_loop3A_365] {strides = array<i32>} : memref<32x256xf32, #tpu.memory_space<vmem>>, vector<16xf32>,
        tpu.vector_store %arg11[%parallel_loop3A_364, %parallel_loop3A_365], %parallel_loop3A_360 {strides = array<i32>} : memref<32x256xf32, #tpu.memory_space<vmem>>, vector<16xf32>,
        %parallel_loop3A_367 = arith.constant 15 : i32
        %parallel_loop3A_368 = vector.broadcast %parallel_loop3A_367 : i32 to vector<16xi32>
        %parallel_loop3A_369 = arith.addi %parallel_loop3A_216, %parallel_loop3A_368 : vector<16xi32>
        %parallel_loop3A_370 = tpu.vector_load_idx %arg9[%parallel_loop3A_206, %parallel_loop3A_369] : memref<256x128xf32, #tpu.memory_space<vmem>>[vector<16xi32>, vector<16xi32>], vector<16xf32>,
        %parallel_loop3A_371 = arith.constant 16 : i32
        %parallel_loop3A_372 = arith.muli %parallel_loop3A_202, %parallel_loop3A_371 : i32
        %parallel_loop3A_373 = arith.constant 15 : i32
        %parallel_loop3A_374 = arith.index_cast %parallel_loop3A_373 : i32 to index
        %parallel_loop3A_375 = arith.index_cast %parallel_loop3A_372 : i32 to index
        %parallel_loop3A_376 = tpu.vector_load %arg11[%parallel_loop3A_374, %parallel_loop3A_375] {strides = array<i32>} : memref<32x256xf32, #tpu.memory_space<vmem>>, vector<16xf32>,
        tpu.vector_store %arg11[%parallel_loop3A_374, %parallel_loop3A_375], %parallel_loop3A_370 {strides = array<i32>} : memref<32x256xf32, #tpu.memory_space<vmem>>, vector<16xf32>,
        %parallel_loop3A_377 = arith.constant 16 : i32
        %parallel_loop3A_378 = vector.broadcast %parallel_loop3A_377 : i32 to vector<16xi32>
        %parallel_loop3A_379 = arith.addi %parallel_loop3A_216, %parallel_loop3A_378 : vector<16xi32>
        %parallel_loop3A_380 = tpu.vector_load_idx %arg9[%parallel_loop3A_206, %parallel_loop3A_379] : memref<256x128xf32, #tpu.memory_space<vmem>>[vector<16xi32>, vector<16xi32>], vector<16xf32>,
        %parallel_loop3A_381 = arith.constant 16 : i32
        %parallel_loop3A_382 = arith.muli %parallel_loop3A_202, %parallel_loop3A_381 : i32
        %parallel_loop3A_383 = arith.constant 16 : i32
        %parallel_loop3A_384 = arith.index_cast %parallel_loop3A_383 : i32 to index
        %parallel_loop3A_385 = arith.index_cast %parallel_loop3A_382 : i32 to index
        %parallel_loop3A_386 = tpu.vector_load %arg11[%parallel_loop3A_384, %parallel_loop3A_385] {strides = array<i32>} : memref<32x256xf32, #tpu.memory_space<vmem>>, vector<16xf32>,
        tpu.vector_store %arg11[%parallel_loop3A_384, %parallel_loop3A_385], %parallel_loop3A_380 {strides = array<i32>} : memref<32x256xf32, #tpu.memory_space<vmem>>, vector<16xf32>,
        %parallel_loop3A_387 = arith.constant 17 : i32
        %parallel_loop3A_388 = vector.broadcast %parallel_loop3A_387 : i32 to vector<16xi32>
        %parallel_loop3A_389 = arith.addi %parallel_loop3A_216, %parallel_loop3A_388 : vector<16xi32>
        %parallel_loop3A_390 = tpu.vector_load_idx %arg9[%parallel_loop3A_206, %parallel_loop3A_389] : memref<256x128xf32, #tpu.memory_space<vmem>>[vector<16xi32>, vector<16xi32>], vector<16xf32>,
        %parallel_loop3A_391 = arith.constant 16 : i32
        %parallel_loop3A_392 = arith.muli %parallel_loop3A_202, %parallel_loop3A_391 : i32
        %parallel_loop3A_393 = arith.constant 17 : i32
        %parallel_loop3A_394 = arith.index_cast %parallel_loop3A_393 : i32 to index
        %parallel_loop3A_395 = arith.index_cast %parallel_loop3A_392 : i32 to index
        %parallel_loop3A_396 = tpu.vector_load %arg11[%parallel_loop3A_394, %parallel_loop3A_395] {strides = array<i32>} : memref<32x256xf32, #tpu.memory_space<vmem>>, vector<16xf32>,
        tpu.vector_store %arg11[%parallel_loop3A_394, %parallel_loop3A_395], %parallel_loop3A_390 {strides = array<i32>} : memref<32x256xf32, #tpu.memory_space<vmem>>, vector<16xf32>,
        %parallel_loop3A_397 = arith.constant 18 : i32
        %parallel_loop3A_398 = vector.broadcast %parallel_loop3A_397 : i32 to vector<16xi32>
        %parallel_loop3A_399 = arith.addi %parallel_loop3A_216, %parallel_loop3A_398 : vector<16xi32>
        %parallel_loop3A_400 = tpu.vector_load_idx %arg9[%parallel_loop3A_206, %parallel_loop3A_399] : memref<256x128xf32, #tpu.memory_space<vmem>>[vector<16xi32>, vector<16xi32>], vector<16xf32>,
        %parallel_loop3A_401 = arith.constant 16 : i32
        %parallel_loop3A_402 = arith.muli %parallel_loop3A_202, %parallel_loop3A_401 : i32
        %parallel_loop3A_403 = arith.constant 18 : i32
        %parallel_loop3A_404 = arith.index_cast %parallel_loop3A_403 : i32 to index
        %parallel_loop3A_405 = arith.index_cast %parallel_loop3A_402 : i32 to index
        %parallel_loop3A_406 = tpu.vector_load %arg11[%parallel_loop3A_404, %parallel_loop3A_405] {strides = array<i32>} : memref<32x256xf32, #tpu.memory_space<vmem>>, vector<16xf32>,
        tpu.vector_store %arg11[%parallel_loop3A_404, %parallel_loop3A_405], %parallel_loop3A_400 {strides = array<i32>} : memref<32x256xf32, #tpu.memory_space<vmem>>, vector<16xf32>,
        %parallel_loop3A_407 = arith.constant 19 : i32
        %parallel_loop3A_408 = vector.broadcast %parallel_loop3A_407 : i32 to vector<16xi32>
        %parallel_loop3A_409 = arith.addi %parallel_loop3A_216, %parallel_loop3A_408 : vector<16xi32>
        %parallel_loop3A_410 = tpu.vector_load_idx %arg9[%parallel_loop3A_206, %parallel_loop3A_409] : memref<256x128xf32, #tpu.memory_space<vmem>>[vector<16xi32>, vector<16xi32>], vector<16xf32>,
        %parallel_loop3A_411 = arith.constant 16 : i32
        %parallel_loop3A_412 = arith.muli %parallel_loop3A_202, %parallel_loop3A_411 : i32
        %parallel_loop3A_413 = arith.constant 19 : i32
        %parallel_loop3A_414 = arith.index_cast %parallel_loop3A_413 : i32 to index
        %parallel_loop3A_415 = arith.index_cast %parallel_loop3A_412 : i32 to index
        %parallel_loop3A_416 = tpu.vector_load %arg11[%parallel_loop3A_414, %parallel_loop3A_415] {strides = array<i32>} : memref<32x256xf32, #tpu.memory_space<vmem>>, vector<16xf32>,
        tpu.vector_store %arg11[%parallel_loop3A_414, %parallel_loop3A_415], %parallel_loop3A_410 {strides = array<i32>} : memref<32x256xf32, #tpu.memory_space<vmem>>, vector<16xf32>,
        %parallel_loop3A_417 = arith.constant 20 : i32
        %parallel_loop3A_418 = vector.broadcast %parallel_loop3A_417 : i32 to vector<16xi32>
        %parallel_loop3A_419 = arith.addi %parallel_loop3A_216, %parallel_loop3A_418 : vector<16xi32>
        %parallel_loop3A_420 = tpu.vector_load_idx %arg9[%parallel_loop3A_206, %parallel_loop3A_419] : memref<256x128xf32, #tpu.memory_space<vmem>>[vector<16xi32>, vector<16xi32>], vector<16xf32>,
        %parallel_loop3A_421 = arith.constant 16 : i32
        %parallel_loop3A_422 = arith.muli %parallel_loop3A_202, %parallel_loop3A_421 : i32
        %parallel_loop3A_423 = arith.constant 20 : i32
        %parallel_loop3A_424 = arith.index_cast %parallel_loop3A_423 : i32 to index
        %parallel_loop3A_425 = arith.index_cast %parallel_loop3A_422 : i32 to index
        %parallel_loop3A_426 = tpu.vector_load %arg11[%parallel_loop3A_424, %parallel_loop3A_425] {strides = array<i32>} : memref<32x256xf32, #tpu.memory_space<vmem>>, vector<16xf32>,
        tpu.vector_store %arg11[%parallel_loop3A_424, %parallel_loop3A_425], %parallel_loop3A_420 {strides = array<i32>} : memref<32x256xf32, #tpu.memory_space<vmem>>, vector<16xf32>,
        %parallel_loop3A_427 = arith.constant 21 : i32
        %parallel_loop3A_428 = vector.broadcast %parallel_loop3A_427 : i32 to vector<16xi32>
        %parallel_loop3A_429 = arith.addi %parallel_loop3A_216, %parallel_loop3A_428 : vector<16xi32>
        %parallel_loop3A_430 = tpu.vector_load_idx %arg9[%parallel_loop3A_206, %parallel_loop3A_429] : memref<256x128xf32, #tpu.memory_space<vmem>>[vector<16xi32>, vector<16xi32>], vector<16xf32>,
        %parallel_loop3A_431 = arith.constant 16 : i32
        %parallel_loop3A_432 = arith.muli %parallel_loop3A_202, %parallel_loop3A_431 : i32
        %parallel_loop3A_433 = arith.constant 21 : i32
        %parallel_loop3A_434 = arith.index_cast %parallel_loop3A_433 : i32 to index
        %parallel_loop3A_435 = arith.index_cast %parallel_loop3A_432 : i32 to index
        %parallel_loop3A_436 = tpu.vector_load %arg11[%parallel_loop3A_434, %parallel_loop3A_435] {strides = array<i32>} : memref<32x256xf32, #tpu.memory_space<vmem>>, vector<16xf32>,
        tpu.vector_store %arg11[%parallel_loop3A_434, %parallel_loop3A_435], %parallel_loop3A_430 {strides = array<i32>} : memref<32x256xf32, #tpu.memory_space<vmem>>, vector<16xf32>,
        %parallel_loop3A_437 = arith.constant 22 : i32
        %parallel_loop3A_438 = vector.broadcast %parallel_loop3A_437 : i32 to vector<16xi32>
        %parallel_loop3A_439 = arith.addi %parallel_loop3A_216, %parallel_loop3A_438 : vector<16xi32>
        %parallel_loop3A_440 = tpu.vector_load_idx %arg9[%parallel_loop3A_206, %parallel_loop3A_439] : memref<256x128xf32, #tpu.memory_space<vmem>>[vector<16xi32>, vector<16xi32>], vector<16xf32>,
        %parallel_loop3A_441 = arith.constant 16 : i32
        %parallel_loop3A_442 = arith.muli %parallel_loop3A_202, %parallel_loop3A_441 : i32
        %parallel_loop3A_443 = arith.constant 22 : i32
        %parallel_loop3A_444 = arith.index_cast %parallel_loop3A_443 : i32 to index
        %parallel_loop3A_445 = arith.index_cast %parallel_loop3A_442 : i32 to index
        %parallel_loop3A_446 = tpu.vector_load %arg11[%parallel_loop3A_444, %parallel_loop3A_445] {strides = array<i32>} : memref<32x256xf32, #tpu.memory_space<vmem>>, vector<16xf32>,
        tpu.vector_store %arg11[%parallel_loop3A_444, %parallel_loop3A_445], %parallel_loop3A_440 {strides = array<i32>} : memref<32x256xf32, #tpu.memory_space<vmem>>, vector<16xf32>,
        %parallel_loop3A_447 = arith.constant 23 : i32
        %parallel_loop3A_448 = vector.broadcast %parallel_loop3A_447 : i32 to vector<16xi32>
        %parallel_loop3A_449 = arith.addi %parallel_loop3A_216, %parallel_loop3A_448 : vector<16xi32>
        %parallel_loop3A_450 = tpu.vector_load_idx %arg9[%parallel_loop3A_206, %parallel_loop3A_449] : memref<256x128xf32, #tpu.memory_space<vmem>>[vector<16xi32>, vector<16xi32>], vector<16xf32>,
        %parallel_loop3A_451 = arith.constant 16 : i32
        %parallel_loop3A_452 = arith.muli %parallel_loop3A_202, %parallel_loop3A_451 : i32
        %parallel_loop3A_453 = arith.constant 23 : i32
        %parallel_loop3A_454 = arith.index_cast %parallel_loop3A_453 : i32 to index
        %parallel_loop3A_455 = arith.index_cast %parallel_loop3A_452 : i32 to index
        %parallel_loop3A_456 = tpu.vector_load %arg11[%parallel_loop3A_454, %parallel_loop3A_455] {strides = array<i32>} : memref<32x256xf32, #tpu.memory_space<vmem>>, vector<16xf32>,
        tpu.vector_store %arg11[%parallel_loop3A_454, %parallel_loop3A_455], %parallel_loop3A_450 {strides = array<i32>} : memref<32x256xf32, #tpu.memory_space<vmem>>, vector<16xf32>,
        %parallel_loop3A_457 = arith.constant 24 : i32
        %parallel_loop3A_458 = vector.broadcast %parallel_loop3A_457 : i32 to vector<16xi32>
        %parallel_loop3A_459 = arith.addi %parallel_loop3A_216, %parallel_loop3A_458 : vector<16xi32>
        %parallel_loop3A_460 = tpu.vector_load_idx %arg9[%parallel_loop3A_206, %parallel_loop3A_459] : memref<256x128xf32, #tpu.memory_space<vmem>>[vector<16xi32>, vector<16xi32>], vector<16xf32>,
        %parallel_loop3A_461 = arith.constant 16 : i32
        %parallel_loop3A_462 = arith.muli %parallel_loop3A_202, %parallel_loop3A_461 : i32
        %parallel_loop3A_463 = arith.constant 24 : i32
        %parallel_loop3A_464 = arith.index_cast %parallel_loop3A_463 : i32 to index
        %parallel_loop3A_465 = arith.index_cast %parallel_loop3A_462 : i32 to index
        %parallel_loop3A_466 = tpu.vector_load %arg11[%parallel_loop3A_464, %parallel_loop3A_465] {strides = array<i32>} : memref<32x256xf32, #tpu.memory_space<vmem>>, vector<16xf32>,
        tpu.vector_store %arg11[%parallel_loop3A_464, %parallel_loop3A_465], %parallel_loop3A_460 {strides = array<i32>} : memref<32x256xf32, #tpu.memory_space<vmem>>, vector<16xf32>,
        %parallel_loop3A_467 = arith.constant 25 : i32
        %parallel_loop3A_468 = vector.broadcast %parallel_loop3A_467 : i32 to vector<16xi32>
        %parallel_loop3A_469 = arith.addi %parallel_loop3A_216, %parallel_loop3A_468 : vector<16xi32>
        %parallel_loop3A_470 = tpu.vector_load_idx %arg9[%parallel_loop3A_206, %parallel_loop3A_469] : memref<256x128xf32, #tpu.memory_space<vmem>>[vector<16xi32>, vector<16xi32>], vector<16xf32>,
        %parallel_loop3A_471 = arith.constant 16 : i32
        %parallel_loop3A_472 = arith.muli %parallel_loop3A_202, %parallel_loop3A_471 : i32
        %parallel_loop3A_473 = arith.constant 25 : i32
        %parallel_loop3A_474 = arith.index_cast %parallel_loop3A_473 : i32 to index
        %parallel_loop3A_475 = arith.index_cast %parallel_loop3A_472 : i32 to index
        %parallel_loop3A_476 = tpu.vector_load %arg11[%parallel_loop3A_474, %parallel_loop3A_475] {strides = array<i32>} : memref<32x256xf32, #tpu.memory_space<vmem>>, vector<16xf32>,
        tpu.vector_store %arg11[%parallel_loop3A_474, %parallel_loop3A_475], %parallel_loop3A_470 {strides = array<i32>} : memref<32x256xf32, #tpu.memory_space<vmem>>, vector<16xf32>,
        %parallel_loop3A_477 = arith.constant 26 : i32
        %parallel_loop3A_478 = vector.broadcast %parallel_loop3A_477 : i32 to vector<16xi32>
        %parallel_loop3A_479 = arith.addi %parallel_loop3A_216, %parallel_loop3A_478 : vector<16xi32>
        %parallel_loop3A_480 = tpu.vector_load_idx %arg9[%parallel_loop3A_206, %parallel_loop3A_479] : memref<256x128xf32, #tpu.memory_space<vmem>>[vector<16xi32>, vector<16xi32>], vector<16xf32>,
        %parallel_loop3A_481 = arith.constant 16 : i32
        %parallel_loop3A_482 = arith.muli %parallel_loop3A_202, %parallel_loop3A_481 : i32
        %parallel_loop3A_483 = arith.constant 26 : i32
        %parallel_loop3A_484 = arith.index_cast %parallel_loop3A_483 : i32 to index
        %parallel_loop3A_485 = arith.index_cast %parallel_loop3A_482 : i32 to index
        %parallel_loop3A_486 = tpu.vector_load %arg11[%parallel_loop3A_484, %parallel_loop3A_485] {strides = array<i32>} : memref<32x256xf32, #tpu.memory_space<vmem>>, vector<16xf32>,
        tpu.vector_store %arg11[%parallel_loop3A_484, %parallel_loop3A_485], %parallel_loop3A_480 {strides = array<i32>} : memref<32x256xf32, #tpu.memory_space<vmem>>, vector<16xf32>,
        %parallel_loop3A_487 = arith.constant 27 : i32
        %parallel_loop3A_488 = vector.broadcast %parallel_loop3A_487 : i32 to vector<16xi32>
        %parallel_loop3A_489 = arith.addi %parallel_loop3A_216, %parallel_loop3A_488 : vector<16xi32>
        %parallel_loop3A_490 = tpu.vector_load_idx %arg9[%parallel_loop3A_206, %parallel_loop3A_489] : memref<256x128xf32, #tpu.memory_space<vmem>>[vector<16xi32>, vector<16xi32>], vector<16xf32>,
        %parallel_loop3A_491 = arith.constant 16 : i32
        %parallel_loop3A_492 = arith.muli %parallel_loop3A_202, %parallel_loop3A_491 : i32
        %parallel_loop3A_493 = arith.constant 27 : i32
        %parallel_loop3A_494 = arith.index_cast %parallel_loop3A_493 : i32 to index
        %parallel_loop3A_495 = arith.index_cast %parallel_loop3A_492 : i32 to index
        %parallel_loop3A_496 = tpu.vector_load %arg11[%parallel_loop3A_494, %parallel_loop3A_495] {strides = array<i32>} : memref<32x256xf32, #tpu.memory_space<vmem>>, vector<16xf32>,
        tpu.vector_store %arg11[%parallel_loop3A_494, %parallel_loop3A_495], %parallel_loop3A_490 {strides = array<i32>} : memref<32x256xf32, #tpu.memory_space<vmem>>, vector<16xf32>,
        %parallel_loop3A_497 = arith.constant 28 : i32
        %parallel_loop3A_498 = vector.broadcast %parallel_loop3A_497 : i32 to vector<16xi32>
        %parallel_loop3A_499 = arith.addi %parallel_loop3A_216, %parallel_loop3A_498 : vector<16xi32>
        %parallel_loop3A_500 = tpu.vector_load_idx %arg9[%parallel_loop3A_206, %parallel_loop3A_499] : memref<256x128xf32, #tpu.memory_space<vmem>>[vector<16xi32>, vector<16xi32>], vector<16xf32>,
        %parallel_loop3A_501 = arith.constant 16 : i32
        %parallel_loop3A_502 = arith.muli %parallel_loop3A_202, %parallel_loop3A_501 : i32
        %parallel_loop3A_503 = arith.constant 28 : i32
        %parallel_loop3A_504 = arith.index_cast %parallel_loop3A_503 : i32 to index
        %parallel_loop3A_505 = arith.index_cast %parallel_loop3A_502 : i32 to index
        %parallel_loop3A_506 = tpu.vector_load %arg11[%parallel_loop3A_504, %parallel_loop3A_505] {strides = array<i32>} : memref<32x256xf32, #tpu.memory_space<vmem>>, vector<16xf32>,
        tpu.vector_store %arg11[%parallel_loop3A_504, %parallel_loop3A_505], %parallel_loop3A_500 {strides = array<i32>} : memref<32x256xf32, #tpu.memory_space<vmem>>, vector<16xf32>,
        %parallel_loop3A_507 = arith.constant 29 : i32
        %parallel_loop3A_508 = vector.broadcast %parallel_loop3A_507 : i32 to vector<16xi32>
        %parallel_loop3A_509 = arith.addi %parallel_loop3A_216, %parallel_loop3A_508 : vector<16xi32>
        %parallel_loop3A_510 = tpu.vector_load_idx %arg9[%parallel_loop3A_206, %parallel_loop3A_509] : memref<256x128xf32, #tpu.memory_space<vmem>>[vector<16xi32>, vector<16xi32>], vector<16xf32>,
        %parallel_loop3A_511 = arith.constant 16 : i32
        %parallel_loop3A_512 = arith.muli %parallel_loop3A_202, %parallel_loop3A_511 : i32
        %parallel_loop3A_513 = arith.constant 29 : i32
        %parallel_loop3A_514 = arith.index_cast %parallel_loop3A_513 : i32 to index
        %parallel_loop3A_515 = arith.index_cast %parallel_loop3A_512 : i32 to index
        %parallel_loop3A_516 = tpu.vector_load %arg11[%parallel_loop3A_514, %parallel_loop3A_515] {strides = array<i32>} : memref<32x256xf32, #tpu.memory_space<vmem>>, vector<16xf32>,
        tpu.vector_store %arg11[%parallel_loop3A_514, %parallel_loop3A_515], %parallel_loop3A_510 {strides = array<i32>} : memref<32x256xf32, #tpu.memory_space<vmem>>, vector<16xf32>,
        %parallel_loop3A_517 = arith.constant 30 : i32
        %parallel_loop3A_518 = vector.broadcast %parallel_loop3A_517 : i32 to vector<16xi32>
        %parallel_loop3A_519 = arith.addi %parallel_loop3A_216, %parallel_loop3A_518 : vector<16xi32>
        %parallel_loop3A_520 = tpu.vector_load_idx %arg9[%parallel_loop3A_206, %parallel_loop3A_519] : memref<256x128xf32, #tpu.memory_space<vmem>>[vector<16xi32>, vector<16xi32>], vector<16xf32>,
        %parallel_loop3A_521 = arith.constant 16 : i32
        %parallel_loop3A_522 = arith.muli %parallel_loop3A_202, %parallel_loop3A_521 : i32
        %parallel_loop3A_523 = arith.constant 30 : i32
        %parallel_loop3A_524 = arith.index_cast %parallel_loop3A_523 : i32 to index
        %parallel_loop3A_525 = arith.index_cast %parallel_loop3A_522 : i32 to index
        %parallel_loop3A_526 = tpu.vector_load %arg11[%parallel_loop3A_524, %parallel_loop3A_525] {strides = array<i32>} : memref<32x256xf32, #tpu.memory_space<vmem>>, vector<16xf32>,
        tpu.vector_store %arg11[%parallel_loop3A_524, %parallel_loop3A_525], %parallel_loop3A_520 {strides = array<i32>} : memref<32x256xf32, #tpu.memory_space<vmem>>, vector<16xf32>,
        %parallel_loop3A_527 = arith.constant 31 : i32
        %parallel_loop3A_528 = vector.broadcast %parallel_loop3A_527 : i32 to vector<16xi32>
        %parallel_loop3A_529 = arith.addi %parallel_loop3A_216, %parallel_loop3A_528 : vector<16xi32>
        %parallel_loop3A_530 = tpu.vector_load_idx %arg9[%parallel_loop3A_206, %parallel_loop3A_529] : memref<256x128xf32, #tpu.memory_space<vmem>>[vector<16xi32>, vector<16xi32>], vector<16xf32>,
        %parallel_loop3A_531 = arith.constant 16 : i32
        %parallel_loop3A_532 = arith.muli %parallel_loop3A_202, %parallel_loop3A_531 : i32
        %parallel_loop3A_533 = arith.constant 31 : i32
        %parallel_loop3A_534 = arith.index_cast %parallel_loop3A_533 : i32 to index
        %parallel_loop3A_535 = arith.index_cast %parallel_loop3A_532 : i32 to index
        %parallel_loop3A_536 = tpu.vector_load %arg11[%parallel_loop3A_534, %parallel_loop3A_535] {strides = array<i32>} : memref<32x256xf32, #tpu.memory_space<vmem>>, vector<16xf32>,
        tpu.vector_store %arg11[%parallel_loop3A_534, %parallel_loop3A_535], %parallel_loop3A_530 {strides = array<i32>} : memref<32x256xf32, #tpu.memory_space<vmem>>, vector<16xf32>,
      } {sc.loop_unroll_factor = 2 : i64, sc.parallel_access}
      "tpu.region"() ({
        %run_scoped3A = tpu.sem_alloc : memref<!tpu.dma_semaphore, #tpu.memory_space<semaphore_mem>>
        %dma_start3A_202 = arith.constant 0 : i32
        %dma_start3A_203 = tpu.memref_slice %arg4[%select_n3A_121, %dma_start3A_202, %mul3A_139] : memref<50x32x16384xf32, #tpu.memory_space<hbm>> -> memref<1x32x256xf32, #tpu.memory_space<hbm>>
        %dma_start3A_204 = tpu.memref_squeeze %dma_start3A_203 : memref<1x32x256xf32, #tpu.memory_space<hbm>> -> memref<32x256xf32, #tpu.memory_space<hbm>>
        %dma_start3A_205 = arith.constant 0 : i32
        %dma_start3A_206 = tpu.memref_slice %arg4[%select_n3A_121, %dma_start3A_205, %mul3A_139] : memref<50x32x16384xf32, #tpu.memory_space<hbm>> -> memref<1x32x256xf32, #tpu.memory_space<hbm>>
        %dma_start3A_207 = tpu.memref_squeeze %dma_start3A_206 : memref<1x32x256xf32, #tpu.memory_space<hbm>> -> memref<32x256xf32, #tpu.memory_space<hbm>>
        tpu.enqueue_dma source(%arg11 : memref<32x256xf32, #tpu.memory_space<vmem>>) target(%dma_start3A_207 : memref<32x256xf32, #tpu.memory_space<hbm>>) target_semaphore(%run_scoped3A : memref<!tpu.dma_semaphore, #tpu.memory_space<semaphore_mem>>)
        %dma_wait3A_208 = arith.constant 0 : i32
        %dma_wait3A_209 = tpu.memref_slice %arg4[%select_n3A_121, %dma_wait3A_208, %mul3A_139] : memref<50x32x16384xf32, #tpu.memory_space<hbm>> -> memref<1x32x256xf32, #tpu.memory_space<hbm>>
        %dma_wait3A_210 = tpu.memref_squeeze %dma_wait3A_209 : memref<1x32x256xf32, #tpu.memory_space<hbm>> -> memref<32x256xf32, #tpu.memory_space<hbm>>
        %dma_wait3A_211 = arith.constant 0 : i32
        %dma_wait3A_212 = tpu.memref_slice %arg4[%select_n3A_121, %dma_wait3A_211, %mul3A_139] : memref<50x32x16384xf32, #tpu.memory_space<hbm>> -> memref<1x32x256xf32, #tpu.memory_space<hbm>>
        %dma_wait3A_213 = tpu.memref_squeeze %dma_wait3A_212 : memref<1x32x256xf32, #tpu.memory_space<hbm>> -> memref<32x256xf32, #tpu.memory_space<hbm>>
        tpu.wait_dma2 semaphore(%run_scoped3A : memref<!tpu.dma_semaphore, #tpu.memory_space<semaphore_mem>>) src(%arg11 : memref<32x256xf32, #tpu.memory_space<vmem>>) dst(%dma_wait3A_213 : memref<32x256xf32, #tpu.memory_space<hbm>>)
        tpu.yield
      }) : () -> ()
      %mul3A_145 = arith.constant 2 : i32
      %mul3A_146 = arith.muli %mul3A_145, %scan3A_44 : i32
      %add3A_147 = arith.constant 2 : i32
      %add3A_148 = arith.addi %mul3A_146, %add3A_147 : i32
      %lt3A_149 = arith.constant 100 : i32
      %lt3A_150 = arith.cmpi slt, %add3A_148, %lt3A_149 : i32
      %convert_element_type3A = arith.extui %lt3A_150 : i1 to i32
      %cond3A = arith.constant 0 : i32
      %cond3A_151 = arith.cmpi ne, %convert_element_type3A, %cond3A : i32
      scf.if %cond3A_151 {
        %add3A_202 = arith.constant 2 : i32
        %add3A_203 = arith.addi %add3A_47, %add3A_202 : i32
        %jit3A_204 = arith.constant 64 : i32
        %div3A_205 = arith.divsi %add3A_203, %jit3A_204 : i32
        %sign3A_206 = arith.constant 0 : i32
        %sign3A_207 = arith.cmpi sgt, %add3A_203, %sign3A_206 : i32
        %sign3A_208 = arith.extui %sign3A_207 : i1 to i32
        %sign3A_209 = arith.constant 0 : i32
        %sign3A_210 = arith.cmpi slt, %add3A_203, %sign3A_209 : i32
        %sign3A_211 = arith.extui %sign3A_210 : i1 to i32
        %sign3A_212 = arith.subi %sign3A_208, %sign3A_211 : i32
        %sign3A_213 = arith.constant 0 : i32
        %sign3A_214 = arith.cmpi sgt, %jit3A_204, %sign3A_213 : i32
        %sign3A_215 = arith.extui %sign3A_214 : i1 to i32
        %sign3A_216 = arith.constant 0 : i32
        %sign3A_217 = arith.cmpi slt, %jit3A_204, %sign3A_216 : i32
        %sign3A_218 = arith.extui %sign3A_217 : i1 to i32
        %sign3A_219 = arith.subi %sign3A_215, %sign3A_218 : i32
        %ne3A_220 = arith.cmpi ne, %sign3A_212, %sign3A_219 : i32
        %rem3A_221 = arith.remsi %add3A_203, %jit3A_204 : i32
        %ne3A_222 = arith.constant 0 : i32
        %ne3A_223 = arith.cmpi ne, %rem3A_221, %ne3A_222 : i32
        %and3A_224 = arith.andi %ne3A_220, %ne3A_223 : i1
        %sub3A_225 = arith.constant 1 : i32
        %sub3A_226 = arith.subi %div3A_205, %sub3A_225 : i32
        %select_n3A_227 = arith.select %and3A_224, %sub3A_226, %div3A_205 : i32
        %jit3A_228 = arith.constant 64 : i32
        %eq3A_229 = arith.constant 0 : i32
        %eq3A_230 = arith.cmpi eq, %jit3A_228, %eq3A_229 : i32
        %jit3A_231 = arith.constant 1 : i32
        %select_n3A_232 = arith.select %eq3A_230, %jit3A_231, %jit3A_228 : i32
        %rem3A_233 = arith.remsi %add3A_203, %select_n3A_232 : i32
        %ne3A_234 = arith.constant 0 : i32
        %ne3A_235 = arith.cmpi ne, %rem3A_233, %ne3A_234 : i32
        %lt3A_236 = arith.constant 0 : i32
        %lt3A_237 = arith.cmpi slt, %rem3A_233, %lt3A_236 : i32
        %lt3A_238 = arith.constant 0 : i32
        %lt3A_239 = arith.cmpi slt, %select_n3A_232, %lt3A_238 : i32
        %ne3A_240 = arith.xori %lt3A_237, %lt3A_239 : i1
        %and3A_241 = arith.andi %ne3A_240, %ne3A_235 : i1
        %add3A_242 = arith.addi %rem3A_233, %select_n3A_232 : i32
        %select_n3A_243 = arith.select %and3A_241, %add3A_242, %rem3A_233 : i32
        %mul3A_244 = arith.constant 256 : i32
        %mul3A_245 = arith.muli %select_n3A_243, %mul3A_244 : i32
        "tpu.region"() ({
          %run_scoped3A = tpu.sem_alloc : memref<!tpu.dma_semaphore, #tpu.memory_space<semaphore_mem>>
          %dma_start3A_252 = tpu.memref_slice %arg2[%select_n3A_227, %mul3A_245] : memref<50x16384xi32, #tpu.memory_space<hbm>> -> memref<1x256xi32, #tpu.memory_space<hbm>>
          %dma_start3A_253 = tpu.memref_squeeze %dma_start3A_252 : memref<1x256xi32, #tpu.memory_space<hbm>> -> memref<256xi32, #tpu.memory_space<hbm>>
          %dma_start3A_254 = tpu.memref_slice %arg2[%select_n3A_227, %mul3A_245] : memref<50x16384xi32, #tpu.memory_space<hbm>> -> memref<1x256xi32, #tpu.memory_space<hbm>>
          %dma_start3A_255 = tpu.memref_squeeze %dma_start3A_254 : memref<1x256xi32, #tpu.memory_space<hbm>> -> memref<256xi32, #tpu.memory_space<hbm>>
          tpu.enqueue_dma source(%dma_start3A_255 : memref<256xi32, #tpu.memory_space<hbm>>) target(%arg5 : memref<256xi32, #tpu.memory_space<vmem>>) target_semaphore(%run_scoped3A : memref<!tpu.dma_semaphore, #tpu.memory_space<semaphore_mem>>)
          %dma_wait3A_256 = tpu.memref_slice %arg2[%select_n3A_227, %mul3A_245] : memref<50x16384xi32, #tpu.memory_space<hbm>> -> memref<1x256xi32, #tpu.memory_space<hbm>>
          %dma_wait3A_257 = tpu.memref_squeeze %dma_wait3A_256 : memref<1x256xi32, #tpu.memory_space<hbm>> -> memref<256xi32, #tpu.memory_space<hbm>>
          %dma_wait3A_258 = tpu.memref_slice %arg2[%select_n3A_227, %mul3A_245] : memref<50x16384xi32, #tpu.memory_space<hbm>> -> memref<1x256xi32, #tpu.memory_space<hbm>>
          %dma_wait3A_259 = tpu.memref_squeeze %dma_wait3A_258 : memref<1x256xi32, #tpu.memory_space<hbm>> -> memref<256xi32, #tpu.memory_space<hbm>>
          tpu.wait_dma2 semaphore(%run_scoped3A : memref<!tpu.dma_semaphore, #tpu.memory_space<semaphore_mem>>) src(%dma_wait3A_259 : memref<256xi32, #tpu.memory_space<hbm>>) dst(%arg5 : memref<256xi32, #tpu.memory_space<vmem>>)
          tpu.yield
        }) : () -> ()
        %parallel_loop3A_246 = arith.constant 0 : i32
        %parallel_loop3A_247 = arith.constant 16 : i32
        %parallel_loop3A_248 = arith.constant 1 : i32
        scf.for %parallel_loop3A_252 = %parallel_loop3A_246 to %parallel_loop3A_247 step %parallel_loop3A_248  : i32 {
          %parallel_loop3A_253 = arith.constant 16 : i32
          %parallel_loop3A_254 = arith.muli %parallel_loop3A_252, %parallel_loop3A_253 : i32
          %parallel_loop3A_255 = arith.index_cast %parallel_loop3A_254 : i32 to index
          %parallel_loop3A_256 = tpu.vector_load %arg5[%parallel_loop3A_255] {strides = array<i32>} : memref<256xi32, #tpu.memory_space<vmem>>, vector<16xi32>,
          %parallel_loop3A_257 = arith.constant 2 : i32
          %parallel_loop3A_258 = vector.broadcast %parallel_loop3A_257 : i32 to vector<16xi32>
          %parallel_loop3A_259 = arith.shrui %parallel_loop3A_256, %parallel_loop3A_258 : vector<16xi32>
          %parallel_loop3A_260 = arith.constant 16 : i32
          %parallel_loop3A_261 = arith.muli %parallel_loop3A_252, %parallel_loop3A_260 : i32
          %parallel_loop3A_262 = arith.index_cast %parallel_loop3A_261 : i32 to index
          %parallel_loop3A_263 = tpu.vector_load %arg7[%parallel_loop3A_262] {strides = array<i32>} : memref<256xi32, #tpu.memory_space<vmem>>, vector<16xi32>,
          tpu.vector_store %arg7[%parallel_loop3A_262], %parallel_loop3A_259 {strides = array<i32>} : memref<256xi32, #tpu.memory_space<vmem>>, vector<16xi32>,
        } {sc.loop_unroll_factor = 1 : i64, sc.parallel_access}
        %dma_start3A_249 = arith.constant 0 : i32
        %dma_start3A_250 = arith.constant 0 : i32
        %dma_start3A_251 = tpu.memref_slice %arg3[%dma_start3A_249, %dma_start3A_250] : memref<250000x128xf32, #tpu.memory_space<hbm>> -> memref<250000x128xf32, #tpu.memory_space<hbm>>
        tpu.enqueue_indirect_dma source(%dma_start3A_251 : memref<250000x128xf32, #tpu.memory_space<hbm>>) target(%arg9 : memref<256x128xf32, #tpu.memory_space<vmem>>) offsets(%arg7 : memref<256xi32, #tpu.memory_space<vmem>>) semaphore(%arg12 : memref<!tpu.dma_semaphore, #tpu.memory_space<semaphore_mem>>)
      } else {
      }
      %add3A_152 = arith.constant 1 : i32
      %add3A_153 = arith.addi %add3A_47, %add3A_152 : i32
      %jit3A_154 = arith.constant 64 : i32
      %div3A_155 = arith.divsi %add3A_153, %jit3A_154 : i32
      %sign3A_156 = arith.constant 0 : i32
      %sign3A_157 = arith.cmpi sgt, %add3A_153, %sign3A_156 : i32
      %sign3A_158 = arith.extui %sign3A_157 : i1 to i32
      %sign3A_159 = arith.constant 0 : i32
      %sign3A_160 = arith.cmpi slt, %add3A_153, %sign3A_159 : i32
      %sign3A_161 = arith.extui %sign3A_160 : i1 to i32
      %sign3A_162 = arith.subi %sign3A_158, %sign3A_161 : i32
      %sign3A_163 = arith.constant 0 : i32
      %sign3A_164 = arith.cmpi sgt, %jit3A_154, %sign3A_163 : i32
      %sign3A_165 = arith.extui %sign3A_164 : i1 to i32
      %sign3A_166 = arith.constant 0 : i32
      %sign3A_167 = arith.cmpi slt, %jit3A_154, %sign3A_166 : i32
      %sign3A_168 = arith.extui %sign3A_167 : i1 to i32
      %sign3A_169 = arith.subi %sign3A_165, %sign3A_168 : i32
      %ne3A_170 = arith.cmpi ne, %sign3A_162, %sign3A_169 : i32
      %rem3A_171 = arith.remsi %add3A_153, %jit3A_154 : i32
      %ne3A_172 = arith.constant 0 : i32
      %ne3A_173 = arith.cmpi ne, %rem3A_171, %ne3A_172 : i32
      %and3A_174 = arith.andi %ne3A_170, %ne3A_173 : i1
      %sub3A_175 = arith.constant 1 : i32
      %sub3A_176 = arith.subi %div3A_155, %sub3A_175 : i32
      %select_n3A_177 = arith.select %and3A_174, %sub3A_176, %div3A_155 : i32
      %jit3A_178 = arith.constant 64 : i32
      %eq3A_179 = arith.constant 0 : i32
      %eq3A_180 = arith.cmpi eq, %jit3A_178, %eq3A_179 : i32
      %jit3A_181 = arith.constant 1 : i32
      %select_n3A_182 = arith.select %eq3A_180, %jit3A_181, %jit3A_178 : i32
      %rem3A_183 = arith.remsi %add3A_153, %select_n3A_182 : i32
      %ne3A_184 = arith.constant 0 : i32
      %ne3A_185 = arith.cmpi ne, %rem3A_183, %ne3A_184 : i32
      %lt3A_186 = arith.constant 0 : i32
      %lt3A_187 = arith.cmpi slt, %rem3A_183, %lt3A_186 : i32
      %lt3A_188 = arith.constant 0 : i32
      %lt3A_189 = arith.cmpi slt, %select_n3A_182, %lt3A_188 : i32
      %ne3A_190 = arith.xori %lt3A_187, %lt3A_189 : i1
      %and3A_191 = arith.andi %ne3A_190, %ne3A_185 : i1
      %add3A_192 = arith.addi %rem3A_183, %select_n3A_182 : i32
      %select_n3A_193 = arith.select %and3A_191, %add3A_192, %rem3A_183 : i32
      %mul3A_194 = arith.constant 256 : i32
      %mul3A_195 = arith.muli %select_n3A_193, %mul3A_194 : i32
      %dma_wait3A_196 = arith.constant 0 : i32
      %dma_wait3A_197 = arith.constant 0 : i32
      %dma_wait3A_198 = tpu.memref_slice %arg3[%dma_wait3A_196, %dma_wait3A_197] : memref<250000x128xf32, #tpu.memory_space<hbm>> -> memref<250000x128xf32, #tpu.memory_space<hbm>>
      tpu.wait_indirect_dma semaphore(%arg13 : memref<!tpu.dma_semaphore, #tpu.memory_space<semaphore_mem>>) src(%dma_wait3A_198 : memref<250000x128xf32, #tpu.memory_space<hbm>>) dst(%arg10 : memref<256x128xf32, #tpu.memory_space<vmem>>)
      %parallel_loop3A_199 = arith.constant 0 : i32
      %parallel_loop3A_200 = arith.constant 16 : i32
      %parallel_loop3A_201 = arith.constant 1 : i32
      scf.for %parallel_loop3A_202 = %parallel_loop3A_199 to %parallel_loop3A_200 step %parallel_loop3A_201  : i32 {
        %parallel_loop3A_203 = arith.constant 16 : i32
        %parallel_loop3A_204 = arith.muli %parallel_loop3A_202, %parallel_loop3A_203 : i32
        %parallel_loop3A_205 = vector.broadcast %parallel_loop3A_204 : i32 to vector<16xi32>
        %parallel_loop3A_206 = arith.addi %iota3A, %parallel_loop3A_205 : vector<16xi32>
        %parallel_loop3A_207 = arith.constant 16 : i32
        %parallel_loop3A_208 = arith.muli %parallel_loop3A_202, %parallel_loop3A_207 : i32
        %parallel_loop3A_209 = arith.index_cast %parallel_loop3A_208 : i32 to index
        %parallel_loop3A_210 = tpu.vector_load %arg6[%parallel_loop3A_209] {strides = array<i32>} : memref<256xi32, #tpu.memory_space<vmem>>, vector<16xi32>,
        %parallel_loop3A_211 = arith.constant 3 : i32
        %parallel_loop3A_212 = vector.broadcast %parallel_loop3A_211 : i32 to vector<16xi32>
        %parallel_loop3A_213 = arith.andi %parallel_loop3A_210, %parallel_loop3A_212 : vector<16xi32>
        %parallel_loop3A_214 = arith.constant 32 : i32
        %parallel_loop3A_215 = vector.broadcast %parallel_loop3A_214 : i32 to vector<16xi32>
        %parallel_loop3A_216 = arith.muli %parallel_loop3A_213, %parallel_loop3A_215 : vector<16xi32>
        %parallel_loop3A_217 = arith.constant 0 : i32
        %parallel_loop3A_218 = vector.broadcast %parallel_loop3A_217 : i32 to vector<16xi32>
        %parallel_loop3A_219 = arith.addi %parallel_loop3A_216, %parallel_loop3A_218 : vector<16xi32>
        %parallel_loop3A_220 = tpu.vector_load_idx %arg10[%parallel_loop3A_206, %parallel_loop3A_219] : memref<256x128xf32, #tpu.memory_space<vmem>>[vector<16xi32>, vector<16xi32>], vector<16xf32>,
        %parallel_loop3A_221 = arith.constant 16 : i32
        %parallel_loop3A_222 = arith.muli %parallel_loop3A_202, %parallel_loop3A_221 : i32
        %parallel_loop3A_223 = arith.constant 0 : i32
        %parallel_loop3A_224 = arith.index_cast %parallel_loop3A_223 : i32 to index
        %parallel_loop3A_225 = arith.index_cast %parallel_loop3A_222 : i32 to index
        %parallel_loop3A_226 = tpu.vector_load %arg11[%parallel_loop3A_224, %parallel_loop3A_225] {strides = array<i32>} : memref<32x256xf32, #tpu.memory_space<vmem>>, vector<16xf32>,
        tpu.vector_store %arg11[%parallel_loop3A_224, %parallel_loop3A_225], %parallel_loop3A_220 {strides = array<i32>} : memref<32x256xf32, #tpu.memory_space<vmem>>, vector<16xf32>,
        %parallel_loop3A_227 = arith.constant 1 : i32
        %parallel_loop3A_228 = vector.broadcast %parallel_loop3A_227 : i32 to vector<16xi32>
        %parallel_loop3A_229 = arith.addi %parallel_loop3A_216, %parallel_loop3A_228 : vector<16xi32>
        %parallel_loop3A_230 = tpu.vector_load_idx %arg10[%parallel_loop3A_206, %parallel_loop3A_229] : memref<256x128xf32, #tpu.memory_space<vmem>>[vector<16xi32>, vector<16xi32>], vector<16xf32>,
        %parallel_loop3A_231 = arith.constant 16 : i32
        %parallel_loop3A_232 = arith.muli %parallel_loop3A_202, %parallel_loop3A_231 : i32
        %parallel_loop3A_233 = arith.constant 1 : i32
        %parallel_loop3A_234 = arith.index_cast %parallel_loop3A_233 : i32 to index
        %parallel_loop3A_235 = arith.index_cast %parallel_loop3A_232 : i32 to index
        %parallel_loop3A_236 = tpu.vector_load %arg11[%parallel_loop3A_234, %parallel_loop3A_235] {strides = array<i32>} : memref<32x256xf32, #tpu.memory_space<vmem>>, vector<16xf32>,
        tpu.vector_store %arg11[%parallel_loop3A_234, %parallel_loop3A_235], %parallel_loop3A_230 {strides = array<i32>} : memref<32x256xf32, #tpu.memory_space<vmem>>, vector<16xf32>,
        %parallel_loop3A_237 = arith.constant 2 : i32
        %parallel_loop3A_238 = vector.broadcast %parallel_loop3A_237 : i32 to vector<16xi32>
        %parallel_loop3A_239 = arith.addi %parallel_loop3A_216, %parallel_loop3A_238 : vector<16xi32>
        %parallel_loop3A_240 = tpu.vector_load_idx %arg10[%parallel_loop3A_206, %parallel_loop3A_239] : memref<256x128xf32, #tpu.memory_space<vmem>>[vector<16xi32>, vector<16xi32>], vector<16xf32>,
        %parallel_loop3A_241 = arith.constant 16 : i32
        %parallel_loop3A_242 = arith.muli %parallel_loop3A_202, %parallel_loop3A_241 : i32
        %parallel_loop3A_243 = arith.constant 2 : i32
        %parallel_loop3A_244 = arith.index_cast %parallel_loop3A_243 : i32 to index
        %parallel_loop3A_245 = arith.index_cast %parallel_loop3A_242 : i32 to index
        %parallel_loop3A_246 = tpu.vector_load %arg11[%parallel_loop3A_244, %parallel_loop3A_245] {strides = array<i32>} : memref<32x256xf32, #tpu.memory_space<vmem>>, vector<16xf32>,
        tpu.vector_store %arg11[%parallel_loop3A_244, %parallel_loop3A_245], %parallel_loop3A_240 {strides = array<i32>} : memref<32x256xf32, #tpu.memory_space<vmem>>, vector<16xf32>,
        %parallel_loop3A_247 = arith.constant 3 : i32
        %parallel_loop3A_248 = vector.broadcast %parallel_loop3A_247 : i32 to vector<16xi32>
        %parallel_loop3A_249 = arith.addi %parallel_loop3A_216, %parallel_loop3A_248 : vector<16xi32>
        %parallel_loop3A_250 = tpu.vector_load_idx %arg10[%parallel_loop3A_206, %parallel_loop3A_249] : memref<256x128xf32, #tpu.memory_space<vmem>>[vector<16xi32>, vector<16xi32>], vector<16xf32>,
        %parallel_loop3A_251 = arith.constant 16 : i32
        %parallel_loop3A_252 = arith.muli %parallel_loop3A_202, %parallel_loop3A_251 : i32
        %parallel_loop3A_253 = arith.constant 3 : i32
        %parallel_loop3A_254 = arith.index_cast %parallel_loop3A_253 : i32 to index
        %parallel_loop3A_255 = arith.index_cast %parallel_loop3A_252 : i32 to index
        %parallel_loop3A_256 = tpu.vector_load %arg11[%parallel_loop3A_254, %parallel_loop3A_255] {strides = array<i32>} : memref<32x256xf32, #tpu.memory_space<vmem>>, vector<16xf32>,
        tpu.vector_store %arg11[%parallel_loop3A_254, %parallel_loop3A_255], %parallel_loop3A_250 {strides = array<i32>} : memref<32x256xf32, #tpu.memory_space<vmem>>, vector<16xf32>,
        %parallel_loop3A_257 = arith.constant 4 : i32
        %parallel_loop3A_258 = vector.broadcast %parallel_loop3A_257 : i32 to vector<16xi32>
        %parallel_loop3A_259 = arith.addi %parallel_loop3A_216, %parallel_loop3A_258 : vector<16xi32>
        %parallel_loop3A_260 = tpu.vector_load_idx %arg10[%parallel_loop3A_206, %parallel_loop3A_259] : memref<256x128xf32, #tpu.memory_space<vmem>>[vector<16xi32>, vector<16xi32>], vector<16xf32>,
        %parallel_loop3A_261 = arith.constant 16 : i32
        %parallel_loop3A_262 = arith.muli %parallel_loop3A_202, %parallel_loop3A_261 : i32
        %parallel_loop3A_263 = arith.constant 4 : i32
        %parallel_loop3A_264 = arith.index_cast %parallel_loop3A_263 : i32 to index
        %parallel_loop3A_265 = arith.index_cast %parallel_loop3A_262 : i32 to index
        %parallel_loop3A_266 = tpu.vector_load %arg11[%parallel_loop3A_264, %parallel_loop3A_265] {strides = array<i32>} : memref<32x256xf32, #tpu.memory_space<vmem>>, vector<16xf32>,
        tpu.vector_store %arg11[%parallel_loop3A_264, %parallel_loop3A_265], %parallel_loop3A_260 {strides = array<i32>} : memref<32x256xf32, #tpu.memory_space<vmem>>, vector<16xf32>,
        %parallel_loop3A_267 = arith.constant 5 : i32
        %parallel_loop3A_268 = vector.broadcast %parallel_loop3A_267 : i32 to vector<16xi32>
        %parallel_loop3A_269 = arith.addi %parallel_loop3A_216, %parallel_loop3A_268 : vector<16xi32>
        %parallel_loop3A_270 = tpu.vector_load_idx %arg10[%parallel_loop3A_206, %parallel_loop3A_269] : memref<256x128xf32, #tpu.memory_space<vmem>>[vector<16xi32>, vector<16xi32>], vector<16xf32>,
        %parallel_loop3A_271 = arith.constant 16 : i32
        %parallel_loop3A_272 = arith.muli %parallel_loop3A_202, %parallel_loop3A_271 : i32
        %parallel_loop3A_273 = arith.constant 5 : i32
        %parallel_loop3A_274 = arith.index_cast %parallel_loop3A_273 : i32 to index
        %parallel_loop3A_275 = arith.index_cast %parallel_loop3A_272 : i32 to index
        %parallel_loop3A_276 = tpu.vector_load %arg11[%parallel_loop3A_274, %parallel_loop3A_275] {strides = array<i32>} : memref<32x256xf32, #tpu.memory_space<vmem>>, vector<16xf32>,
        tpu.vector_store %arg11[%parallel_loop3A_274, %parallel_loop3A_275], %parallel_loop3A_270 {strides = array<i32>} : memref<32x256xf32, #tpu.memory_space<vmem>>, vector<16xf32>,
        %parallel_loop3A_277 = arith.constant 6 : i32
        %parallel_loop3A_278 = vector.broadcast %parallel_loop3A_277 : i32 to vector<16xi32>
        %parallel_loop3A_279 = arith.addi %parallel_loop3A_216, %parallel_loop3A_278 : vector<16xi32>
        %parallel_loop3A_280 = tpu.vector_load_idx %arg10[%parallel_loop3A_206, %parallel_loop3A_279] : memref<256x128xf32, #tpu.memory_space<vmem>>[vector<16xi32>, vector<16xi32>], vector<16xf32>,
        %parallel_loop3A_281 = arith.constant 16 : i32
        %parallel_loop3A_282 = arith.muli %parallel_loop3A_202, %parallel_loop3A_281 : i32
        %parallel_loop3A_283 = arith.constant 6 : i32
        %parallel_loop3A_284 = arith.index_cast %parallel_loop3A_283 : i32 to index
        %parallel_loop3A_285 = arith.index_cast %parallel_loop3A_282 : i32 to index
        %parallel_loop3A_286 = tpu.vector_load %arg11[%parallel_loop3A_284, %parallel_loop3A_285] {strides = array<i32>} : memref<32x256xf32, #tpu.memory_space<vmem>>, vector<16xf32>,
        tpu.vector_store %arg11[%parallel_loop3A_284, %parallel_loop3A_285], %parallel_loop3A_280 {strides = array<i32>} : memref<32x256xf32, #tpu.memory_space<vmem>>, vector<16xf32>,
        %parallel_loop3A_287 = arith.constant 7 : i32
        %parallel_loop3A_288 = vector.broadcast %parallel_loop3A_287 : i32 to vector<16xi32>
        %parallel_loop3A_289 = arith.addi %parallel_loop3A_216, %parallel_loop3A_288 : vector<16xi32>
        %parallel_loop3A_290 = tpu.vector_load_idx %arg10[%parallel_loop3A_206, %parallel_loop3A_289] : memref<256x128xf32, #tpu.memory_space<vmem>>[vector<16xi32>, vector<16xi32>], vector<16xf32>,
        %parallel_loop3A_291 = arith.constant 16 : i32
        %parallel_loop3A_292 = arith.muli %parallel_loop3A_202, %parallel_loop3A_291 : i32
        %parallel_loop3A_293 = arith.constant 7 : i32
        %parallel_loop3A_294 = arith.index_cast %parallel_loop3A_293 : i32 to index
        %parallel_loop3A_295 = arith.index_cast %parallel_loop3A_292 : i32 to index
        %parallel_loop3A_296 = tpu.vector_load %arg11[%parallel_loop3A_294, %parallel_loop3A_295] {strides = array<i32>} : memref<32x256xf32, #tpu.memory_space<vmem>>, vector<16xf32>,
        tpu.vector_store %arg11[%parallel_loop3A_294, %parallel_loop3A_295], %parallel_loop3A_290 {strides = array<i32>} : memref<32x256xf32, #tpu.memory_space<vmem>>, vector<16xf32>,
        %parallel_loop3A_297 = arith.constant 8 : i32
        %parallel_loop3A_298 = vector.broadcast %parallel_loop3A_297 : i32 to vector<16xi32>
        %parallel_loop3A_299 = arith.addi %parallel_loop3A_216, %parallel_loop3A_298 : vector<16xi32>
        %parallel_loop3A_300 = tpu.vector_load_idx %arg10[%parallel_loop3A_206, %parallel_loop3A_299] : memref<256x128xf32, #tpu.memory_space<vmem>>[vector<16xi32>, vector<16xi32>], vector<16xf32>,
        %parallel_loop3A_301 = arith.constant 16 : i32
        %parallel_loop3A_302 = arith.muli %parallel_loop3A_202, %parallel_loop3A_301 : i32
        %parallel_loop3A_303 = arith.constant 8 : i32
        %parallel_loop3A_304 = arith.index_cast %parallel_loop3A_303 : i32 to index
        %parallel_loop3A_305 = arith.index_cast %parallel_loop3A_302 : i32 to index
        %parallel_loop3A_306 = tpu.vector_load %arg11[%parallel_loop3A_304, %parallel_loop3A_305] {strides = array<i32>} : memref<32x256xf32, #tpu.memory_space<vmem>>, vector<16xf32>,
        tpu.vector_store %arg11[%parallel_loop3A_304, %parallel_loop3A_305], %parallel_loop3A_300 {strides = array<i32>} : memref<32x256xf32, #tpu.memory_space<vmem>>, vector<16xf32>,
        %parallel_loop3A_307 = arith.constant 9 : i32
        %parallel_loop3A_308 = vector.broadcast %parallel_loop3A_307 : i32 to vector<16xi32>
        %parallel_loop3A_309 = arith.addi %parallel_loop3A_216, %parallel_loop3A_308 : vector<16xi32>
        %parallel_loop3A_310 = tpu.vector_load_idx %arg10[%parallel_loop3A_206, %parallel_loop3A_309] : memref<256x128xf32, #tpu.memory_space<vmem>>[vector<16xi32>, vector<16xi32>], vector<16xf32>,
        %parallel_loop3A_311 = arith.constant 16 : i32
        %parallel_loop3A_312 = arith.muli %parallel_loop3A_202, %parallel_loop3A_311 : i32
        %parallel_loop3A_313 = arith.constant 9 : i32
        %parallel_loop3A_314 = arith.index_cast %parallel_loop3A_313 : i32 to index
        %parallel_loop3A_315 = arith.index_cast %parallel_loop3A_312 : i32 to index
        %parallel_loop3A_316 = tpu.vector_load %arg11[%parallel_loop3A_314, %parallel_loop3A_315] {strides = array<i32>} : memref<32x256xf32, #tpu.memory_space<vmem>>, vector<16xf32>,
        tpu.vector_store %arg11[%parallel_loop3A_314, %parallel_loop3A_315], %parallel_loop3A_310 {strides = array<i32>} : memref<32x256xf32, #tpu.memory_space<vmem>>, vector<16xf32>,
        %parallel_loop3A_317 = arith.constant 10 : i32
        %parallel_loop3A_318 = vector.broadcast %parallel_loop3A_317 : i32 to vector<16xi32>
        %parallel_loop3A_319 = arith.addi %parallel_loop3A_216, %parallel_loop3A_318 : vector<16xi32>
        %parallel_loop3A_320 = tpu.vector_load_idx %arg10[%parallel_loop3A_206, %parallel_loop3A_319] : memref<256x128xf32, #tpu.memory_space<vmem>>[vector<16xi32>, vector<16xi32>], vector<16xf32>,
        %parallel_loop3A_321 = arith.constant 16 : i32
        %parallel_loop3A_322 = arith.muli %parallel_loop3A_202, %parallel_loop3A_321 : i32
        %parallel_loop3A_323 = arith.constant 10 : i32
        %parallel_loop3A_324 = arith.index_cast %parallel_loop3A_323 : i32 to index
        %parallel_loop3A_325 = arith.index_cast %parallel_loop3A_322 : i32 to index
        %parallel_loop3A_326 = tpu.vector_load %arg11[%parallel_loop3A_324, %parallel_loop3A_325] {strides = array<i32>} : memref<32x256xf32, #tpu.memory_space<vmem>>, vector<16xf32>,
        tpu.vector_store %arg11[%parallel_loop3A_324, %parallel_loop3A_325], %parallel_loop3A_320 {strides = array<i32>} : memref<32x256xf32, #tpu.memory_space<vmem>>, vector<16xf32>,
        %parallel_loop3A_327 = arith.constant 11 : i32
        %parallel_loop3A_328 = vector.broadcast %parallel_loop3A_327 : i32 to vector<16xi32>
        %parallel_loop3A_329 = arith.addi %parallel_loop3A_216, %parallel_loop3A_328 : vector<16xi32>
        %parallel_loop3A_330 = tpu.vector_load_idx %arg10[%parallel_loop3A_206, %parallel_loop3A_329] : memref<256x128xf32, #tpu.memory_space<vmem>>[vector<16xi32>, vector<16xi32>], vector<16xf32>,
        %parallel_loop3A_331 = arith.constant 16 : i32
        %parallel_loop3A_332 = arith.muli %parallel_loop3A_202, %parallel_loop3A_331 : i32
        %parallel_loop3A_333 = arith.constant 11 : i32
        %parallel_loop3A_334 = arith.index_cast %parallel_loop3A_333 : i32 to index
        %parallel_loop3A_335 = arith.index_cast %parallel_loop3A_332 : i32 to index
        %parallel_loop3A_336 = tpu.vector_load %arg11[%parallel_loop3A_334, %parallel_loop3A_335] {strides = array<i32>} : memref<32x256xf32, #tpu.memory_space<vmem>>, vector<16xf32>,
        tpu.vector_store %arg11[%parallel_loop3A_334, %parallel_loop3A_335], %parallel_loop3A_330 {strides = array<i32>} : memref<32x256xf32, #tpu.memory_space<vmem>>, vector<16xf32>,
        %parallel_loop3A_337 = arith.constant 12 : i32
        %parallel_loop3A_338 = vector.broadcast %parallel_loop3A_337 : i32 to vector<16xi32>
        %parallel_loop3A_339 = arith.addi %parallel_loop3A_216, %parallel_loop3A_338 : vector<16xi32>
        %parallel_loop3A_340 = tpu.vector_load_idx %arg10[%parallel_loop3A_206, %parallel_loop3A_339] : memref<256x128xf32, #tpu.memory_space<vmem>>[vector<16xi32>, vector<16xi32>], vector<16xf32>,
        %parallel_loop3A_341 = arith.constant 16 : i32
        %parallel_loop3A_342 = arith.muli %parallel_loop3A_202, %parallel_loop3A_341 : i32
        %parallel_loop3A_343 = arith.constant 12 : i32
        %parallel_loop3A_344 = arith.index_cast %parallel_loop3A_343 : i32 to index
        %parallel_loop3A_345 = arith.index_cast %parallel_loop3A_342 : i32 to index
        %parallel_loop3A_346 = tpu.vector_load %arg11[%parallel_loop3A_344, %parallel_loop3A_345] {strides = array<i32>} : memref<32x256xf32, #tpu.memory_space<vmem>>, vector<16xf32>,
        tpu.vector_store %arg11[%parallel_loop3A_344, %parallel_loop3A_345], %parallel_loop3A_340 {strides = array<i32>} : memref<32x256xf32, #tpu.memory_space<vmem>>, vector<16xf32>,
        %parallel_loop3A_347 = arith.constant 13 : i32
        %parallel_loop3A_348 = vector.broadcast %parallel_loop3A_347 : i32 to vector<16xi32>
        %parallel_loop3A_349 = arith.addi %parallel_loop3A_216, %parallel_loop3A_348 : vector<16xi32>
        %parallel_loop3A_350 = tpu.vector_load_idx %arg10[%parallel_loop3A_206, %parallel_loop3A_349] : memref<256x128xf32, #tpu.memory_space<vmem>>[vector<16xi32>, vector<16xi32>], vector<16xf32>,
        %parallel_loop3A_351 = arith.constant 16 : i32
        %parallel_loop3A_352 = arith.muli %parallel_loop3A_202, %parallel_loop3A_351 : i32
        %parallel_loop3A_353 = arith.constant 13 : i32
        %parallel_loop3A_354 = arith.index_cast %parallel_loop3A_353 : i32 to index
        %parallel_loop3A_355 = arith.index_cast %parallel_loop3A_352 : i32 to index
        %parallel_loop3A_356 = tpu.vector_load %arg11[%parallel_loop3A_354, %parallel_loop3A_355] {strides = array<i32>} : memref<32x256xf32, #tpu.memory_space<vmem>>, vector<16xf32>,
        tpu.vector_store %arg11[%parallel_loop3A_354, %parallel_loop3A_355], %parallel_loop3A_350 {strides = array<i32>} : memref<32x256xf32, #tpu.memory_space<vmem>>, vector<16xf32>,
        %parallel_loop3A_357 = arith.constant 14 : i32
        %parallel_loop3A_358 = vector.broadcast %parallel_loop3A_357 : i32 to vector<16xi32>
        %parallel_loop3A_359 = arith.addi %parallel_loop3A_216, %parallel_loop3A_358 : vector<16xi32>
        %parallel_loop3A_360 = tpu.vector_load_idx %arg10[%parallel_loop3A_206, %parallel_loop3A_359] : memref<256x128xf32, #tpu.memory_space<vmem>>[vector<16xi32>, vector<16xi32>], vector<16xf32>,
        %parallel_loop3A_361 = arith.constant 16 : i32
        %parallel_loop3A_362 = arith.muli %parallel_loop3A_202, %parallel_loop3A_361 : i32
        %parallel_loop3A_363 = arith.constant 14 : i32
        %parallel_loop3A_364 = arith.index_cast %parallel_loop3A_363 : i32 to index
        %parallel_loop3A_365 = arith.index_cast %parallel_loop3A_362 : i32 to index
        %parallel_loop3A_366 = tpu.vector_load %arg11[%parallel_loop3A_364, %parallel_loop3A_365] {strides = array<i32>} : memref<32x256xf32, #tpu.memory_space<vmem>>, vector<16xf32>,
        tpu.vector_store %arg11[%parallel_loop3A_364, %parallel_loop3A_365], %parallel_loop3A_360 {strides = array<i32>} : memref<32x256xf32, #tpu.memory_space<vmem>>, vector<16xf32>,
        %parallel_loop3A_367 = arith.constant 15 : i32
        %parallel_loop3A_368 = vector.broadcast %parallel_loop3A_367 : i32 to vector<16xi32>
        %parallel_loop3A_369 = arith.addi %parallel_loop3A_216, %parallel_loop3A_368 : vector<16xi32>
        %parallel_loop3A_370 = tpu.vector_load_idx %arg10[%parallel_loop3A_206, %parallel_loop3A_369] : memref<256x128xf32, #tpu.memory_space<vmem>>[vector<16xi32>, vector<16xi32>], vector<16xf32>,
        %parallel_loop3A_371 = arith.constant 16 : i32
        %parallel_loop3A_372 = arith.muli %parallel_loop3A_202, %parallel_loop3A_371 : i32
        %parallel_loop3A_373 = arith.constant 15 : i32
        %parallel_loop3A_374 = arith.index_cast %parallel_loop3A_373 : i32 to index
        %parallel_loop3A_375 = arith.index_cast %parallel_loop3A_372 : i32 to index
        %parallel_loop3A_376 = tpu.vector_load %arg11[%parallel_loop3A_374, %parallel_loop3A_375] {strides = array<i32>} : memref<32x256xf32, #tpu.memory_space<vmem>>, vector<16xf32>,
        tpu.vector_store %arg11[%parallel_loop3A_374, %parallel_loop3A_375], %parallel_loop3A_370 {strides = array<i32>} : memref<32x256xf32, #tpu.memory_space<vmem>>, vector<16xf32>,
        %parallel_loop3A_377 = arith.constant 16 : i32
        %parallel_loop3A_378 = vector.broadcast %parallel_loop3A_377 : i32 to vector<16xi32>
        %parallel_loop3A_379 = arith.addi %parallel_loop3A_216, %parallel_loop3A_378 : vector<16xi32>
        %parallel_loop3A_380 = tpu.vector_load_idx %arg10[%parallel_loop3A_206, %parallel_loop3A_379] : memref<256x128xf32, #tpu.memory_space<vmem>>[vector<16xi32>, vector<16xi32>], vector<16xf32>,
        %parallel_loop3A_381 = arith.constant 16 : i32
        %parallel_loop3A_382 = arith.muli %parallel_loop3A_202, %parallel_loop3A_381 : i32
        %parallel_loop3A_383 = arith.constant 16 : i32
        %parallel_loop3A_384 = arith.index_cast %parallel_loop3A_383 : i32 to index
        %parallel_loop3A_385 = arith.index_cast %parallel_loop3A_382 : i32 to index
        %parallel_loop3A_386 = tpu.vector_load %arg11[%parallel_loop3A_384, %parallel_loop3A_385] {strides = array<i32>} : memref<32x256xf32, #tpu.memory_space<vmem>>, vector<16xf32>,
        tpu.vector_store %arg11[%parallel_loop3A_384, %parallel_loop3A_385], %parallel_loop3A_380 {strides = array<i32>} : memref<32x256xf32, #tpu.memory_space<vmem>>, vector<16xf32>,
        %parallel_loop3A_387 = arith.constant 17 : i32
        %parallel_loop3A_388 = vector.broadcast %parallel_loop3A_387 : i32 to vector<16xi32>
        %parallel_loop3A_389 = arith.addi %parallel_loop3A_216, %parallel_loop3A_388 : vector<16xi32>
        %parallel_loop3A_390 = tpu.vector_load_idx %arg10[%parallel_loop3A_206, %parallel_loop3A_389] : memref<256x128xf32, #tpu.memory_space<vmem>>[vector<16xi32>, vector<16xi32>], vector<16xf32>,
        %parallel_loop3A_391 = arith.constant 16 : i32
        %parallel_loop3A_392 = arith.muli %parallel_loop3A_202, %parallel_loop3A_391 : i32
        %parallel_loop3A_393 = arith.constant 17 : i32
        %parallel_loop3A_394 = arith.index_cast %parallel_loop3A_393 : i32 to index
        %parallel_loop3A_395 = arith.index_cast %parallel_loop3A_392 : i32 to index
        %parallel_loop3A_396 = tpu.vector_load %arg11[%parallel_loop3A_394, %parallel_loop3A_395] {strides = array<i32>} : memref<32x256xf32, #tpu.memory_space<vmem>>, vector<16xf32>,
        tpu.vector_store %arg11[%parallel_loop3A_394, %parallel_loop3A_395], %parallel_loop3A_390 {strides = array<i32>} : memref<32x256xf32, #tpu.memory_space<vmem>>, vector<16xf32>,
        %parallel_loop3A_397 = arith.constant 18 : i32
        %parallel_loop3A_398 = vector.broadcast %parallel_loop3A_397 : i32 to vector<16xi32>
        %parallel_loop3A_399 = arith.addi %parallel_loop3A_216, %parallel_loop3A_398 : vector<16xi32>
        %parallel_loop3A_400 = tpu.vector_load_idx %arg10[%parallel_loop3A_206, %parallel_loop3A_399] : memref<256x128xf32, #tpu.memory_space<vmem>>[vector<16xi32>, vector<16xi32>], vector<16xf32>,
        %parallel_loop3A_401 = arith.constant 16 : i32
        %parallel_loop3A_402 = arith.muli %parallel_loop3A_202, %parallel_loop3A_401 : i32
        %parallel_loop3A_403 = arith.constant 18 : i32
        %parallel_loop3A_404 = arith.index_cast %parallel_loop3A_403 : i32 to index
        %parallel_loop3A_405 = arith.index_cast %parallel_loop3A_402 : i32 to index
        %parallel_loop3A_406 = tpu.vector_load %arg11[%parallel_loop3A_404, %parallel_loop3A_405] {strides = array<i32>} : memref<32x256xf32, #tpu.memory_space<vmem>>, vector<16xf32>,
        tpu.vector_store %arg11[%parallel_loop3A_404, %parallel_loop3A_405], %parallel_loop3A_400 {strides = array<i32>} : memref<32x256xf32, #tpu.memory_space<vmem>>, vector<16xf32>,
        %parallel_loop3A_407 = arith.constant 19 : i32
        %parallel_loop3A_408 = vector.broadcast %parallel_loop3A_407 : i32 to vector<16xi32>
        %parallel_loop3A_409 = arith.addi %parallel_loop3A_216, %parallel_loop3A_408 : vector<16xi32>
        %parallel_loop3A_410 = tpu.vector_load_idx %arg10[%parallel_loop3A_206, %parallel_loop3A_409] : memref<256x128xf32, #tpu.memory_space<vmem>>[vector<16xi32>, vector<16xi32>], vector<16xf32>,
        %parallel_loop3A_411 = arith.constant 16 : i32
        %parallel_loop3A_412 = arith.muli %parallel_loop3A_202, %parallel_loop3A_411 : i32
        %parallel_loop3A_413 = arith.constant 19 : i32
        %parallel_loop3A_414 = arith.index_cast %parallel_loop3A_413 : i32 to index
        %parallel_loop3A_415 = arith.index_cast %parallel_loop3A_412 : i32 to index
        %parallel_loop3A_416 = tpu.vector_load %arg11[%parallel_loop3A_414, %parallel_loop3A_415] {strides = array<i32>} : memref<32x256xf32, #tpu.memory_space<vmem>>, vector<16xf32>,
        tpu.vector_store %arg11[%parallel_loop3A_414, %parallel_loop3A_415], %parallel_loop3A_410 {strides = array<i32>} : memref<32x256xf32, #tpu.memory_space<vmem>>, vector<16xf32>,
        %parallel_loop3A_417 = arith.constant 20 : i32
        %parallel_loop3A_418 = vector.broadcast %parallel_loop3A_417 : i32 to vector<16xi32>
        %parallel_loop3A_419 = arith.addi %parallel_loop3A_216, %parallel_loop3A_418 : vector<16xi32>
        %parallel_loop3A_420 = tpu.vector_load_idx %arg10[%parallel_loop3A_206, %parallel_loop3A_419] : memref<256x128xf32, #tpu.memory_space<vmem>>[vector<16xi32>, vector<16xi32>], vector<16xf32>,
        %parallel_loop3A_421 = arith.constant 16 : i32
        %parallel_loop3A_422 = arith.muli %parallel_loop3A_202, %parallel_loop3A_421 : i32
        %parallel_loop3A_423 = arith.constant 20 : i32
        %parallel_loop3A_424 = arith.index_cast %parallel_loop3A_423 : i32 to index
        %parallel_loop3A_425 = arith.index_cast %parallel_loop3A_422 : i32 to index
        %parallel_loop3A_426 = tpu.vector_load %arg11[%parallel_loop3A_424, %parallel_loop3A_425] {strides = array<i32>} : memref<32x256xf32, #tpu.memory_space<vmem>>, vector<16xf32>,
        tpu.vector_store %arg11[%parallel_loop3A_424, %parallel_loop3A_425], %parallel_loop3A_420 {strides = array<i32>} : memref<32x256xf32, #tpu.memory_space<vmem>>, vector<16xf32>,
        %parallel_loop3A_427 = arith.constant 21 : i32
        %parallel_loop3A_428 = vector.broadcast %parallel_loop3A_427 : i32 to vector<16xi32>
        %parallel_loop3A_429 = arith.addi %parallel_loop3A_216, %parallel_loop3A_428 : vector<16xi32>
        %parallel_loop3A_430 = tpu.vector_load_idx %arg10[%parallel_loop3A_206, %parallel_loop3A_429] : memref<256x128xf32, #tpu.memory_space<vmem>>[vector<16xi32>, vector<16xi32>], vector<16xf32>,
        %parallel_loop3A_431 = arith.constant 16 : i32
        %parallel_loop3A_432 = arith.muli %parallel_loop3A_202, %parallel_loop3A_431 : i32
        %parallel_loop3A_433 = arith.constant 21 : i32
        %parallel_loop3A_434 = arith.index_cast %parallel_loop3A_433 : i32 to index
        %parallel_loop3A_435 = arith.index_cast %parallel_loop3A_432 : i32 to index
        %parallel_loop3A_436 = tpu.vector_load %arg11[%parallel_loop3A_434, %parallel_loop3A_435] {strides = array<i32>} : memref<32x256xf32, #tpu.memory_space<vmem>>, vector<16xf32>,
        tpu.vector_store %arg11[%parallel_loop3A_434, %parallel_loop3A_435], %parallel_loop3A_430 {strides = array<i32>} : memref<32x256xf32, #tpu.memory_space<vmem>>, vector<16xf32>,
        %parallel_loop3A_437 = arith.constant 22 : i32
        %parallel_loop3A_438 = vector.broadcast %parallel_loop3A_437 : i32 to vector<16xi32>
        %parallel_loop3A_439 = arith.addi %parallel_loop3A_216, %parallel_loop3A_438 : vector<16xi32>
        %parallel_loop3A_440 = tpu.vector_load_idx %arg10[%parallel_loop3A_206, %parallel_loop3A_439] : memref<256x128xf32, #tpu.memory_space<vmem>>[vector<16xi32>, vector<16xi32>], vector<16xf32>,
        %parallel_loop3A_441 = arith.constant 16 : i32
        %parallel_loop3A_442 = arith.muli %parallel_loop3A_202, %parallel_loop3A_441 : i32
        %parallel_loop3A_443 = arith.constant 22 : i32
        %parallel_loop3A_444 = arith.index_cast %parallel_loop3A_443 : i32 to index
        %parallel_loop3A_445 = arith.index_cast %parallel_loop3A_442 : i32 to index
        %parallel_loop3A_446 = tpu.vector_load %arg11[%parallel_loop3A_444, %parallel_loop3A_445] {strides = array<i32>} : memref<32x256xf32, #tpu.memory_space<vmem>>, vector<16xf32>,
        tpu.vector_store %arg11[%parallel_loop3A_444, %parallel_loop3A_445], %parallel_loop3A_440 {strides = array<i32>} : memref<32x256xf32, #tpu.memory_space<vmem>>, vector<16xf32>,
        %parallel_loop3A_447 = arith.constant 23 : i32
        %parallel_loop3A_448 = vector.broadcast %parallel_loop3A_447 : i32 to vector<16xi32>
        %parallel_loop3A_449 = arith.addi %parallel_loop3A_216, %parallel_loop3A_448 : vector<16xi32>
        %parallel_loop3A_450 = tpu.vector_load_idx %arg10[%parallel_loop3A_206, %parallel_loop3A_449] : memref<256x128xf32, #tpu.memory_space<vmem>>[vector<16xi32>, vector<16xi32>], vector<16xf32>,
        %parallel_loop3A_451 = arith.constant 16 : i32
        %parallel_loop3A_452 = arith.muli %parallel_loop3A_202, %parallel_loop3A_451 : i32
        %parallel_loop3A_453 = arith.constant 23 : i32
        %parallel_loop3A_454 = arith.index_cast %parallel_loop3A_453 : i32 to index
        %parallel_loop3A_455 = arith.index_cast %parallel_loop3A_452 : i32 to index
        %parallel_loop3A_456 = tpu.vector_load %arg11[%parallel_loop3A_454, %parallel_loop3A_455] {strides = array<i32>} : memref<32x256xf32, #tpu.memory_space<vmem>>, vector<16xf32>,
        tpu.vector_store %arg11[%parallel_loop3A_454, %parallel_loop3A_455], %parallel_loop3A_450 {strides = array<i32>} : memref<32x256xf32, #tpu.memory_space<vmem>>, vector<16xf32>,
        %parallel_loop3A_457 = arith.constant 24 : i32
        %parallel_loop3A_458 = vector.broadcast %parallel_loop3A_457 : i32 to vector<16xi32>
        %parallel_loop3A_459 = arith.addi %parallel_loop3A_216, %parallel_loop3A_458 : vector<16xi32>
        %parallel_loop3A_460 = tpu.vector_load_idx %arg10[%parallel_loop3A_206, %parallel_loop3A_459] : memref<256x128xf32, #tpu.memory_space<vmem>>[vector<16xi32>, vector<16xi32>], vector<16xf32>,
        %parallel_loop3A_461 = arith.constant 16 : i32
        %parallel_loop3A_462 = arith.muli %parallel_loop3A_202, %parallel_loop3A_461 : i32
        %parallel_loop3A_463 = arith.constant 24 : i32
        %parallel_loop3A_464 = arith.index_cast %parallel_loop3A_463 : i32 to index
        %parallel_loop3A_465 = arith.index_cast %parallel_loop3A_462 : i32 to index
        %parallel_loop3A_466 = tpu.vector_load %arg11[%parallel_loop3A_464, %parallel_loop3A_465] {strides = array<i32>} : memref<32x256xf32, #tpu.memory_space<vmem>>, vector<16xf32>,
        tpu.vector_store %arg11[%parallel_loop3A_464, %parallel_loop3A_465], %parallel_loop3A_460 {strides = array<i32>} : memref<32x256xf32, #tpu.memory_space<vmem>>, vector<16xf32>,
        %parallel_loop3A_467 = arith.constant 25 : i32
        %parallel_loop3A_468 = vector.broadcast %parallel_loop3A_467 : i32 to vector<16xi32>
        %parallel_loop3A_469 = arith.addi %parallel_loop3A_216, %parallel_loop3A_468 : vector<16xi32>
        %parallel_loop3A_470 = tpu.vector_load_idx %arg10[%parallel_loop3A_206, %parallel_loop3A_469] : memref<256x128xf32, #tpu.memory_space<vmem>>[vector<16xi32>, vector<16xi32>], vector<16xf32>,
        %parallel_loop3A_471 = arith.constant 16 : i32
        %parallel_loop3A_472 = arith.muli %parallel_loop3A_202, %parallel_loop3A_471 : i32
        %parallel_loop3A_473 = arith.constant 25 : i32
        %parallel_loop3A_474 = arith.index_cast %parallel_loop3A_473 : i32 to index
        %parallel_loop3A_475 = arith.index_cast %parallel_loop3A_472 : i32 to index
        %parallel_loop3A_476 = tpu.vector_load %arg11[%parallel_loop3A_474, %parallel_loop3A_475] {strides = array<i32>} : memref<32x256xf32, #tpu.memory_space<vmem>>, vector<16xf32>,
        tpu.vector_store %arg11[%parallel_loop3A_474, %parallel_loop3A_475], %parallel_loop3A_470 {strides = array<i32>} : memref<32x256xf32, #tpu.memory_space<vmem>>, vector<16xf32>,
        %parallel_loop3A_477 = arith.constant 26 : i32
        %parallel_loop3A_478 = vector.broadcast %parallel_loop3A_477 : i32 to vector<16xi32>
        %parallel_loop3A_479 = arith.addi %parallel_loop3A_216, %parallel_loop3A_478 : vector<16xi32>
        %parallel_loop3A_480 = tpu.vector_load_idx %arg10[%parallel_loop3A_206, %parallel_loop3A_479] : memref<256x128xf32, #tpu.memory_space<vmem>>[vector<16xi32>, vector<16xi32>], vector<16xf32>,
        %parallel_loop3A_481 = arith.constant 16 : i32
        %parallel_loop3A_482 = arith.muli %parallel_loop3A_202, %parallel_loop3A_481 : i32
        %parallel_loop3A_483 = arith.constant 26 : i32
        %parallel_loop3A_484 = arith.index_cast %parallel_loop3A_483 : i32 to index
        %parallel_loop3A_485 = arith.index_cast %parallel_loop3A_482 : i32 to index
        %parallel_loop3A_486 = tpu.vector_load %arg11[%parallel_loop3A_484, %parallel_loop3A_485] {strides = array<i32>} : memref<32x256xf32, #tpu.memory_space<vmem>>, vector<16xf32>,
        tpu.vector_store %arg11[%parallel_loop3A_484, %parallel_loop3A_485], %parallel_loop3A_480 {strides = array<i32>} : memref<32x256xf32, #tpu.memory_space<vmem>>, vector<16xf32>,
        %parallel_loop3A_487 = arith.constant 27 : i32
        %parallel_loop3A_488 = vector.broadcast %parallel_loop3A_487 : i32 to vector<16xi32>
        %parallel_loop3A_489 = arith.addi %parallel_loop3A_216, %parallel_loop3A_488 : vector<16xi32>
        %parallel_loop3A_490 = tpu.vector_load_idx %arg10[%parallel_loop3A_206, %parallel_loop3A_489] : memref<256x128xf32, #tpu.memory_space<vmem>>[vector<16xi32>, vector<16xi32>], vector<16xf32>,
        %parallel_loop3A_491 = arith.constant 16 : i32
        %parallel_loop3A_492 = arith.muli %parallel_loop3A_202, %parallel_loop3A_491 : i32
        %parallel_loop3A_493 = arith.constant 27 : i32
        %parallel_loop3A_494 = arith.index_cast %parallel_loop3A_493 : i32 to index
        %parallel_loop3A_495 = arith.index_cast %parallel_loop3A_492 : i32 to index
        %parallel_loop3A_496 = tpu.vector_load %arg11[%parallel_loop3A_494, %parallel_loop3A_495] {strides = array<i32>} : memref<32x256xf32, #tpu.memory_space<vmem>>, vector<16xf32>,
        tpu.vector_store %arg11[%parallel_loop3A_494, %parallel_loop3A_495], %parallel_loop3A_490 {strides = array<i32>} : memref<32x256xf32, #tpu.memory_space<vmem>>, vector<16xf32>,
        %parallel_loop3A_497 = arith.constant 28 : i32
        %parallel_loop3A_498 = vector.broadcast %parallel_loop3A_497 : i32 to vector<16xi32>
        %parallel_loop3A_499 = arith.addi %parallel_loop3A_216, %parallel_loop3A_498 : vector<16xi32>
        %parallel_loop3A_500 = tpu.vector_load_idx %arg10[%parallel_loop3A_206, %parallel_loop3A_499] : memref<256x128xf32, #tpu.memory_space<vmem>>[vector<16xi32>, vector<16xi32>], vector<16xf32>,
        %parallel_loop3A_501 = arith.constant 16 : i32
        %parallel_loop3A_502 = arith.muli %parallel_loop3A_202, %parallel_loop3A_501 : i32
        %parallel_loop3A_503 = arith.constant 28 : i32
        %parallel_loop3A_504 = arith.index_cast %parallel_loop3A_503 : i32 to index
        %parallel_loop3A_505 = arith.index_cast %parallel_loop3A_502 : i32 to index
        %parallel_loop3A_506 = tpu.vector_load %arg11[%parallel_loop3A_504, %parallel_loop3A_505] {strides = array<i32>} : memref<32x256xf32, #tpu.memory_space<vmem>>, vector<16xf32>,
        tpu.vector_store %arg11[%parallel_loop3A_504, %parallel_loop3A_505], %parallel_loop3A_500 {strides = array<i32>} : memref<32x256xf32, #tpu.memory_space<vmem>>, vector<16xf32>,
        %parallel_loop3A_507 = arith.constant 29 : i32
        %parallel_loop3A_508 = vector.broadcast %parallel_loop3A_507 : i32 to vector<16xi32>
        %parallel_loop3A_509 = arith.addi %parallel_loop3A_216, %parallel_loop3A_508 : vector<16xi32>
        %parallel_loop3A_510 = tpu.vector_load_idx %arg10[%parallel_loop3A_206, %parallel_loop3A_509] : memref<256x128xf32, #tpu.memory_space<vmem>>[vector<16xi32>, vector<16xi32>], vector<16xf32>,
        %parallel_loop3A_511 = arith.constant 16 : i32
        %parallel_loop3A_512 = arith.muli %parallel_loop3A_202, %parallel_loop3A_511 : i32
        %parallel_loop3A_513 = arith.constant 29 : i32
        %parallel_loop3A_514 = arith.index_cast %parallel_loop3A_513 : i32 to index
        %parallel_loop3A_515 = arith.index_cast %parallel_loop3A_512 : i32 to index
        %parallel_loop3A_516 = tpu.vector_load %arg11[%parallel_loop3A_514, %parallel_loop3A_515] {strides = array<i32>} : memref<32x256xf32, #tpu.memory_space<vmem>>, vector<16xf32>,
        tpu.vector_store %arg11[%parallel_loop3A_514, %parallel_loop3A_515], %parallel_loop3A_510 {strides = array<i32>} : memref<32x256xf32, #tpu.memory_space<vmem>>, vector<16xf32>,
        %parallel_loop3A_517 = arith.constant 30 : i32
        %parallel_loop3A_518 = vector.broadcast %parallel_loop3A_517 : i32 to vector<16xi32>
        %parallel_loop3A_519 = arith.addi %parallel_loop3A_216, %parallel_loop3A_518 : vector<16xi32>
        %parallel_loop3A_520 = tpu.vector_load_idx %arg10[%parallel_loop3A_206, %parallel_loop3A_519] : memref<256x128xf32, #tpu.memory_space<vmem>>[vector<16xi32>, vector<16xi32>], vector<16xf32>,
        %parallel_loop3A_521 = arith.constant 16 : i32
        %parallel_loop3A_522 = arith.muli %parallel_loop3A_202, %parallel_loop3A_521 : i32
        %parallel_loop3A_523 = arith.constant 30 : i32
        %parallel_loop3A_524 = arith.index_cast %parallel_loop3A_523 : i32 to index
        %parallel_loop3A_525 = arith.index_cast %parallel_loop3A_522 : i32 to index
        %parallel_loop3A_526 = tpu.vector_load %arg11[%parallel_loop3A_524, %parallel_loop3A_525] {strides = array<i32>} : memref<32x256xf32, #tpu.memory_space<vmem>>, vector<16xf32>,
        tpu.vector_store %arg11[%parallel_loop3A_524, %parallel_loop3A_525], %parallel_loop3A_520 {strides = array<i32>} : memref<32x256xf32, #tpu.memory_space<vmem>>, vector<16xf32>,
        %parallel_loop3A_527 = arith.constant 31 : i32
        %parallel_loop3A_528 = vector.broadcast %parallel_loop3A_527 : i32 to vector<16xi32>
        %parallel_loop3A_529 = arith.addi %parallel_loop3A_216, %parallel_loop3A_528 : vector<16xi32>
        %parallel_loop3A_530 = tpu.vector_load_idx %arg10[%parallel_loop3A_206, %parallel_loop3A_529] : memref<256x128xf32, #tpu.memory_space<vmem>>[vector<16xi32>, vector<16xi32>], vector<16xf32>,
        %parallel_loop3A_531 = arith.constant 16 : i32
        %parallel_loop3A_532 = arith.muli %parallel_loop3A_202, %parallel_loop3A_531 : i32
        %parallel_loop3A_533 = arith.constant 31 : i32
        %parallel_loop3A_534 = arith.index_cast %parallel_loop3A_533 : i32 to index
        %parallel_loop3A_535 = arith.index_cast %parallel_loop3A_532 : i32 to index
        %parallel_loop3A_536 = tpu.vector_load %arg11[%parallel_loop3A_534, %parallel_loop3A_535] {strides = array<i32>} : memref<32x256xf32, #tpu.memory_space<vmem>>, vector<16xf32>,
        tpu.vector_store %arg11[%parallel_loop3A_534, %parallel_loop3A_535], %parallel_loop3A_530 {strides = array<i32>} : memref<32x256xf32, #tpu.memory_space<vmem>>, vector<16xf32>,
      } {sc.loop_unroll_factor = 2 : i64, sc.parallel_access}
      "tpu.region"() ({
        %run_scoped3A = tpu.sem_alloc : memref<!tpu.dma_semaphore, #tpu.memory_space<semaphore_mem>>
        %dma_start3A_202 = arith.constant 0 : i32
        %dma_start3A_203 = tpu.memref_slice %arg4[%select_n3A_177, %dma_start3A_202, %mul3A_195] : memref<50x32x16384xf32, #tpu.memory_space<hbm>> -> memref<1x32x256xf32, #tpu.memory_space<hbm>>
        %dma_start3A_204 = tpu.memref_squeeze %dma_start3A_203 : memref<1x32x256xf32, #tpu.memory_space<hbm>> -> memref<32x256xf32, #tpu.memory_space<hbm>>
        %dma_start3A_205 = arith.constant 0 : i32
        %dma_start3A_206 = tpu.memref_slice %arg4[%select_n3A_177, %dma_start3A_205, %mul3A_195] : memref<50x32x16384xf32, #tpu.memory_space<hbm>> -> memref<1x32x256xf32, #tpu.memory_space<hbm>>
        %dma_start3A_207 = tpu.memref_squeeze %dma_start3A_206 : memref<1x32x256xf32, #tpu.memory_space<hbm>> -> memref<32x256xf32, #tpu.memory_space<hbm>>
        tpu.enqueue_dma source(%arg11 : memref<32x256xf32, #tpu.memory_space<vmem>>) target(%dma_start3A_207 : memref<32x256xf32, #tpu.memory_space<hbm>>) target_semaphore(%run_scoped3A : memref<!tpu.dma_semaphore, #tpu.memory_space<semaphore_mem>>)
        %dma_wait3A_208 = arith.constant 0 : i32
        %dma_wait3A_209 = tpu.memref_slice %arg4[%select_n3A_177, %dma_wait3A_208, %mul3A_195] : memref<50x32x16384xf32, #tpu.memory_space<hbm>> -> memref<1x32x256xf32, #tpu.memory_space<hbm>>
        %dma_wait3A_210 = tpu.memref_squeeze %dma_wait3A_209 : memref<1x32x256xf32, #tpu.memory_space<hbm>> -> memref<32x256xf32, #tpu.memory_space<hbm>>
        %dma_wait3A_211 = arith.constant 0 : i32
        %dma_wait3A_212 = tpu.memref_slice %arg4[%select_n3A_177, %dma_wait3A_211, %mul3A_195] : memref<50x32x16384xf32, #tpu.memory_space<hbm>> -> memref<1x32x256xf32, #tpu.memory_space<hbm>>
        %dma_wait3A_213 = tpu.memref_squeeze %dma_wait3A_212 : memref<1x32x256xf32, #tpu.memory_space<hbm>> -> memref<32x256xf32, #tpu.memory_space<hbm>>
        tpu.wait_dma2 semaphore(%run_scoped3A : memref<!tpu.dma_semaphore, #tpu.memory_space<semaphore_mem>>) src(%arg11 : memref<32x256xf32, #tpu.memory_space<vmem>>) dst(%dma_wait3A_213 : memref<32x256xf32, #tpu.memory_space<hbm>>)
        tpu.yield
      }) : () -> ()
    }
    %scan3A_43 = arith.constant 50 : i32
    return
  }
}

</mosaic_0001>

<sc_bundles>
// kernel: kernel.3.cloned.1.call-start
scs
__scs_entry_jumppad:
0x0: {  	(pc) =	sbr.rel $0x88, $3  }
0x1: {  	(tag) =	ssettag $0x0;
	lr =	simm.s32 $0x1  }
0x2: {  	[smem:$0x3F9F] =	sst lr;
	_ =	strace $0xD0000000  }
0x3: {  	_ = 	snop  }
0x4: {  	_ = 	snop  }
0x5: {  	_ = 	snop  }
0x6: {  	_ = 	snop  }
0x7: {  	_ = 	snop  }
__scs_overlays_trampoline_lowered:
0x8: {  	[smem:$0x3FAE] =	sst s0  }
0x9: {  	[smem:$0x3FAF] =	sst s1  }
0xa: {  	[smem:$0x3FB0] =	sst s2  }
0xb: {  	[smem:$0x3FB1] =	sst s3  }
0xc: {  	[smem:$0x3FB2] =	sst s4  }
0xd: {  	[smem:$0x3FB3] =	sst s5  }
0xe: {  	[smem:$0x3FB4] =	sst s6  }
0xf: {  	[smem:$0x3FB5] =	sst s7  }
0x10: {  	[smem:$0x3FB6] =	sst s8  }
0x11: {  	[smem:$0x3FB7] =	sst s9;
	s0 =	simm.s32 @!p0 $0x0  }
0x12: {  	s1 =	sld [smem:$0x3F9D];
	s0 =	simm.s32 @p0 $0x1  }
0x13: {  	[smem:$0x3FB8] =	sst s0;
	s0 =	simm.s32 @!p1 $0x0  }
0x14: {  	s2 =	sld [smem:$0x3F9C];
	s0 =	simm.s32 @p1 $0x1  }
0x15: {  	[smem:$0x3FB9] =	sst s0;
	s0 =	simm.s32 @!p2 $0x0  }
0x16: {  	s3 =	sld [smem:$0x3FDB];
	s0 =	simm.s32 @p2 $0x1  }
0x17: {  	s4 =	simm.s32 $0x1BF5;
	[smem:$0x3FBB] =	sst s0  }
0x18: {  	s0 =	sld [smem:$0x3F9E];
	_ =	swait.ge [sflag:s4], $0x0  }
0x19: {  	s7 =	sld [smem:$0x3F9F]  }
0x1a: {  	s8 =	sadd.s32 $0xFFFFE003, lr  }
0x1b: {  	s9 =	sadd.s32 $0xFFFFFEF7, lr;
	s5 =	simm.s32 $0xFFFFFFFF;
	p2 =	slt.u32 s8, $0xFFFFF086  }
0x1c: {  	p1 =	slt.u32 s9, $0xF7A;
	s5 =	simm.s32 @!p2 $0x0  }
0x1d: {  	s5 =	simm.s32 @p1 $0x1;
	p0 =	seq.s32 s7, s2  }
0x1e: {  	s7 =	smul.u32 @!p0 $0xF7A, s2;
	p2 =	seq.s32 @!p0 s5, $0x0  }
0x1f: {  	s9 =	smul.u32 $0xF7A, s1;
	s8 =	simm.s32 @!p0 $0x1BF5;
	p2 =	por !p2, p0  }
0x20: {  	[sflag:s8] =	ssyncset.s32 @!p0 $0xFFFFF086;
	s6 =	sadd.s32 @!p0 s3, s7;
	s7 =	simm.s32 @!p0 $0x108  }
0x21: {  	s3 =	sadd.s32 s3, s9;
	s6 =	sadd.s32 @!p0 $0x88, s6;
	s7 =	simm.s32 @p2 $0x1082  }
0x22: {  	[simem:s7], [sflag:s8] =	dma.local @!p0 [hbm:s6], $0xF7A  }
0x23: {  	s9 =	sor.u32 $0xD0000000, s2;
	s6 =	simm.s32 $0x108;
	_ =	swait.ge @!p0 [sflag:s8], $0x0  }
0x24: {  	s3 =	sadd.s32 $0x88, s3;
	s6 =	simm.s32 @!p1 $0x1082;
	[sflag:s4] =	ssyncset.s32 $0xFFFFF086  }
0x25: {  	[simem:s6], [sflag:s4] =	dma.local [hbm:s3], $0xF7A  }
0x26: {  	[smem:$0x3F9F] =	sst s1;
	(tag) =	ssettag s2;
	_ =	strace s9  }
0x27: {  	s1 =	sld [smem:$0x3FAF]  }
0x28: {  	s2 =	sld [smem:$0x3FB0]  }
0x29: {  	s4 =	sld [smem:$0x3FB2]  }
0x2a: {  	p0 =	seq.s32 s5, $0x0;
	s5 =	sld [smem:$0x3FB3]  }
0x2b: {  	s6 =	sld [smem:$0x3FB4]  }
0x2c: {  	s7 =	sld [smem:$0x3FB5]  }
0x2d: {  	s3 =	simm.s32 $0x108;
	s8 =	sld [smem:$0x3FB6]  }
0x2e: {  	s3 =	simm.s32 @!p0 $0x1082;
	s9 =	sld [smem:$0x3FB7]  }
0x2f: {  	lr =	sadd.s32 s0, s3;
	s0 =	sld [smem:$0x3FAE]  }
0x30: {  	s3 =	sld [smem:$0x3FB1]  }
0x31: {  	[smem:$0x3FBA] =	sst s10  }
0x32: {  	s10 =	sld [smem:$0x3FB8];
	_ =	sdelay $0x3  }
0x33: {  	p0 =	seq.s32 s10, $0x1;
	s10 =	sld [smem:$0x3FBA];
	_ =	sdelay $0x3  }
0x34: {  	[smem:$0x3FBA] =	sst s10  }
0x35: {  	s10 =	sld [smem:$0x3FB9];
	_ =	sdelay $0x3  }
0x36: {  	p1 =	seq.s32 s10, $0x1;
	s10 =	sld [smem:$0x3FBA];
	_ =	sdelay $0x3  }
0x37: {  	[smem:$0x3FBA] =	sst s10  }
0x38: {  	s10 =	sld [smem:$0x3FBB]  }
0x39: {  	_ = 	snop;
	(pc) =	sbr.ind lr, $3  }
0x3a: {  	_ = 	snop  }
0x3b: {  	_ = 	snop  }
0x3c: {  	p2 =	seq.s32 s10, $0x1;
	s10 =	sld [smem:$0x3FBA]  }
0x3d: {  	_ =	shalt  }
0x3e: {  	_ =	shalt  }
0x3f: {  	_ =	shalt  }
0x40: {  	_ =	shalt  }
0x41: {  	_ =	shalt  }
0x42: {  	_ =	shalt  }
0x43: {  	_ =	shalt  }
0x44: {  	_ =	shalt  }
0x45: {  	_ =	shalt  }
0x46: {  	_ =	shalt  }
0x47: {  	_ =	shalt  }
0x48: {  	_ =	shalt  }
0x49: {  	_ =	shalt  }
0x4a: {  	_ =	shalt  }
0x4b: {  	_ =	shalt  }
0x4c: {  	_ =	shalt  }
0x4d: {  	_ =	shalt  }
0x4e: {  	_ =	shalt  }
0x4f: {  	_ =	shalt  }
0x50: {  	_ =	shalt  }
0x51: {  	_ =	shalt  }
0x52: {  	_ =	shalt  }
0x53: {  	_ =	shalt  }
0x54: {  	_ =	shalt  }
0x55: {  	_ =	shalt  }
0x56: {  	_ =	shalt  }
0x57: {  	_ =	shalt  }
0x58: {  	_ =	shalt  }
0x59: {  	_ =	shalt  }
0x5a: {  	_ =	shalt  }
0x5b: {  	_ =	shalt  }
0x5c: {  	_ =	shalt  }
0x5d: {  	_ =	shalt  }
0x5e: {  	_ =	shalt  }
0x5f: {  	_ =	shalt  }
0x60: {  	_ =	shalt  }
0x61: {  	_ =	shalt  }
0x62: {  	_ =	shalt  }
0x63: {  	_ =	shalt  }
0x64: {  	_ =	shalt  }
0x65: {  	_ =	shalt  }
0x66: {  	_ =	shalt  }
0x67: {  	_ =	shalt  }
0x68: {  	_ =	shalt  }
0x69: {  	_ =	shalt  }
0x6a: {  	_ =	shalt  }
0x6b: {  	_ =	shalt  }
0x6c: {  	_ =	shalt  }
0x6d: {  	_ =	shalt  }
0x6e: {  	_ =	shalt  }
0x6f: {  	_ =	shalt  }
0x70: {  	_ =	shalt  }
0x71: {  	_ =	shalt  }
0x72: {  	_ =	shalt  }
0x73: {  	_ =	shalt  }
0x74: {  	_ =	shalt  }
0x75: {  	_ =	shalt  }
0x76: {  	_ =	shalt  }
0x77: {  	_ =	shalt  }
0x78: {  	_ =	shalt  }
0x79: {  	_ =	shalt  }
0x7a: {  	_ =	shalt  }
0x7b: {  	_ =	shalt  }
0x7c: {  	_ =	shalt  }
0x7d: {  	_ =	shalt  }
0x7e: {  	_ =	shalt  }
0x7f: {  	_ =	shalt  }
0x80: {  	_ =	shalt  }
0x81: {  	_ =	shalt  }
0x82: {  	_ =	shalt  }
0x83: {  	_ =	shalt  }
0x84: {  	_ =	shalt  }
0x85: {  	_ =	shalt  }
0x86: {  	_ =	shalt  }
0x87: {  	_ =	shalt  }
.Lfunc_end0:
.L_simem_size_0:
called_computation_lowered:
.L_overlay_start_0:
0x88: {  	s2 =	sld [smem:$0x3FD9]  }
0x89: {  	s3 =	sld [smem:$0x3FFE];
	_ =	sdelay $0x1  }
0x8a: {  	s1 =	srdreg.scid  }
0x8b: {  	s0 =	sand.u32 $0x1, s1  }
0x8c: {  	s17 =	sshll.u32 s0, $0xA;
	s2 =	sadd.s32 s3, s2  }
0x8d: {  	s2 =	sadd.s32 s2, s17  }
0x8e: {  	[smem:$0x3FC6] =	sst s2  }
0x8f: {  	_ = 	snop  }
0x90: {  	s2 =	sld [smem:$0x3FC9]  }
0x91: {  	s18 =	sld [smem:$0x3FD0];
	(tm) =	ssettm $0x1  }
0x92: {  	s4 =	sld [smem:$0x3FFB];
	_ =	sdelay $0x3  }
0x93: {  	_ =	strace s4  }
0x94: {  	s4 =	sld [smem:$0x3FFC];
	_ =	sdelay $0x3  }
0x95: {  	_ =	strace s4  }
0x96: {  	s4 =	sld [smem:$0x3FFD];
	_ =	sdelay $0x3  }
0x97: {  	_ =	strace s4  }
0x98: {  	_ =	strace $0x8FFFFFFF  }
0x99: {  	s19 =	sld [smem:$0x3FDB];
	_ =	sdelay $0x1  }
0x9a: {  	s5 =	simm.s32 $_scs_section_size  }
0x9b: {  	s6 =	simm.s32 $_size__tile_overlayer_lowered;
	s7 =	simm.s32 $_tile_overlayer_lowered  }
0x9c: {  	s22 =	simm.s32 $0x1BFF;
	s21 =	sshll.u32 s7, $0x1;
	s4 =	sadd.s32 s5, s19  }
0x9d: {  	s8 =	simm.s32 $0x0;
	s20 =	sshll.u32 s6, $0x1;
	s6 =	sadd.s32 s21, s4  }
0x9e: {  	[timem:s8], [sflag:s22] =	dma.local [hbm:s6], s20  }
0x9f: {  	_ =	swait.ge [sflag:s22], s20  }
0xa0: {  	s5 =	ssub.s32 $0x0, s20;
	[sflag:s22] =	ssyncset.done $0x0  }
0xa1: {  	[sflag:s22] =	ssyncadd.s32 s5;
	_ =	sdelay $0x1  }
0xa2: {  	s23 =	simm.s32 $0x1B8B  }
0xa3: {  	_ =	swait.ge [sflag:s23], $0x1  }
0xa4: {  	[sflag:s23] =	ssyncset.done $0x0  }
0xa5: {  	s25 =	simm.s32 $0x1B8E;
	s24 =	sld [smem:$0x3FFE];
	[sflag:s23] =	ssyncadd.s32 $0xFFFFFFFF  }
0xa6: {  	s26 =	simm.s32 $execute0_lowered;
	[smem:$0x3FD2] =	sst s25  }
0xa7: {  	s6 =	sshll.u32 s26, $0x1;
	_ =	strace $0x80000046;
	[dreg:$0x1] =	wrdreg $0xFFFFFFFF  }
0xa8: {  	s28 =	simm.s32 $_size_execute0_lowered;
	s4 =	sadd.s32 s4, s6;
	[dreg:$0x0] =	wrdreg $0x0  }
0xa9: {  	s6 =	sshll.u32 s28, $0x1;
	[dreg:$0x2] =	wrdreg s4  }
0xaa: {  	[dreg:$0x3] =	wrdreg s6  }
0xab: {  	[dreg:$0x4] =	wrdreg $0xC0  }
0xac: {  	_ =	task [dreg:s8], $0x5FFFF  }
0xad: {  	[dreg:$0x1] =	wrdreg $0xFFFFFFFF  }
0xae: {  	[dreg:$0x0] =	wrdreg $0x60  }
0xaf: {  	[dreg:$0x2] =	wrdreg s2  }
0xb0: {  	[dreg:$0x3] =	wrdreg s24  }
0xb1: {  	[dreg:$0x4] =	wrdreg s18  }
0xb2: {  	[dreg:$0x5] =	wrdreg $0x9  }
0xb3: {  	_ =	task.clear_ibuf [dreg:s8], $0x6FFFF;
	_ =	strace $0x90000046  }
0xb4: {  	s29 =	simm.s32 $0x9;
	_ =	strace $0x80000048  }
0xb5: {  	_ =	swait.ge [sflag:s29], $0x1  }
0xb6: {  	[sflag:s29] =	ssyncadd.s32 $0xFFFFFFFF  }
0xb7: {  	_ =	strace $0x90000048  }
0xb8: {  	_ =	sfence  }
0xb9: {  	s30 =	sld [smem:$0x0];
	_ =	sdelay $0x2  }
0xba: {  	s31 =	sshll.u32 s1, $0xD;
	s1 =	sshrl.u32 s1, $0x2  }
0xbb: {  	s3 =	sand.u32 $0x4000, s31;
	s1 =	sadd.s32 s1, s30  }
0xbc: {  	s0 =	sor.u32 s3, s0;
	s1 =	sshll.u32 s1, $0x11  }
0xbd: {  	s0 =	sor.u32 s1, s0  }
0xbe: {  	s0 =	sadd.s32 $0x8F2B, s0  }
0xbf: {  	[sflag:s0] =	ssyncadd.remote.s32 $0x1  }
0xc0: {  	_ =	sfence.sel $0xFFFF  }
0xc1: {  	[dreg:$0x0] =	wrdreg $0xFFFFFFFF;
	(pc) =	sbr.abs _section_cstart, $3  }
0xc2: {  	[dreg:$0x1] =	wrdreg $0xFFFFFFFF  }
0xc3: {  	_ =	task.clear_ibuf [dreg:s8], $0x2FFFF;
	_ =	strace $0x9FFFFFFF  }
0xc4: {  	(tm) =	ssettm $0x7FFFFFFF  }
0xc5: {  	_ =	shalt  }
tec
execute0_lowered:
.L_overlay_start_1:
0x0: {  	(tag) =	ssettag $0x1  }
0x1: {  	s0 =	srdreg.scid;
	s1 =	stileid.u32  }
0x2: {  	s0 =	sand.u32 $0x1, s0;
	s1 =	sshll.u32 s1, $0x1  }
0x3: {  	s1 =	sor.u32 s0, s1  }
0x4: {  	s5 =	rddreg [dreg:$0x0];
	s4 =	smul.u32 $0x64, s1  }
0x5: {  	s2 =	rddreg [dreg:$0x1];
	s3 =	simm.s32 $0x0;
	s1 =	smul.u32 $0x12000, s1  }
0x6: {  	s24 =	simm.s32 $0x400;
	[smem:$0x7FF] =	sst s3;
	s0 =	ssub.s32 $0x2, s0  }
0x7: {  	s31 =	sshrl.u32 s0, $0x1;
	s29 =	sshll.u32 s4, $0x8;
	s1 =	sand.u32 $0x1E000, s1  }
0x8: {  	[dreg:$0xf] =	wrdreg s4;
	s4 =	sshll.u32 s4, $0x1;
	s3 =	sand.u32 $0xE0000, s29  }
0x9: {  	s0 =	ssub.s32 s0, s31;
	s30 =	sand.u32 $0x380, s4;
	s1 =	sor.u32 s1, s3  }
0xa: {  	v0 =	vlaneseq.u32;
	s2 =	sadd.s32 $0xF42800, s2;
	s0 =	smax.u32 s0, $0x1;
	s1 =	sor.u32 s30, s1  }
0xb: {  	v0 =	vmul.u32 $0x80, v0;
	_ =	strace $0x80000047;
	[dreg:$0x10] =	wrdreg s2;
	s1 =	sshrl.u32 s1, $0x3  }
0xc: {  	s15 =	simm.s32 $0x8400;
	[dreg:$0x12] =	wrdreg s0;
	s1 =	sadd.s32 s5, s1  }
0xd: {  	[tilespmem:$0x1FFF0] =	vst v0;
	s3 =	simm.s32 $0x3;
	[dreg:$0x11] =	wrdreg s1;
	s1 =	simm.s32 $0x0  }
.LBB2_1:
0xe: {  	[dreg:$0x13] =	wrdreg s1  }
0xf: {  	s0 =	simm.s32 $0x0;
	s31 =	rddreg [dreg:$0x11];
	s2 =	simm.s32 $0x80  }
0x10: {  	[tilespmem:s0], [sflag:$0x3] =	stream.strided.gather [hbm4b:s31+s2], $0x100, s24, s2, $0x38;
	[tilespmem:$0x12400] =	vst v63  }
0x11: {  	_ =	swait.ge [sflag:s3], $0x100  }
0x12: {  	[sflag:s3] =	ssyncset.done $0x0  }
0x13: {  	s0 =	simm.s32 $0x0;
	[sflag:s3] =	ssyncadd.s32 $0xFFFFFF00  }
0x14: {  	s1 =	simm.s32 $0x40;
	v0 =	vld [tilespmem:s0+$0x0]  }
.LBB2_2:
0x15: {  	p0 =	sne.s32 s1, $0x3C0  }
.Ltmp0:
0x16: {  	_ = 	snop;
	(pc) =	sbr.rel @p0 .LBB2_2-.Ltmp0, $3  }
0x17: {  	_ =	sdelay $0x1  }
0x18: {  	s2 =	sshra.s32 s1, $0x2;
	s1 =	sadd.s32 $0x40, s1;
	v1 =	vshrl.u32 v0, $0x2  }
0x19: {  	v0 =	vld [tilespmem:s2+$0x0];
	[tilespmem:s0+$0x200] =	vst v1;
	s0 =	smov.u32 s2  }
0x1a: {  	_ =	sdelay $0x3  }
0x1b: {  	v0 =	vshrl.u32 v0, $0x2  }
0x1c: {  	[tilespmem:s0+$0x200] =	vst v0  }
0x1d: {  	s1 =	simm.s32 $0x100;
	s2 =	simm.s32 $0x200;
	s0 =	rddreg [dreg:$0x10]  }
0x1e: {  	[tilespmem:s24], [sflag:$0x1] =	stream.indirect.gather [hbm4b:s0+s1], $0x80, s2, s1, $0xb8;
	[tilespmem:$0x12400] =	vst v63  }
0x1f: {  	s0 =	simm.s32 $0x0  }
.LBB2_4:
0x20: {  	s25 =	sshll.u32 s0, $0x1;
	s1 =	rddreg [dreg:$0xf]  }
0x21: {  	s5 =	sadd.s32 s1, s25  }
0x22: {  	[dreg:$0x14] =	wrdreg s0;
	s0 =	sshll.u32 s5, $0xB  }
0x23: {  	s2 =	sshll.u32 s5, $0x8;
	s1 =	sshll.u32 s5, $0x1;
	s0 =	sand.u32 $0x1F000, s0  }
0x24: {  	[dreg:$0x18] =	wrdreg s2;
	s2 =	sand.u32 $0x7FFE0000, s2;
	s1 =	sand.u32 $0x380, s1  }
0x25: {  	s4 =	sor.u32 $0x800, s0;
	s26 =	sor.u32 s1, s2  }
0x26: {  	s0 =	sor.u32 s4, s26  }
0x27: {  	s28 =	rddreg [dreg:$0x0];
	s29 =	simm.s32 $0x80;
	s0 =	sshrl.u32 s0, $0x3  }
0x28: {  	s30 =	simm.s32 $0x100;
	[dreg:$0x15] =	wrdreg s4;
	s0 =	sadd.s32 s28, s0  }
0x29: {  	[tilespmem:s30], [sflag:$0x3] =	stream.strided.gather [hbm4b:s0+s29], $0x100, s24, s29, $0x38;
	[tilespmem:$0x12400] =	vst v63  }
0x2a: {  	_ =	swait.ge [sflag:s3], $0x100  }
0x2b: {  	s31 =	sshrl.u32 s5, $0x6;
	[dreg:$0x17] =	wrdreg s5;
	[sflag:s3] =	ssyncset.done $0x0  }
0x2c: {  	s0 =	simm.s32 $0x0;
	[dreg:$0x16] =	wrdreg s31;
	[sflag:s3] =	ssyncadd.s32 $0xFFFFFF00  }
0x2d: {  	s1 =	simm.s32 $0x40;
	v0 =	vld [tilespmem:s0+$0x100]  }
.LBB2_5:
0x2e: {  	p0 =	sne.s32 s1, $0x3C0  }
.Ltmp1:
0x2f: {  	_ = 	snop;
	(pc) =	sbr.rel @p0 .LBB2_5-.Ltmp1, $3  }
0x30: {  	_ =	sdelay $0x1  }
0x31: {  	s2 =	sshra.s32 s1, $0x2;
	s1 =	sadd.s32 $0x40, s1;
	v1 =	vshrl.u32 v0, $0x2  }
0x32: {  	v0 =	vld [tilespmem:s2+$0x100];
	[tilespmem:s0+$0x300] =	vst v1;
	s0 =	smov.u32 s2  }
0x33: {  	_ =	sdelay $0x3  }
0x34: {  	v0 =	vshrl.u32 v0, $0x2  }
0x35: {  	s1 =	simm.s32 $0x100;
	[tilespmem:s0+$0x300] =	vst v0  }
0x36: {  	s2 =	simm.s32 $0x300;
	s11 =	simm.s32 $0x1;
	s0 =	rddreg [dreg:$0x10]  }
0x37: {  	[tilespmem:s15], [sflag:$0x2] =	stream.indirect.gather [hbm4b:s0+s1], $0x80, s2, s1, $0xb8;
	[tilespmem:$0x12400] =	vst v63  }
0x38: {  	_ =	swait.ge [sflag:s11], $0x8000  }
0x39: {  	[sflag:s11] =	ssyncset.done $0x0  }
0x3a: {  	s12 =	simm.s32 $0x10;
	[sflag:s11] =	ssyncadd.s32 $0xFFFF8000  }
0x3b: {  	v0 =	vld [tilespmem:s12+$0x0]  }
0x3c: {  	v24 =	vld [tilespmem:$0x1FFF0];
	_ =	sdelay $0x1  }
0x3d: {  	s13 =	simm.s32 $0x10  }
0x3e: {  	v1 =	vmov s13  }
0x3f: {  	v1 =	vshll.u32 v1, $0x7;
	v0 =	vshll.u32 v0, $0x5  }
0x40: {  	v1 =	vor.u32 v24, v1;
	v0 =	vand.u32 $0x60, v0  }
0x41: {  	v3 =	vor.u32 v1, v0;
	_ =	sdelay $0x2  }
0x42: {  	v0 =	vld [tilespmem:s12+$0xFFFFFFF0];
	_ =	sdelay $0x1  }
0x43: {  	v1 =	vld.idx.msk [tilespmem:v3+s24+$0x0], $0xffff  }
0x44: {  	s14 =	simm.s32 $0x0;
	v2 =	vor.u32 $0x1, v3  }
0x45: {  	v4 =	vmov s14;
	s8 =	sand.u32 $0x400, s14  }
0x46: {  	s5 =	sand.u32 $0x70, s13;
	v4 =	vshll.u32 v4, $0x7;
	s15 =	sadd.s32 $0x10400, s8;
	v0 =	vshll.u32 v0, $0x5  }
0x47: {  	s3 =	sor.u32 s5, s15;
	v4 =	vor.u32 v24, v4;
	v0 =	vand.u32 $0x60, v0  }
0x48: {  	v4 =	vor.u32 v4, v0;
	[tilespmem:s3+$0x0] =	vst v1  }
0x49: {  	v0 =	vld.idx.msk [tilespmem:v2+s24+$0x0], $0xffff  }
0x4a: {  	v1 =	vor.u32 $0x2, v3;
	_ =	sdelay $0x2  }
0x4b: {  	v2 =	vld.idx.msk [tilespmem:v4+s24+$0x0], $0xffff  }
0x4c: {  	v5 =	vor.u32 $0x1, v4;
	[tilespmem:s3+$0x80] =	vst v0  }
0x4d: {  	v0 =	vld.idx.msk [tilespmem:v1+s24+$0x0], $0xffff  }
0x4e: {  	s7 =	sand.u32 $0x60, s14;
	v1 =	vor.u32 $0x3, v3  }
0x4f: {  	s2 =	sor.u32 s7, s15  }
0x50: {  	[tilespmem:s2+$0x0] =	vst v2  }
0x51: {  	v2 =	vld.idx.msk [tilespmem:v5+s24+$0x0], $0xffff  }
0x52: {  	v5 =	vor.u32 $0x2, v4;
	[tilespmem:s3+$0x100] =	vst v0  }
0x53: {  	v0 =	vld.idx.msk [tilespmem:v1+s24+$0x0], $0xffff  }
0x54: {  	v1 =	vor.u32 $0x4, v3;
	_ =	sdelay $0x1  }
0x55: {  	[tilespmem:s2+$0x80] =	vst v2  }
0x56: {  	v2 =	vld.idx.msk [tilespmem:v5+s24+$0x0], $0xffff  }
0x57: {  	v5 =	vor.u32 $0x3, v4;
	[tilespmem:s3+$0x180] =	vst v0  }
0x58: {  	v0 =	vld.idx.msk [tilespmem:v1+s24+$0x0], $0xffff  }
0x59: {  	v1 =	vor.u32 $0x5, v3;
	_ =	sdelay $0x1  }
0x5a: {  	[tilespmem:s2+$0x100] =	vst v2  }
0x5b: {  	v2 =	vld.idx.msk [tilespmem:v5+s24+$0x0], $0xffff  }
0x5c: {  	v5 =	vor.u32 $0x4, v4;
	[tilespmem:s3+$0x200] =	vst v0  }
0x5d: {  	v0 =	vld.idx.msk [tilespmem:v1+s24+$0x0], $0xffff  }
0x5e: {  	v1 =	vor.u32 $0x6, v3;
	_ =	sdelay $0x1  }
0x5f: {  	[tilespmem:s2+$0x180] =	vst v2  }
0x60: {  	v2 =	vld.idx.msk [tilespmem:v5+s24+$0x0], $0xffff  }
0x61: {  	v5 =	vor.u32 $0x5, v4;
	[tilespmem:s3+$0x280] =	vst v0  }
0x62: {  	s16 =	sand.u32 $0x7, s14;
	v0 =	vld.idx.msk [tilespmem:v1+s24+$0x0], $0xffff  }
0x63: {  	s3 =	sshll.u32 s16, $0x4;
	v1 =	vor.u32 $0x7, v3  }
0x64: {  	s3 =	sadd.s32 $0x0, s3  }
0x65: {  	[tilespmem:s2+$0x200] =	vst v2;
	s3 =	sadd.s32 $0x10, s3  }
0x66: {  	v2 =	vld.idx.msk [tilespmem:v5+s24+$0x0], $0xffff;
	s3 =	sor.u32 $0x300, s3  }
0x67: {  	v5 =	vor.u32 $0x6, v4;
	[tilespmem:s3+$0x10400] =	vst v0  }
0x68: {  	v0 =	vld.idx.msk [tilespmem:v1+s24+$0x0], $0xffff  }
0x69: {  	v1 =	vor.u32 $0x8, v3  }
0x6a: {  	s17 =	simm.s32 $0x30  }
0x6b: {  	s0 =	sor.u32 s13, s14;
	[tilespmem:s2+$0x280] =	vst v2;
	v2 =	vld [tilespmem:s17+$0x0]  }
0x6c: {  	s0 =	sor.u32 $0x380, s0;
	v5 =	vld.idx.msk [tilespmem:v5+s24+$0x0], $0xffff  }
0x6d: {  	s18 =	sand.u32 $0x3, s14;
	v6 =	vor.u32 $0x7, v4;
	[tilespmem:s0+$0x10400] =	vst v0  }
0x6e: {  	s2 =	sshll.u32 s18, $0x5;
	s0 =	simm.s32 $0x30;
	v0 =	vld.idx.msk [tilespmem:v1+s24+$0x0], $0xffff  }
0x6f: {  	v7 =	vor.u32 $0x9, v3;
	s2 =	sadd.s32 $0x0, s2;
	v1 =	vmov s0  }
0x70: {  	v8 =	vld [tilespmem:s17+$0xFFFFFFF0];
	s2 =	sor.u32 $0x300, s2;
	v2 =	vshll.u32 v2, $0x5;
	v1 =	vshll.u32 v1, $0x7  }
0x71: {  	s19 =	sadd.s32 $0x10C00, s8;
	[tilespmem:s2+$0x10400] =	vst v5;
	v2 =	vand.u32 $0x60, v2;
	v1 =	vor.u32 v24, v1  }
0x72: {  	s4 =	sor.u32 s5, s19;
	v5 =	vld.idx.msk [tilespmem:v6+s24+$0x0], $0xffff;
	v6 =	vor.u32 v1, v2  }
0x73: {  	s3 =	simm.s32 $0x20;
	v1 =	vor.u32 $0x8, v4;
	[tilespmem:s4+$0x0] =	vst v0  }
0x74: {  	v0 =	vmov s3;
	v2 =	vld.idx.msk [tilespmem:v7+s24+$0x0], $0xffff  }
0x75: {  	s1 =	sor.u32 s14, s14;
	v0 =	vshll.u32 v0, $0x7;
	v7 =	vshll.u32 v8, $0x5;
	v8 =	vor.u32 $0xA, v3  }
0x76: {  	s1 =	sor.u32 $0x380, s1;
	v7 =	vand.u32 $0x60, v7;
	v0 =	vor.u32 v24, v0  }
0x77: {  	s9 =	sadd.s32 $0x10C80, s8;
	[tilespmem:s1+$0x10400] =	vst v5;
	v5 =	vor.u32 v0, v7;
	v0 =	vld.idx.msk [tilespmem:v6+s24+$0x0], $0xffff  }
0x78: {  	s6 =	sor.u32 s5, s9;
	s4 =	simm.s32 $0x100;
	v1 =	vld.idx.msk [tilespmem:v1+s24+$0x0], $0xffff;
	v7 =	vor.u32 $0x1, v6  }
0x79: {  	v9 =	vor.u32 $0x9, v4;
	s1 =	sand.u32 $0x400, s4;
	[tilespmem:s6+$0x0] =	vst v2  }
0x7a: {  	s14 =	sand.u32 $0x70, s0;
	s11 =	sadd.s32 $0x10400, s1;
	v2 =	vld.idx.msk [tilespmem:v8+s24+$0x0], $0xffff  }
0x7b: {  	s20 =	sor.u32 s14, s11;
	v8 =	vor.u32 $0xB, v3  }
0x7c: {  	s2 =	sor.u32 s7, s19;
	v10 =	vld.idx.msk [tilespmem:v5+s24+$0x0], $0xffff;
	[tilespmem:s20+$0x0] =	vst v0  }
0x7d: {  	s12 =	sadd.s32 $0x10D00, s8;
	v0 =	vor.u32 $0x1, v5;
	[tilespmem:s2+$0x0] =	vst v1;
	v1 =	vld.idx.msk [tilespmem:v7+s24+$0x0], $0xffff  }
0x7e: {  	s21 =	sor.u32 s5, s12;
	v7 =	vld.idx.msk [tilespmem:v9+s24+$0x0], $0xffff;
	v9 =	vor.u32 $0x2, v6  }
0x7f: {  	v11 =	vor.u32 $0xA, v4;
	s13 =	sand.u32 $0x60, s3;
	[tilespmem:s21+$0x0] =	vst v2  }
0x80: {  	s22 =	sor.u32 s13, s11;
	v2 =	vld.idx.msk [tilespmem:v8+s24+$0x0], $0xffff  }
0x81: {  	[tilespmem:s22+$0x0] =	vst v10;
	v8 =	vor.u32 $0xC, v3  }
0x82: {  	s9 =	sor.u32 s7, s9;
	v0 =	vld.idx.msk [tilespmem:v0+s24+$0x0], $0xffff;
	[tilespmem:s20+$0x80] =	vst v1  }
0x83: {  	s23 =	sadd.s32 $0x10D80, s8;
	v1 =	vor.u32 $0x2, v5;
	[tilespmem:s9+$0x0] =	vst v7;
	v7 =	vld.idx.msk [tilespmem:v9+s24+$0x0], $0xffff  }
0x84: {  	s25 =	sor.u32 s5, s23;
	v10 =	vor.u32 $0x3, v6;
	v9 =	vld.idx.msk [tilespmem:v11+s24+$0x0], $0xffff  }
0x85: {  	v11 =	vor.u32 $0xB, v4;
	[tilespmem:s25+$0x0] =	vst v2  }
0x86: {  	v2 =	vld.idx.msk [tilespmem:v8+s24+$0x0], $0xffff  }
0x87: {  	[tilespmem:s22+$0x80] =	vst v0;
	v0 =	vor.u32 $0xD, v3  }
0x88: {  	s26 =	sor.u32 s7, s12;
	v1 =	vld.idx.msk [tilespmem:v1+s24+$0x0], $0xffff;
	[tilespmem:s20+$0x100] =	vst v7  }
0x89: {  	s30 =	sadd.s32 $0x10E00, s8;
	v7 =	vor.u32 $0x3, v5;
	[tilespmem:s26+$0x0] =	vst v9;
	v8 =	vld.idx.msk [tilespmem:v10+s24+$0x0], $0xffff  }
0x8a: {  	s10 =	sor.u32 s5, s30;
	v9 =	vld.idx.msk [tilespmem:v11+s24+$0x0], $0xffff;
	v10 =	vor.u32 $0x4, v6  }
0x8b: {  	v11 =	vor.u32 $0xC, v4;
	[tilespmem:s10+$0x0] =	vst v2  }
0x8c: {  	v0 =	vld.idx.msk [tilespmem:v0+s24+$0x0], $0xffff  }
0x8d: {  	[tilespmem:s22+$0x100] =	vst v1;
	v1 =	vor.u32 $0xE, v3  }
0x8e: {  	s9 =	sor.u32 s7, s23;
	v2 =	vld.idx.msk [tilespmem:v7+s24+$0x0], $0xffff;
	[tilespmem:s20+$0x180] =	vst v8  }
0x8f: {  	s15 =	sadd.s32 $0x10E80, s8;
	v7 =	vor.u32 $0x4, v5;
	[tilespmem:s9+$0x0] =	vst v9;
	v8 =	vld.idx.msk [tilespmem:v10+s24+$0x0], $0xffff  }
0x90: {  	s16 =	sor.u32 s5, s15;
	v9 =	vld.idx.msk [tilespmem:v11+s24+$0x0], $0xffff;
	v10 =	vor.u32 $0x5, v6  }
0x91: {  	v11 =	vor.u32 $0xD, v4;
	[tilespmem:s16+$0x0] =	vst v0  }
0x92: {  	v0 =	vld.idx.msk [tilespmem:v1+s24+$0x0], $0xffff  }
0x93: {  	[tilespmem:s22+$0x180] =	vst v2;
	v1 =	vor.u32 $0xF, v3  }
0x94: {  	s11 =	sor.u32 s7, s30;
	v2 =	vld.idx.msk [tilespmem:v7+s24+$0x0], $0xffff;
	[tilespmem:s20+$0x200] =	vst v8  }
0x95: {  	s17 =	sadd.s32 $0x10F00, s8;
	v7 =	vor.u32 $0x5, v5;
	[tilespmem:s11+$0x0] =	vst v9;
	v8 =	vld.idx.msk [tilespmem:v10+s24+$0x0], $0xffff  }
0x96: {  	s18 =	sor.u32 s5, s17;
	v9 =	vld.idx.msk [tilespmem:v11+s24+$0x0], $0xffff;
	v10 =	vor.u32 $0x6, v6  }
0x97: {  	v11 =	vor.u32 $0xE, v4;
	[tilespmem:s18+$0x0] =	vst v0  }
0x98: {  	v0 =	vld.idx.msk [tilespmem:v1+s24+$0x0], $0xffff  }
0x99: {  	[tilespmem:s22+$0x200] =	vst v2;
	v1 =	vor.u32 $0x10, v3  }
0x9a: {  	s19 =	simm.s32 $0x2;
	s9 =	sor.u32 s7, s15;
	v2 =	vld.idx.msk [tilespmem:v7+s24+$0x0], $0xffff;
	[tilespmem:s20+$0x280] =	vst v8  }
0x9b: {  	s6 =	sand.u32 $0x7, s19;
	v7 =	vor.u32 $0x6, v5;
	[tilespmem:s9+$0x0] =	vst v9;
	s20 =	sadd.s32 $0x10F80, s8;
	v8 =	vld.idx.msk [tilespmem:v10+s24+$0x0], $0xffff  }
0x9c: {  	s6 =	sshll.u32 s6, $0x4;
	v9 =	vld.idx.msk [tilespmem:v11+s24+$0x0], $0xffff;
	v10 =	vor.u32 $0x7, v6;
	s21 =	sor.u32 s5, s20  }
0x9d: {  	s6 =	sadd.s32 $0x100, s6;
	v11 =	vor.u32 $0xF, v4;
	[tilespmem:s21+$0x0] =	vst v0  }
0x9e: {  	s6 =	sadd.s32 $0x10, s6;
	v0 =	vld.idx.msk [tilespmem:v1+s24+$0x0], $0xffff  }
0x9f: {  	[tilespmem:s22+$0x280] =	vst v2;
	s22 =	sor.u32 $0x300, s6;
	v1 =	vor.u32 $0x11, v3  }
0xa0: {  	s23 =	simm.s32 $0x1;
	s11 =	sor.u32 s7, s17;
	v2 =	vld.idx.msk [tilespmem:v7+s24+$0x0], $0xffff;
	[tilespmem:s22+$0x10400] =	vst v8  }
0xa1: {  	s25 =	sand.u32 $0x3, s23;
	s26 =	sadd.s32 $0x11400, s8;
	v7 =	vor.u32 $0x7, v5;
	[tilespmem:s11+$0x0] =	vst v9;
	v8 =	vld.idx.msk [tilespmem:v10+s24+$0x0], $0xffff  }
0xa2: {  	s2 =	sshll.u32 s25, $0x5;
	s30 =	sor.u32 s5, s26;
	s10 =	simm.s32 $0x50;
	v9 =	vld.idx.msk [tilespmem:v11+s24+$0x0], $0xffff;
	v10 =	vor.u32 $0x8, v6  }
0xa3: {  	s2 =	sadd.s32 $0x100, s2;
	v11 =	vor.u32 $0x10, v4;
	[tilespmem:s30+$0x0] =	vst v0;
	v0 =	vld [tilespmem:s10+$0x0]  }
0xa4: {  	s0 =	sor.u32 s0, s4;
	s2 =	sor.u32 $0x300, s2;
	v1 =	vld.idx.msk [tilespmem:v1+s24+$0x0], $0xffff  }
0xa5: {  	v12 =	vor.u32 $0x12, v3;
	s0 =	sor.u32 $0x380, s0;
	[tilespmem:s2+$0x10400] =	vst v2;
	v2 =	vld [tilespmem:s10+$0xFFFFFFF0]  }
0xa6: {  	s12 =	sor.u32 s7, s20;
	v7 =	vld.idx.msk [tilespmem:v7+s24+$0x0], $0xffff;
	[tilespmem:s0+$0x10400] =	vst v8;
	s0 =	simm.s32 $0x50  }
0xa7: {  	v14 =	vor.u32 $0x9, v6;
	v13 =	vor.u32 $0x8, v5;
	s15 =	sadd.s32 $0x11480, s8;
	[tilespmem:s12+$0x0] =	vst v9;
	v9 =	vld.idx.msk [tilespmem:v10+s24+$0x0], $0xffff;
	v10 =	vmov s0  }
0xa8: {  	s16 =	sor.u32 s5, s15;
	s2 =	simm.s32 $0x40;
	v8 =	vor.u32 $0x11, v4;
	v11 =	vld.idx.msk [tilespmem:v11+s24+$0x0], $0xffff;
	v10 =	vshll.u32 v10, $0x7;
	v0 =	vshll.u32 v0, $0x5  }
0xa9: {  	s3 =	sor.u32 s3, s4;
	v15 =	vmov s2;
	[tilespmem:s16+$0x0] =	vst v1;
	v0 =	vand.u32 $0x60, v0;
	v1 =	vor.u32 v24, v10  }
0xaa: {  	s3 =	sor.u32 $0x380, s3;
	s17 =	sadd.s32 $0x10C00, s1;
	v10 =	vshll.u32 v15, $0x7;
	v2 =	vshll.u32 v2, $0x5;
	v12 =	vld.idx.msk [tilespmem:v12+s24+$0x0], $0xffff;
	v1 =	vor.u32 v1, v0  }
0xab: {  	s18 =	sor.u32 s14, s17;
	[tilespmem:s3+$0x10400] =	vst v7;
	v0 =	vand.u32 $0x60, v2;
	v2 =	vor.u32 v24, v10;
	v10 =	vor.u32 $0x13, v3  }
0xac: {  	s6 =	sor.u32 s7, s26;
	v13 =	vld.idx.msk [tilespmem:v13+s24+$0x0], $0xffff;
	v7 =	vor.u32 v2, v0;
	[tilespmem:s18+$0x0] =	vst v9  }
0xad: {  	s19 =	sadd.s32 $0x11500, s8;
	v0 =	vor.u32 $0x9, v5;
	[tilespmem:s6+$0x0] =	vst v11;
	v2 =	vld.idx.msk [tilespmem:v14+s24+$0x0], $0xffff  }
0xae: {  	s20 =	sor.u32 s5, s19;
	v9 =	vor.u32 $0xA, v6;
	v8 =	vld.idx.msk [tilespmem:v8+s24+$0x0], $0xffff  }
0xaf: {  	v11 =	vor.u32 $0x12, v4;
	v14 =	vld.idx.msk [tilespmem:v1+s24+$0x0], $0xffff;
	[tilespmem:s20+$0x0] =	vst v12  }
0xb0: {  	s4 =	sor.u32 s13, s17;
	s21 =	sadd.s32 $0x10C80, s1;
	s3 =	simm.s32 $0x200;
	v12 =	vor.u32 $0x1, v1;
	v10 =	vld.idx.msk [tilespmem:v10+s24+$0x0], $0xffff  }
0xb1: {  	s22 =	sor.u32 s14, s21;
	v15 =	vor.u32 $0x14, v3;
	s29 =	sand.u32 $0x400, s3;
	[tilespmem:s4+$0x0] =	vst v13;
	v13 =	vld.idx.msk [tilespmem:v7+s24+$0x0], $0xffff  }
0xb2: {  	s23 =	sor.u32 s7, s15;
	s30 =	sand.u32 $0x70, s0;
	v16 =	vor.u32 $0x1, v7;
	s25 =	sadd.s32 $0x10400, s29;
	v0 =	vld.idx.msk [tilespmem:v0+s24+$0x0], $0xffff;
	[tilespmem:s22+$0x0] =	vst v2  }
0xb3: {  	s26 =	sadd.s32 $0x11580, s8;
	s6 =	sor.u32 s30, s25;
	v2 =	vor.u32 $0xA, v5;
	[tilespmem:s23+$0x0] =	vst v8;
	v8 =	vld.idx.msk [tilespmem:v9+s24+$0x0], $0xffff  }
0xb4: {  	s28 =	sand.u32 $0x60, s2;
	s16 =	sor.u32 s5, s26;
	v9 =	vld.idx.msk [tilespmem:v11+s24+$0x0], $0xffff;
	v11 =	vor.u32 $0xB, v6;
	[tilespmem:s6+$0x0] =	vst v14  }
0xb5: {  	s4 =	sor.u32 s28, s25;
	v14 =	vor.u32 $0x13, v4;
	v12 =	vld.idx.msk [tilespmem:v12+s24+$0x0], $0xffff;
	[tilespmem:s16+$0x0] =	vst v10  }
0xb6: {  	s10 =	sadd.s32 $0x10D00, s1;
	s12 =	sor.u32 s13, s21;
	[tilespmem:s4+$0x0] =	vst v13;
	v13 =	vor.u32 $0x2, v1;
	v10 =	vld.idx.msk [tilespmem:v15+s24+$0x0], $0xffff  }
0xb7: {  	s15 =	sor.u32 s14, s10;
	v15 =	vld.idx.msk [tilespmem:v16+s24+$0x0], $0xffff;
	[tilespmem:s12+$0x0] =	vst v0;
	v0 =	vor.u32 $0x15, v3  }
0xb8: {  	s11 =	sor.u32 s7, s19;
	v16 =	vor.u32 $0x2, v7;
	v2 =	vld.idx.msk [tilespmem:v2+s24+$0x0], $0xffff;
	[tilespmem:s15+$0x0] =	vst v8  }
0xb9: {  	s17 =	sadd.s32 $0x11600, s8;
	v8 =	vor.u32 $0xB, v5;
	[tilespmem:s11+$0x0] =	vst v9;
	v11 =	vld.idx.msk [tilespmem:v11+s24+$0x0], $0xffff  }
0xba: {  	s18 =	sor.u32 s5, s17;
	v9 =	vor.u32 $0xC, v6;
	[tilespmem:s6+$0x80] =	vst v12;
	v12 =	vld.idx.msk [tilespmem:v14+s24+$0x0], $0xffff  }
0xbb: {  	v14 =	vor.u32 $0x14, v4;
	v13 =	vld.idx.msk [tilespmem:v13+s24+$0x0], $0xffff;
	[tilespmem:s18+$0x0] =	vst v10  }
0xbc: {  	s19 =	sor.u32 s13, s10;
	s20 =	sadd.s32 $0x10D80, s1;
	[tilespmem:s4+$0x80] =	vst v15;
	v10 =	vor.u32 $0x3, v1;
	v0 =	vld.idx.msk [tilespmem:v0+s24+$0x0], $0xffff  }
0xbd: {  	s21 =	sor.u32 s14, s20;
	v15 =	vld.idx.msk [tilespmem:v16+s24+$0x0], $0xffff;
	[tilespmem:s19+$0x0] =	vst v2;
	v2 =	vor.u32 $0x16, v3  }
0xbe: {  	s9 =	sor.u32 s7, s26;
	v16 =	vor.u32 $0x3, v7;
	v8 =	vld.idx.msk [tilespmem:v8+s24+$0x0], $0xffff;
	[tilespmem:s21+$0x0] =	vst v11  }
0xbf: {  	s22 =	sadd.s32 $0x11680, s8;
	v11 =	vor.u32 $0xC, v5;
	v9 =	vld.idx.msk [tilespmem:v9+s24+$0x0], $0xffff;
	[tilespmem:s9+$0x0] =	vst v12  }
0xc0: {  	s23 =	sor.u32 s5, s22;
	v12 =	vor.u32 $0xD, v6;
	[tilespmem:s6+$0x100] =	vst v13;
	v13 =	vld.idx.msk [tilespmem:v14+s24+$0x0], $0xffff  }
0xc1: {  	v14 =	vor.u32 $0x15, v4;
	v10 =	vld.idx.msk [tilespmem:v10+s24+$0x0], $0xffff;
	[tilespmem:s23+$0x0] =	vst v0  }
0xc2: {  	s26 =	sadd.s32 $0x10E00, s1;
	s25 =	sor.u32 s13, s20;
	[tilespmem:s4+$0x100] =	vst v15;
	v0 =	vld.idx.msk [tilespmem:v2+s24+$0x0], $0xffff;
	v2 =	vor.u32 $0x4, v1  }
0xc3: {  	s10 =	sor.u32 s14, s26;
	v15 =	vld.idx.msk [tilespmem:v16+s24+$0x0], $0xffff;
	[tilespmem:s25+$0x0] =	vst v8;
	v8 =	vor.u32 $0x17, v3  }
0xc4: {  	s11 =	sor.u32 s7, s17;
	v16 =	vor.u32 $0x4, v7;
	v11 =	vld.idx.msk [tilespmem:v11+s24+$0x0], $0xffff;
	[tilespmem:s10+$0x0] =	vst v9  }
0xc5: {  	s15 =	sadd.s32 $0x11700, s8;
	v9 =	vor.u32 $0xD, v5;
	v12 =	vld.idx.msk [tilespmem:v12+s24+$0x0], $0xffff;
	[tilespmem:s11+$0x0] =	vst v13  }
0xc6: {  	s17 =	sor.u32 s5, s15;
	[tilespmem:s6+$0x180] =	vst v10;
	v10 =	vor.u32 $0xE, v6;
	v13 =	vld.idx.msk [tilespmem:v14+s24+$0x0], $0xffff  }
0xc7: {  	v14 =	vor.u32 $0x16, v4;
	v2 =	vld.idx.msk [tilespmem:v2+s24+$0x0], $0xffff;
	[tilespmem:s17+$0x0] =	vst v0  }
0xc8: {  	s18 =	sor.u32 s13, s26;
	s19 =	sadd.s32 $0x10E80, s1;
	[tilespmem:s4+$0x180] =	vst v15;
	v0 =	vld.idx.msk [tilespmem:v8+s24+$0x0], $0xffff;
	v8 =	vor.u32 $0x5, v1  }
0xc9: {  	s20 =	sor.u32 s14, s19;
	v15 =	vld.idx.msk [tilespmem:v16+s24+$0x0], $0xffff;
	[tilespmem:s18+$0x0] =	vst v11;
	v11 =	vor.u32 $0x18, v3  }
0xca: {  	s9 =	sor.u32 s7, s22;
	v16 =	vor.u32 $0x5, v7;
	v9 =	vld.idx.msk [tilespmem:v9+s24+$0x0], $0xffff;
	[tilespmem:s20+$0x0] =	vst v12  }
0xcb: {  	v12 =	vor.u32 $0xE, v5;
	v10 =	vld.idx.msk [tilespmem:v10+s24+$0x0], $0xffff;
	[tilespmem:s9+$0x0] =	vst v13;
	s9 =	sadd.s32 $0x11780, s8  }
0xcc: {  	[tilespmem:s6+$0x200] =	vst v2;
	v2 =	vor.u32 $0xF, v6;
	v13 =	vld.idx.msk [tilespmem:v14+s24+$0x0], $0xffff;
	s21 =	sor.u32 s5, s9  }
0xcd: {  	v14 =	vor.u32 $0x17, v4;
	v8 =	vld.idx.msk [tilespmem:v8+s24+$0x0], $0xffff;
	[tilespmem:s21+$0x0] =	vst v0  }
0xce: {  	s22 =	sor.u32 s13, s19;
	s23 =	sadd.s32 $0x10F00, s1;
	[tilespmem:s4+$0x200] =	vst v15;
	v0 =	vld.idx.msk [tilespmem:v11+s24+$0x0], $0xffff;
	v11 =	vor.u32 $0x6, v1  }
0xcf: {  	s25 =	sor.u32 s14, s23;
	v15 =	vld.idx.msk [tilespmem:v16+s24+$0x0], $0xffff;
	[tilespmem:s22+$0x0] =	vst v9;
	v9 =	vor.u32 $0x19, v3  }
0xd0: {  	s11 =	sor.u32 s7, s15;
	v16 =	vor.u32 $0x6, v7;
	v12 =	vld.idx.msk [tilespmem:v12+s24+$0x0], $0xffff;
	[tilespmem:s25+$0x0] =	vst v10  }
0xd1: {  	s12 =	sadd.s32 $0x11C00, s8;
	v10 =	vor.u32 $0xF, v5;
	v2 =	vld.idx.msk [tilespmem:v2+s24+$0x0], $0xffff;
	[tilespmem:s11+$0x0] =	vst v13  }
0xd2: {  	s26 =	sor.u32 s5, s12;
	s10 =	simm.s32 $0x4;
	[tilespmem:s6+$0x280] =	vst v8;
	v8 =	vor.u32 $0x10, v6;
	v13 =	vld.idx.msk [tilespmem:v14+s24+$0x0], $0xffff  }
0xd3: {  	s15 =	sand.u32 $0x7, s10;
	v14 =	vor.u32 $0x18, v4;
	v11 =	vld.idx.msk [tilespmem:v11+s24+$0x0], $0xffff;
	[tilespmem:s26+$0x0] =	vst v0  }
0xd4: {  	s17 =	sor.u32 s13, s23;
	s18 =	sadd.s32 $0x10F80, s1;
	s6 =	sshll.u32 s15, $0x4;
	[tilespmem:s4+$0x280] =	vst v15;
	v0 =	vld.idx.msk [tilespmem:v9+s24+$0x0], $0xffff;
	v9 =	vor.u32 $0x7, v1  }
0xd5: {  	s19 =	simm.s32 $0x2;
	s20 =	sor.u32 s14, s18;
	s6 =	sadd.s32 $0x200, s6;
	v15 =	vld.idx.msk [tilespmem:v16+s24+$0x0], $0xffff;
	[tilespmem:s17+$0x0] =	vst v12;
	v12 =	vor.u32 $0x1A, v3  }
0xd6: {  	s16 =	sand.u32 $0x3, s19;
	s9 =	sor.u32 s7, s9;
	v16 =	vor.u32 $0x7, v7;
	s6 =	sadd.s32 $0x10, s6;
	v10 =	vld.idx.msk [tilespmem:v10+s24+$0x0], $0xffff;
	[tilespmem:s20+$0x0] =	vst v2  }
0xd7: {  	s16 =	sshll.u32 s16, $0x5;
	s11 =	sadd.s32 $0x11C80, s8;
	s6 =	sor.u32 $0x300, s6;
	v2 =	vor.u32 $0x10, v5;
	v8 =	vld.idx.msk [tilespmem:v8+s24+$0x0], $0xffff;
	[tilespmem:s9+$0x0] =	vst v13  }
0xd8: {  	s21 =	sadd.s32 $0x200, s16;
	s22 =	sor.u32 s5, s11;
	[tilespmem:s6+$0x10400] =	vst v11;
	v11 =	vld.idx.msk [tilespmem:v14+s24+$0x0], $0xffff  }
0xd9: {  	s9 =	sor.u32 $0x300, s21;
	v13 =	vor.u32 $0x11, v6;
	v9 =	vld.idx.msk [tilespmem:v9+s24+$0x0], $0xffff;
	[tilespmem:s22+$0x0] =	vst v0  }
0xda: {  	s4 =	sor.u32 s13, s18;
	[tilespmem:s9+$0x10400] =	vst v15;
	v0 =	vld.idx.msk [tilespmem:v12+s24+$0x0], $0xffff  }
0xdb: {  	s23 =	sadd.s32 $0x11400, s1;
	v14 =	vor.u32 $0x8, v1;
	v12 =	vld.idx.msk [tilespmem:v16+s24+$0x0], $0xffff;
	[tilespmem:s4+$0x0] =	vst v10  }
0xdc: {  	s25 =	sor.u32 s14, s23;
	s26 =	simm.s32 $0x70;
	v10 =	vor.u32 $0x1B, v3;
	v2 =	vld.idx.msk [tilespmem:v2+s24+$0x0], $0xffff  }
0xdd: {  	s0 =	sor.u32 s0, s3;
	v15 =	vor.u32 $0x8, v7;
	[tilespmem:s25+$0x0] =	vst v8;
	v8 =	vld [tilespmem:s26+$0x0]  }
0xde: {  	s0 =	sor.u32 $0x380, s0;
	s9 =	sadd.s32 $0x11D00, s8;
	v16 =	vor.u32 $0x11, v5;
	v13 =	vld.idx.msk [tilespmem:v13+s24+$0x0], $0xffff  }
0xdf: {  	s2 =	sor.u32 s2, s3;
	v17 =	vld [tilespmem:s26+$0xFFFFFFF0];
	s4 =	sor.u32 s5, s9;
	[tilespmem:s0+$0x10400] =	vst v9;
	v9 =	vor.u32 $0x12, v6  }
0xe0: {  	v18 =	vor.u32 $0x19, v4;
	s3 =	simm.s32 $0x70;
	s2 =	sor.u32 $0x380, s2;
	v14 =	vld.idx.msk [tilespmem:v14+s24+$0x0], $0xffff;
	[tilespmem:s4+$0x0] =	vst v0  }
0xe1: {  	v19 =	vor.u32 $0x9, v1;
	s10 =	sor.u32 s13, s23;
	s15 =	sadd.s32 $0x11480, s1;
	v0 =	vor.u32 $0x9, v7;
	[tilespmem:s2+$0x10400] =	vst v12;
	v12 =	vmov s3;
	v10 =	vld.idx.msk [tilespmem:v10+s24+$0x0], $0xffff  }
0xe2: {  	s16 =	sor.u32 s14, s15;
	s4 =	simm.s32 $0x60;
	v15 =	vld.idx.msk [tilespmem:v15+s24+$0x0], $0xffff;
	[tilespmem:s10+$0x0] =	vst v2;
	v2 =	vshll.u32 v12, $0x7;
	v12 =	vor.u32 $0x1C, v3;
	v8 =	vshll.u32 v8, $0x5  }
0xe3: {  	s18 =	sadd.s32 $0x10C00, s29;
	s17 =	sor.u32 s7, s12;
	v20 =	vmov s4;
	v21 =	vld.idx.msk [tilespmem:v16+s24+$0x0], $0xffff;
	v2 =	vor.u32 v24, v2;
	[tilespmem:s16+$0x0] =	vst v13;
	v8 =	vand.u32 $0x60, v8  }
0xe4: {  	s19 =	sor.u32 s30, s18;
	[tilespmem:s17+$0x0] =	vst v11;
	s17 =	sadd.s32 $0x11D80, s8;
	v11 =	vshll.u32 v20, $0x7;
	v13 =	vshll.u32 v17, $0x5;
	v9 =	vld.idx.msk [tilespmem:v9+s24+$0x0], $0xffff;
	v2 =	vor.u32 v2, v8  }
0xe5: {  	s20 =	sor.u32 s5, s17;
	v11 =	vor.u32 v24, v11;
	v8 =	vand.u32 $0x60, v13;
	v13 =	vld.idx.msk [tilespmem:v18+s24+$0x0], $0xffff;
	[tilespmem:s19+$0x0] =	vst v14;
	v14 =	vor.u32 $0x13, v6  }
0xe6: {  	s0 =	sor.u32 s28, s18;
	v16 =	vor.u32 v11, v8;
	v8 =	vld.idx.msk [tilespmem:v19+s24+$0x0], $0xffff;
	[tilespmem:s20+$0x0] =	vst v10  }
0xe7: {  	v10 =	vor.u32 $0x12, v5;
	[tilespmem:s0+$0x0] =	vst v15;
	s20 =	sadd.s32 $0x11500, s1;
	v11 =	vld.idx.msk [tilespmem:v12+s24+$0x0], $0xffff  }
0xe8: {  	v0 =	vld.idx.msk [tilespmem:v0+s24+$0x0], $0xffff;
	v12 =	vor.u32 $0xA, v1;
	s21 =	sor.u32 s14, s20  }
0xe9: {  	v15 =	vld.idx.msk [tilespmem:v2+s24+$0x0], $0xffff;
	[tilespmem:s21+$0x0] =	vst v9;
	v9 =	vor.u32 $0x1D, v3  }
0xea: {  	s23 =	sadd.s32 $0x10C80, s29;
	s22 =	sor.u32 s13, s15;
	v17 =	vor.u32 $0x1A, v4;
	v14 =	vld.idx.msk [tilespmem:v14+s24+$0x0], $0xffff  }
0xeb: {  	s6 =	simm.s32 $0x300;
	s25 =	sor.u32 s30, s23;
	s16 =	sadd.s32 $0x11E00, s8;
	v19 =	vor.u32 $0x1, v2;
	[tilespmem:s22+$0x0] =	vst v21;
	v18 =	vld.idx.msk [tilespmem:v16+s24+$0x0], $0xffff  }
0xec: {  	s31 =	sand.u32 $0x400, s6;
	s26 =	sor.u32 s5, s16;
	[tilespmem:s25+$0x0] =	vst v8;
	v8 =	vld.idx.msk [tilespmem:v10+s24+$0x0], $0xffff;
	v10 =	vor.u32 $0x14, v6  }
0xed: {  	s11 =	sor.u32 s7, s11;
	s18 =	sadd.s32 $0x10400, s31;
	s2 =	sand.u32 $0x70, s3;
	v20 =	vor.u32 $0x1, v16;
	v12 =	vld.idx.msk [tilespmem:v12+s24+$0x0], $0xffff;
	[tilespmem:s26+$0x0] =	vst v11  }
0xee: {  	s19 =	sor.u32 s2, s18;
	[tilespmem:s11+$0x0] =	vst v13;
	s21 =	sadd.s32 $0x11580, s1;
	v11 =	vor.u32 $0xA, v7;
	v9 =	vld.idx.msk [tilespmem:v9+s24+$0x0], $0xffff  }
0xef: {  	s0 =	sand.u32 $0x60, s4;
	v13 =	vor.u32 $0xB, v1;
	s10 =	sor.u32 s14, s21;
	[tilespmem:s19+$0x0] =	vst v15;
	v15 =	vld.idx.msk [tilespmem:v17+s24+$0x0], $0xffff  }
0xf0: {  	s18 =	sor.u32 s0, s18;
	v17 =	vld.idx.msk [tilespmem:v19+s24+$0x0], $0xffff;
	[tilespmem:s10+$0x0] =	vst v14;
	v14 =	vor.u32 $0x1E, v3  }
0xf1: {  	s15 =	sor.u32 s28, s23;
	s22 =	sadd.s32 $0x10D00, s29;
	v19 =	vor.u32 $0x13, v5;
	[tilespmem:s18+$0x0] =	vst v18;
	v10 =	vld.idx.msk [tilespmem:v10+s24+$0x0], $0xffff  }
0xf2: {  	s12 =	sadd.s32 $0x11E80, s8;
	s23 =	sor.u32 s30, s22;
	[tilespmem:s15+$0x0] =	vst v0;
	v18 =	vld.idx.msk [tilespmem:v20+s24+$0x0], $0xffff;
	v20 =	vor.u32 $0x2, v2  }
0xf3: {  	s25 =	sor.u32 s5, s12;
	v0 =	vld.idx.msk [tilespmem:v11+s24+$0x0], $0xffff;
	[tilespmem:s23+$0x0] =	vst v12;
	v11 =	vor.u32 $0x15, v6  }
0xf4: {  	s20 =	sor.u32 s13, s20;
	v12 =	vor.u32 $0x2, v16;
	v13 =	vld.idx.msk [tilespmem:v13+s24+$0x0], $0xffff;
	[tilespmem:s25+$0x0] =	vst v9  }
0xf5: {  	[tilespmem:s20+$0x0] =	vst v8;
	s20 =	sadd.s32 $0x11600, s1;
	v9 =	vor.u32 $0xB, v7;
	v8 =	vld.idx.msk [tilespmem:v14+s24+$0x0], $0xffff  }
0xf6: {  	s26 =	sor.u32 s14, s20;
	[tilespmem:s19+$0x80] =	vst v17;
	v14 =	vor.u32 $0xC, v1;
	v17 =	vld.idx.msk [tilespmem:v19+s24+$0x0], $0xffff  }
0xf7: {  	v3 =	vor.u32 $0x1F, v3;
	v19 =	vld.idx.msk [tilespmem:v20+s24+$0x0], $0xffff;
	[tilespmem:s26+$0x0] =	vst v10  }
0xf8: {  	s15 =	sadd.s32 $0x10D80, s29;
	s10 =	sor.u32 s28, s22;
	v10 =	vor.u32 $0x14, v5;
	[tilespmem:s18+$0x80] =	vst v18;
	v11 =	vld.idx.msk [tilespmem:v11+s24+$0x0], $0xffff  }
0xf9: {  	s11 =	sadd.s32 $0x11F00, s8;
	s23 =	sor.u32 s30, s15;
	v18 =	vor.u32 $0x3, v2;
	v12 =	vld.idx.msk [tilespmem:v12+s24+$0x0], $0xffff;
	[tilespmem:s10+$0x0] =	vst v0  }
0xfa: {  	s25 =	sor.u32 s5, s11;
	[tilespmem:s23+$0x0] =	vst v13;
	v13 =	vor.u32 $0x3, v16;
	v0 =	vld.idx.msk [tilespmem:v9+s24+$0x0], $0xffff  }
0xfb: {  	s21 =	sor.u32 s13, s21;
	v9 =	vor.u32 $0x16, v6;
	v14 =	vld.idx.msk [tilespmem:v14+s24+$0x0], $0xffff;
	[tilespmem:s25+$0x0] =	vst v8  }
0xfc: {  	v20 =	vor.u32 $0xC, v7;
	[tilespmem:s21+$0x0] =	vst v17;
	v8 =	vld.idx.msk [tilespmem:v3+s24+$0x0], $0xffff  }
0xfd: {  	s21 =	sadd.s32 $0x11680, s1;
	[tilespmem:s19+$0x100] =	vst v19;
	v3 =	vor.u32 $0xD, v1;
	v10 =	vld.idx.msk [tilespmem:v10+s24+$0x0], $0xffff  }
0xfe: {  	v17 =	vor.u32 $0x15, v5;
	s26 =	sor.u32 s14, s21;
	v18 =	vld.idx.msk [tilespmem:v18+s24+$0x0], $0xffff;
	[tilespmem:s18+$0x100] =	vst v12  }
0xff: {  	s22 =	sor.u32 s28, s15;
	s10 =	sadd.s32 $0x10E00, s29;
	[tilespmem:s26+$0x0] =	vst v11;
	v11 =	vor.u32 $0x4, v2;
	v12 =	vld.idx.msk [tilespmem:v13+s24+$0x0], $0xffff  }
0x100: {  	s15 =	sor.u32 s30, s10;
	v13 =	vor.u32 $0x4, v16;
	v9 =	vld.idx.msk [tilespmem:v9+s24+$0x0], $0xffff;
	[tilespmem:s22+$0x0] =	vst v0  }
0x101: {  	s20 =	sor.u32 s13, s20;
	v0 =	vor.u32 $0x17, v6;
	v19 =	vld.idx.msk [tilespmem:v20+s24+$0x0], $0xffff;
	[tilespmem:s15+$0x0] =	vst v14  }
0x102: {  	v14 =	vor.u32 $0xD, v7;
	v3 =	vld.idx.msk [tilespmem:v3+s24+$0x0], $0xffff;
	[tilespmem:s20+$0x0] =	vst v10  }
0x103: {  	s20 =	sadd.s32 $0x11700, s1;
	v10 =	vor.u32 $0xE, v1;
	[tilespmem:s19+$0x180] =	vst v18;
	v17 =	vld.idx.msk [tilespmem:v17+s24+$0x0], $0xffff  }
0x104: {  	s25 =	sor.u32 s14, s20;
	v18 =	vor.u32 $0x1B, v4;
	v11 =	vld.idx.msk [tilespmem:v11+s24+$0x0], $0xffff;
	[tilespmem:s18+$0x180] =	vst v12  }
0x105: {  	s26 =	sor.u32 s28, s10;
	s10 =	sadd.s32 $0x10E80, s29;
	[tilespmem:s25+$0x0] =	vst v9;
	v9 =	vor.u32 $0x16, v5;
	v12 =	vld.idx.msk [tilespmem:v13+s24+$0x0], $0xffff  }
0x106: {  	s15 =	sor.u32 s30, s10;
	v13 =	vor.u32 $0x5, v2;
	v0 =	vld.idx.msk [tilespmem:v0+s24+$0x0], $0xffff;
	[tilespmem:s26+$0x0] =	vst v19  }
0x107: {  	s9 =	sor.u32 s7, s9;
	v19 =	vor.u32 $0x5, v16;
	v14 =	vld.idx.msk [tilespmem:v14+s24+$0x0], $0xffff;
	[tilespmem:s15+$0x0] =	vst v3  }
0x108: {  	[tilespmem:s9+$0x0] =	vst v15;
	s21 =	sor.u32 s13, s21;
	v3 =	vor.u32 $0x18, v6;
	v10 =	vld.idx.msk [tilespmem:v10+s24+$0x0], $0xffff  }
0x109: {  	v15 =	vor.u32 $0xE, v7;
	[tilespmem:s21+$0x0] =	vst v17;
	v17 =	vld.idx.msk [tilespmem:v18+s24+$0x0], $0xffff  }
0x10a: {  	s21 =	sadd.s32 $0x11780, s1;
	[tilespmem:s19+$0x200] =	vst v11;
	v11 =	vor.u32 $0xF, v1;
	v9 =	vld.idx.msk [tilespmem:v9+s24+$0x0], $0xffff  }
0x10b: {  	v18 =	vor.u32 $0x1C, v4;
	s22 =	sor.u32 s14, s21;
	v13 =	vld.idx.msk [tilespmem:v13+s24+$0x0], $0xffff;
	[tilespmem:s18+$0x200] =	vst v12  }
0x10c: {  	s25 =	sor.u32 s28, s10;
	s26 =	sadd.s32 $0x10F00, s29;
	[tilespmem:s22+$0x0] =	vst v0;
	v0 =	vor.u32 $0x17, v5;
	v12 =	vld.idx.msk [tilespmem:v19+s24+$0x0], $0xffff  }
0x10d: {  	s10 =	sor.u32 s30, s26;
	v19 =	vor.u32 $0x6, v2;
	v3 =	vld.idx.msk [tilespmem:v3+s24+$0x0], $0xffff;
	[tilespmem:s25+$0x0] =	vst v14  }
0x10e: {  	s17 =	sor.u32 s7, s17;
	v14 =	vld.idx.msk [tilespmem:v15+s24+$0x0], $0xffff;
	[tilespmem:s10+$0x0] =	vst v10;
	v10 =	vor.u32 $0x19, v6  }
0x10f: {  	s15 =	sor.u32 s13, s20;
	v15 =	vor.u32 $0x6, v16;
	[tilespmem:s17+$0x0] =	vst v17;
	v11 =	vld.idx.msk [tilespmem:v11+s24+$0x0], $0xffff  }
0x110: {  	s9 =	sadd.s32 $0x11C00, s1;
	[tilespmem:s15+$0x0] =	vst v9;
	v9 =	vld.idx.msk [tilespmem:v18+s24+$0x0], $0xffff  }
0x111: {  	s20 =	sor.u32 s14, s9;
	v17 =	vor.u32 $0xF, v7;
	[tilespmem:s19+$0x280] =	vst v13;
	v0 =	vld.idx.msk [tilespmem:v0+s24+$0x0], $0xffff  }
0x112: {  	s23 =	simm.s32 $0x6;
	v13 =	vor.u32 $0x10, v1;
	v19 =	vld.idx.msk [tilespmem:v19+s24+$0x0], $0xffff;
	[tilespmem:s20+$0x0] =	vst v3  }
0x113: {  	s25 =	sor.u32 s28, s26;
	s26 =	sadd.s32 $0x10F80, s29;
	v18 =	vor.u32 $0x1D, v4;
	s15 =	simm.s32 $0x3;
	[tilespmem:s18+$0x280] =	vst v12;
	v10 =	vld.idx.msk [tilespmem:v10+s24+$0x0], $0xffff  }
0x114: {  	s19 =	sand.u32 $0x7, s23;
	s20 =	sand.u32 $0x3, s15;
	s15 =	simm.s32 $0x90;
	v12 =	vld.idx.msk [tilespmem:v15+s24+$0x0], $0xffff  }
0x115: {  	s10 =	sor.u32 s30, s26;
	s19 =	sshll.u32 s19, $0x4;
	v3 =	vor.u32 $0x18, v5;
	[tilespmem:s25+$0x0] =	vst v14;
	v20 =	vld [tilespmem:s15+$0xFFFFFFF0]  }
0x116: {  	s16 =	sor.u32 s7, s16;
	s19 =	sadd.s32 $0x300, s19;
	v15 =	vor.u32 $0x7, v2;
	v14 =	vld.idx.msk [tilespmem:v17+s24+$0x0], $0xffff;
	[tilespmem:s10+$0x0] =	vst v11  }
0x117: {  	s22 =	sor.u32 s13, s21;
	s19 =	sadd.s32 $0x10, s19;
	v11 =	vor.u32 $0x1A, v6;
	v13 =	vld.idx.msk [tilespmem:v13+s24+$0x0], $0xffff;
	[tilespmem:s16+$0x0] =	vst v9  }
0x118: {  	s17 =	sadd.s32 $0x11C80, s1;
	s23 =	sshll.u32 s20, $0x5;
	v17 =	vor.u32 $0x7, v16;
	s19 =	sor.u32 $0x300, s19;
	[tilespmem:s22+$0x0] =	vst v0;
	v0 =	vld.idx.msk [tilespmem:v18+s24+$0x0], $0xffff  }
0x119: {  	s25 =	sor.u32 s14, s17;
	v9 =	vor.u32 $0x10, v7;
	s16 =	sadd.s32 $0x300, s23;
	[tilespmem:s19+$0x10400] =	vst v19;
	v19 =	vld [tilespmem:s15+$0x0]  }
0x11a: {  	v18 =	vor.u32 $0x11, v1;
	s16 =	sor.u32 $0x300, s16;
	v3 =	vld.idx.msk [tilespmem:v3+s24+$0x0], $0xffff;
	[tilespmem:s25+$0x0] =	vst v10  }
0x11b: {  	s18 =	sor.u32 s28, s26;
	s26 =	sadd.s32 $0x11400, s29;
	v15 =	vld.idx.msk [tilespmem:v15+s24+$0x0], $0xffff;
	[tilespmem:s16+$0x10400] =	vst v12  }
0x11c: {  	s10 =	sor.u32 s30, s26;
	v12 =	vor.u32 $0x8, v2;
	v10 =	vld.idx.msk [tilespmem:v11+s24+$0x0], $0xffff;
	[tilespmem:s18+$0x0] =	vst v14  }
0x11d: {  	v11 =	vld.idx.msk [tilespmem:v17+s24+$0x0], $0xffff;
	[tilespmem:s10+$0x0] =	vst v13;
	v13 =	vor.u32 $0x1B, v6  }
0x11e: {  	s3 =	sor.u32 s3, s6;
	s23 =	sor.u32 s13, s9;
	v14 =	vor.u32 $0x8, v16;
	v9 =	vld.idx.msk [tilespmem:v9+s24+$0x0], $0xffff  }
0x11f: {  	s3 =	sor.u32 $0x380, s3;
	s16 =	sadd.s32 $0x11D00, s1;
	v17 =	vld.idx.msk [tilespmem:v18+s24+$0x0], $0xffff;
	v18 =	vor.u32 $0x11, v7;
	[tilespmem:s23+$0x0] =	vst v3  }
0x120: {  	s4 =	sor.u32 s4, s6;
	v21 =	vor.u32 $0x19, v5;
	s18 =	sor.u32 s14, s16;
	[tilespmem:s3+$0x10400] =	vst v15  }
0x121: {  	v23 =	vor.u32 $0x9, v2;
	s4 =	sor.u32 $0x380, s4;
	s21 =	simm.s32 $0x90;
	v15 =	vor.u32 $0x12, v1;
	v12 =	vld.idx.msk [tilespmem:v12+s24+$0x0], $0xffff;
	[tilespmem:s18+$0x0] =	vst v10  }
0x122: {  	v22 =	vmov s21;
	s20 =	sor.u32 s28, s26;
	s19 =	simm.s32 $0x80;
	v20 =	vshll.u32 v20, $0x5;
	v10 =	vor.u32 $0x1E, v4;
	[tilespmem:s4+$0x10400] =	vst v11;
	s18 =	sadd.s32 $0x11480, s29;
	v11 =	vld.idx.msk [tilespmem:v13+s24+$0x0], $0xffff  }
0x123: {  	v19 =	vshll.u32 v19, $0x5;
	v3 =	vmov s19;
	v14 =	vld.idx.msk [tilespmem:v14+s24+$0x0], $0xffff;
	[tilespmem:s20+$0x0] =	vst v9;
	s22 =	sor.u32 s30, s18;
	v9 =	vshll.u32 v22, $0x7  }
0x124: {  	s26 =	sadd.s32 $0x10C00, s31;
	s25 =	sor.u32 s7, s12;
	v19 =	vand.u32 $0x60, v19;
	v18 =	vld.idx.msk [tilespmem:v18+s24+$0x0], $0xffff;
	[tilespmem:s22+$0x0] =	vst v17;
	v17 =	vor.u32 $0x1C, v6;
	v9 =	vor.u32 v24, v9  }
0x125: {  	s6 =	sor.u32 s2, s26;
	[tilespmem:s25+$0x0] =	vst v0;
	v0 =	vshll.u32 v3, $0x7;
	s4 =	sadd.s32 $0x11D80, s1;
	v13 =	vor.u32 $0x9, v16;
	v3 =	vor.u32 v9, v19;
	v9 =	vld.idx.msk [tilespmem:v21+s24+$0x0], $0xffff  }
0x126: {  	v0 =	vor.u32 v24, v0;
	s9 =	sor.u32 s14, s4;
	v19 =	vand.u32 $0x60, v20;
	v15 =	vld.idx.msk [tilespmem:v15+s24+$0x0], $0xffff;
	[tilespmem:s6+$0x0] =	vst v12  }
0x127: {  	s12 =	sor.u32 s0, s26;
	v53 =	vor.u32 v0, v19;
	v10 =	vld.idx.msk [tilespmem:v10+s24+$0x0], $0xffff;
	s6 =	sadd.s32 $0x11F80, s8;
	[tilespmem:s9+$0x0] =	vst v11  }
0x128: {  	v12 =	vor.u32 $0x13, v1;
	v0 =	vld.idx.msk [tilespmem:v23+s24+$0x0], $0xffff;
	s15 =	sor.u32 s5, s6;
	[tilespmem:s12+$0x0] =	vst v14  }
0x129: {  	s22 =	sor.u32 s28, s18;
	v11 =	vor.u32 $0x12, v7;
	v14 =	vld.idx.msk [tilespmem:v17+s24+$0x0], $0xffff;
	[tilespmem:s15+$0x0] =	vst v8  }
0x12a: {  	s23 =	sor.u32 s13, s17;
	s20 =	sadd.s32 $0x11500, s29;
	v8 =	vld.idx.msk [tilespmem:v13+s24+$0x0], $0xffff;
	v13 =	vor.u32 $0xA, v2;
	[tilespmem:s22+$0x0] =	vst v18  }
0x12b: {  	s11 =	sor.u32 s7, s11;
	s21 =	sor.u32 s30, s20;
	v19 =	vor.u32 $0x1A, v5;
	v17 =	vld.idx.msk [tilespmem:v3+s24+$0x0], $0xffff;
	[tilespmem:s23+$0x0] =	vst v9  }
0x12c: {  	s10 =	simm.s32 $0x90;
	s3 =	simm.s32 $0x400;
	s22 =	sadd.s32 $0x10C80, s31;
	[tilespmem:s21+$0x0] =	vst v15;
	v15 =	vor.u32 $0x1D, v6;
	v9 =	vld.idx.msk [tilespmem:v53+s24+$0x0], $0xffff  }
0x12d: {  	s26 =	sand.u32 $0x400, s3;
	s12 =	sadd.s32 $0x11E00, s1;
	s25 =	sor.u32 s2, s22;
	v12 =	vld.idx.msk [tilespmem:v12+s24+$0x0], $0xffff;
	[tilespmem:s11+$0x0] =	vst v10  }
0x12e: {  	s9 =	sadd.s32 $0x10400, s26;
	s5 =	sand.u32 $0x70, s10;
	v18 =	vor.u32 $0x1, v3;
	s8 =	sor.u32 s14, s12;
	[tilespmem:s25+$0x0] =	vst v0;
	v0 =	vld.idx.msk [tilespmem:v11+s24+$0x0], $0xffff  }
0x12f: {  	s18 =	sor.u32 s5, s9;
	v11 =	vor.u32 $0x14, v1;
	v13 =	vld.idx.msk [tilespmem:v13+s24+$0x0], $0xffff;
	[tilespmem:s8+$0x0] =	vst v14  }
0x130: {  	v20 =	vor.u32 $0x1, v53;
	s15 =	smov.u32 s26;
	s26 =	sadd.s32 $0x11580, s29;
	s21 =	sand.u32 $0x60, s19;
	[tilespmem:s18+$0x0] =	vst v17;
	v17 =	vld.idx.msk [tilespmem:v19+s24+$0x0], $0xffff  }
0x131: {  	s25 =	sor.u32 s30, s26;
	v14 =	vor.u32 $0xA, v16;
	v10 =	vld.idx.msk [tilespmem:v15+s24+$0x0], $0xffff;
	[dreg:$0x4] =	wrdreg s21  }
0x132: {  	s17 =	sor.u32 s21, s9;
	v15 =	vor.u32 $0xB, v2;
	[tilespmem:s25+$0x0] =	vst v12  }
0x133: {  	s9 =	sor.u32 s0, s22;
	v18 =	vld.idx.msk [tilespmem:v18+s24+$0x0], $0xffff;
	v12 =	vor.u32 $0x1E, v6;
	[tilespmem:s17+$0x0] =	vst v9  }
0x134: {  	s20 =	sor.u32 s28, s20;
	s10 =	sadd.s32 $0x10D00, s31;
	v19 =	vor.u32 $0x13, v7;
	[tilespmem:s9+$0x0] =	vst v8;
	v9 =	vld.idx.msk [tilespmem:v11+s24+$0x0], $0xffff  }
0x135: {  	v4 =	vor.u32 $0x1F, v4;
	s11 =	sadd.s32 $0x11E80, s1;
	s21 =	sor.u32 s2, s10;
	v11 =	vld.idx.msk [tilespmem:v20+s24+$0x0], $0xffff;
	[tilespmem:s20+$0x0] =	vst v0  }
0x136: {  	s25 =	sor.u32 s14, s11;
	v20 =	vor.u32 $0x2, v3;
	[tilespmem:s21+$0x0] =	vst v13;
	v8 =	vld.idx.msk [tilespmem:v14+s24+$0x0], $0xffff  }
0x137: {  	s23 =	sadd.s32 $0x11600, s29;
	v13 =	vor.u32 $0x15, v1;
	[tilespmem:s25+$0x0] =	vst v10;
	v14 =	vld.idx.msk [tilespmem:v15+s24+$0x0], $0xffff  }
0x138: {  	s8 =	sor.u32 s30, s23;
	v10 =	vor.u32 $0x2, v53;
	v0 =	vld.idx.msk [tilespmem:v12+s24+$0x0], $0xffff;
	[tilespmem:s18+$0x80] =	vst v18  }
0x139: {  	v15 =	vor.u32 $0xB, v16;
	v18 =	vld.idx.msk [tilespmem:v19+s24+$0x0], $0xffff;
	[tilespmem:s8+$0x0] =	vst v9  }
0x13a: {  	s9 =	sor.u32 s0, s10;
	s10 =	sadd.s32 $0x10D80, s31;
	v40 =	vld.idx.msk [tilespmem:v4+s24+$0x0], $0xffff;
	v12 =	vor.u32 $0xC, v2;
	[tilespmem:s17+$0x80] =	vst v11  }
0x13b: {  	v6 =	vor.u32 $0x1F, v6;
	s20 =	sadd.s32 $0x11F00, s1;
	s25 =	sor.u32 s2, s10;
	v9 =	vld.idx.msk [tilespmem:v20+s24+$0x0], $0xffff;
	[tilespmem:s9+$0x0] =	vst v8  }
0x13c: {  	s21 =	sor.u32 s14, s20;
	v19 =	vor.u32 $0x14, v7;
	v11 =	vld.idx.msk [tilespmem:v13+s24+$0x0], $0xffff;
	[tilespmem:s25+$0x0] =	vst v14  }
0x13d: {  	s26 =	sor.u32 s28, s26;
	v8 =	vld.idx.msk [tilespmem:v10+s24+$0x0], $0xffff;
	v10 =	vor.u32 $0x3, v3;
	[tilespmem:s21+$0x0] =	vst v0  }
0x13e: {  	v13 =	vld.idx.msk [tilespmem:v15+s24+$0x0], $0xffff;
	v14 =	vor.u32 $0x16, v1;
	s25 =	sor.u32 s13, s16;
	[tilespmem:s26+$0x0] =	vst v18  }
0x13f: {  	v0 =	vor.u32 $0x3, v53;
	v12 =	vld.idx.msk [tilespmem:v12+s24+$0x0], $0xffff;
	s26 =	sadd.s32 $0x11680, s29;
	[tilespmem:s25+$0x0] =	vst v17  }
0x140: {  	v15 =	vor.u32 $0xC, v16;
	v6 =	vld.idx.msk [tilespmem:v6+s24+$0x0], $0xffff;
	[tilespmem:s18+$0x100] =	vst v9;
	s8 =	sor.u32 s30, s26  }
0x141: {  	v9 =	vor.u32 $0xD, v2;
	v18 =	vld.idx.msk [tilespmem:v19+s24+$0x0], $0xffff;
	[tilespmem:s8+$0x0] =	vst v11  }
0x142: {  	s22 =	sor.u32 s0, s10;
	s9 =	sadd.s32 $0x10E00, s31;
	v11 =	vor.u32 $0x15, v7;
	v10 =	vld.idx.msk [tilespmem:v10+s24+$0x0], $0xffff;
	[tilespmem:s17+$0x100] =	vst v8  }
0x143: {  	s10 =	sor.u32 s2, s9;
	v8 =	vld.idx.msk [tilespmem:v14+s24+$0x0], $0xffff;
	[tilespmem:s22+$0x0] =	vst v13;
	v13 =	vor.u32 $0x4, v3;
	s22 =	sadd.s32 $0x11F80, s1  }
0x144: {  	v14 =	vor.u32 $0x17, v1;
	v0 =	vld.idx.msk [tilespmem:v0+s24+$0x0], $0xffff;
	[tilespmem:s10+$0x0] =	vst v12;
	s21 =	sor.u32 s14, s22  }
0x145: {  	s23 =	sor.u32 s28, s23;
	v12 =	vld.idx.msk [tilespmem:v15+s24+$0x0], $0xffff;
	[tilespmem:s21+$0x0] =	vst v6;
	v6 =	vor.u32 $0x4, v53  }
0x146: {  	s1 =	sadd.s32 $0x11700, s29;
	v15 =	vor.u32 $0xD, v16;
	v9 =	vld.idx.msk [tilespmem:v9+s24+$0x0], $0xffff;
	[tilespmem:s23+$0x0] =	vst v18  }
0x147: {  	v4 =	vor.u32 $0xE, v2;
	s8 =	sor.u32 s30, s1;
	[tilespmem:s18+$0x180] =	vst v10;
	v10 =	vld.idx.msk [tilespmem:v11+s24+$0x0], $0xffff  }
0x148: {  	[tilespmem:s8+$0x0] =	vst v8;
	v8 =	vor.u32 $0x1B, v5;
	v11 =	vld.idx.msk [tilespmem:v13+s24+$0x0], $0xffff  }
0x149: {  	s9 =	sor.u32 s0, s9;
	s10 =	sadd.s32 $0x10E80, s31;
	v13 =	vor.u32 $0x16, v7;
	[tilespmem:s17+$0x180] =	vst v0;
	v0 =	vld.idx.msk [tilespmem:v14+s24+$0x0], $0xffff  }
0x14a: {  	s21 =	sor.u32 s2, s10;
	[tilespmem:s9+$0x0] =	vst v12;
	v6 =	vld.idx.msk [tilespmem:v6+s24+$0x0], $0xffff  }
0x14b: {  	v19 =	vor.u32 $0x5, v3;
	s26 =	sor.u32 s28, s26;
	[tilespmem:s21+$0x0] =	vst v9;
	v20 =	vld.idx.msk [tilespmem:v15+s24+$0x0], $0xffff  }
0x14c: {  	v21 =	vor.u32 $0x18, v1;
	v4 =	vld.idx.msk [tilespmem:v4+s24+$0x0], $0xffff;
	[tilespmem:s26+$0x0] =	vst v10  }
0x14d: {  	v17 =	vor.u32 $0xE, v16;
	s14 =	sadd.s32 $0x11780, s29;
	v12 =	vor.u32 $0x1A, v7;
	v8 =	vld.idx.msk [tilespmem:v8+s24+$0x0], $0xffff;
	[tilespmem:s18+$0x200] =	vst v11  }
0x14e: {  	v23 =	vor.u32 $0x5, v53;
	s8 =	sor.u32 s30, s14;
	v13 =	vld.idx.msk [tilespmem:v13+s24+$0x0], $0xffff;
	[tilespmem:$0x1FF60] =	vst v12  }
0x14f: {  	[tilespmem:s8+$0x0] =	vst v0  }
0x150: {  	s9 =	sor.u32 s0, s10;
	s10 =	sadd.s32 $0x10F00, s31;
	v19 =	vld.idx.msk [tilespmem:v19+s24+$0x0], $0xffff;
	[tilespmem:s17+$0x200] =	vst v6  }
0x151: {  	v30 =	vor.u32 $0x1E, v5;
	s21 =	sor.u32 s2, s10;
	v11 =	vor.u32 $0xF, v2;
	[tilespmem:s9+$0x0] =	vst v20;
	v0 =	vld.idx.msk [tilespmem:v21+s24+$0x0], $0xffff  }
0x152: {  	v22 =	vor.u32 $0x1D, v5;
	v9 =	vor.u32 $0x1C, v5;
	[tilespmem:s21+$0x0] =	vst v4;
	v4 =	vld.idx.msk [tilespmem:v17+s24+$0x0], $0xffff;
	v17 =	vor.u32 $0x13, v16  }
0x153: {  	v18 =	vor.u32 $0x1F, v5;
	v5 =	vor.u32 $0x17, v7;
	v24 =	vld.idx.msk [tilespmem:v23+s24+$0x0], $0xffff;
	[tilespmem:$0x1FF70] =	vst v17;
	v17 =	vor.u32 $0x14, v16  }
0x154: {  	s4 =	sor.u32 s13, s4;
	[tilespmem:$0x1FF80] =	vst v17  }
0x155: {  	s1 =	sor.u32 s28, s1;
	[tilespmem:s4+$0x0] =	vst v8  }
0x156: {  	v27 =	vor.u32 $0x6, v3;
	v31 =	vld.idx.msk [tilespmem:v11+s24+$0x0], $0xffff;
	[tilespmem:s1+$0x0] =	vst v13  }
0x157: {  	v20 =	vor.u32 $0x19, v1;
	s1 =	sadd.s32 $0x11C00, s29;
	v11 =	vor.u32 $0x1A, v16;
	v8 =	vld.idx.msk [tilespmem:v9+s24+$0x0], $0xffff;
	[tilespmem:s18+$0x280] =	vst v19  }
0x158: {  	v32 =	vor.u32 $0x19, v7;
	v28 =	vor.u32 $0x6, v53;
	v5 =	vld.idx.msk [tilespmem:v5+s24+$0x0], $0xffff;
	s25 =	sor.u32 s30, s1;
	[tilespmem:$0x1FF90] =	vst v11  }
0x159: {  	v29 =	vor.u32 $0x1B, v7;
	v26 =	vor.u32 $0x1F, v7;
	v6 =	vor.u32 $0xF, v16;
	[tilespmem:s25+$0x0] =	vst v0  }
0x15a: {  	v54 =	vor.u32 $0x11, v2;
	v39 =	vor.u32 $0x11, v16;
	v44 =	vor.u32 $0x12, v16;
	s26 =	sor.u32 s0, s10;
	s9 =	sadd.s32 $0x10F80, s31;
	s4 =	simm.s32 $0x8;
	[tilespmem:s17+$0x280] =	vst v24  }
0x15b: {  	v43 =	vor.u32 $0x15, v16;
	v36 =	vor.u32 $0x16, v16;
	v9 =	vor.u32 $0x10, v2;
	s8 =	sand.u32 $0x7, s4;
	v27 =	vld.idx.msk [tilespmem:v27+s24+$0x0], $0xffff;
	[tilespmem:s26+$0x0] =	vst v4;
	s17 =	sor.u32 s2, s9  }
0x15c: {  	v35 =	vor.u32 $0x17, v16;
	v34 =	vor.u32 $0x18, v16;
	v33 =	vor.u32 $0x19, v16;
	s12 =	sor.u32 s13, s12;
	s18 =	sshll.u32 s8, $0x4;
	v0 =	vld.idx.msk [tilespmem:v20+s24+$0x0], $0xffff;
	[tilespmem:s17+$0x0] =	vst v31  }
0x15d: {  	v52 =	vor.u32 $0x8, v53;
	v10 =	vor.u32 $0x18, v7;
	s18 =	sadd.s32 $0x400, s18;
	v20 =	vld.idx.msk [tilespmem:v28+s24+$0x0], $0xffff;
	[tilespmem:s12+$0x0] =	vst v8;
	v8 =	vor.u32 $0xC, v53  }
0x15e: {  	v50 =	vor.u32 $0x9, v53;
	s14 =	sor.u32 s28, s14;
	v14 =	vor.u32 $0x1D, v7;
	v15 =	vor.u32 $0x1C, v7;
	v4 =	vld.idx.msk [tilespmem:v6+s24+$0x0], $0xffff;
	s16 =	sadd.s32 $0x10, s18;
	[tilespmem:$0x1FFA0] =	vst v8  }
0x15f: {  	v12 =	vor.u32 $0x1E, v7;
	v7 =	vor.u32 $0x10, v16;
	v23 =	vor.u32 $0x1B, v16;
	s16 =	sor.u32 $0x300, s16;
	[tilespmem:s14+$0x0] =	vst v5;
	s14 =	sadd.s32 $0x11C80, s29  }
0x160: {  	v21 =	vor.u32 $0x1C, v16;
	v17 =	vor.u32 $0x1F, v16;
	v24 =	vor.u32 $0x7, v3;
	s17 =	simm.s32 $0x4;
	v8 =	vld.idx.msk [tilespmem:v9+s24+$0x0], $0xffff;
	[tilespmem:s16+$0x10400] =	vst v27;
	s26 =	sor.u32 s30, s14  }
0x161: {  	v13 =	vor.u32 $0x1E, v16;
	v6 =	vor.u32 $0x1A, v1;
	s21 =	sand.u32 $0x3, s17;
	v9 =	vld.idx.msk [tilespmem:v22+s24+$0x0], $0xffff;
	[tilespmem:s26+$0x0] =	vst v0;
	v0 =	vor.u32 $0x13, v53  }
0x162: {  	v19 =	vor.u32 $0x1D, v16;
	v16 =	vor.u32 $0x7, v53;
	s12 =	sshll.u32 s21, $0x5;
	v55 =	vld.idx.msk [tilespmem:v10+s24+$0x0], $0xffff;
	[tilespmem:$0x1FFB0] =	vst v0;
	v0 =	vor.u32 $0x14, v53  }
0x163: {  	v49 =	vor.u32 $0xA, v53;
	v48 =	vor.u32 $0xB, v53;
	s25 =	sadd.s32 $0x400, s12;
	[tilespmem:$0x1FFC0] =	vst v0;
	v0 =	vor.u32 $0x15, v53  }
0x164: {  	v47 =	vor.u32 $0xD, v53;
	v46 =	vor.u32 $0xE, v53;
	v58 =	vor.u32 $0xF, v53;
	s23 =	sor.u32 s19, s3;
	s10 =	sor.u32 s7, s6;
	s6 =	sor.u32 $0x300, s25;
	[tilespmem:$0x1FFD0] =	vst v0  }
0x165: {  	v51 =	vor.u32 $0x11, v53;
	v25 =	vor.u32 $0x12, v53;
	s7 =	sor.u32 s13, s11;
	s8 =	sadd.s32 $0x11400, s31;
	s18 =	simm.s32 $0x8;
	v0 =	vor.u32 $0x1A, v53;
	v5 =	vld.idx.msk [tilespmem:v24+s24+$0x0], $0xffff;
	[tilespmem:s6+$0x10400] =	vst v20  }
0x166: {  	v57 =	vor.u32 $0x16, v53;
	v41 =	vor.u32 $0x19, v53;
	v11 =	vor.u32 $0x10, v53;
	s21 =	smov.u32 s30;
	s16 =	sor.u32 $0x380, s23;
	s30 =	sor.u32 s0, s9;
	v56 =	vld.idx.msk [tilespmem:v6+s24+$0x0], $0xffff;
	[tilespmem:$0x1FFE0] =	vst v0  }
0x167: {  	v28 =	vor.u32 $0x18, v53;
	v31 =	vor.u32 $0x17, v53;
	v22 =	vor.u32 $0x1C, v53;
	s25 =	sor.u32 s13, s20;
	s9 =	sor.u32 s13, s22;
	s26 =	sor.u32 s2, s8;
	v6 =	vld.idx.msk [tilespmem:v16+s24+$0x0], $0xffff;
	[tilespmem:s30+$0x0] =	vst v4  }
0x168: {  	v27 =	vor.u32 $0x1E, v53;
	s12 =	sor.u32 s28, s14;
	s13 =	simm.s32 $0xB0;
	v24 =	vor.u32 $0x1B, v53;
	v20 =	vor.u32 $0x1D, v53;
	[tilespmem:s26+$0x0] =	vst v8;
	s30 =	simm.s32 $0x90;
	v4 =	vld.idx.msk [tilespmem:v7+s24+$0x0], $0xffff  }
0x169: {  	s6 =	sor.u32 s28, s1;
	s1 =	sor.u32 s0, s8;
	v16 =	vor.u32 $0x1F, v53;
	[tilespmem:s7+$0x0] =	vst v9;
	v53 =	vor.u32 $0x1B, v1;
	v7 =	vor.u32 $0x8, v3;
	s7 =	sor.u32 s30, s3;
	v0 =	vld.idx.msk [tilespmem:v54+s24+$0x0], $0xffff  }
.LBB2_7:
0x16a: {  	[tilespmem:$0x1FEB0] =	vst v14  }
0x16b: {  	[tilespmem:$0x1FEF0] =	vst v28  }
0x16c: {  	[tilespmem:$0x1FF30] =	vst v11  }
0x16d: {  	v11 =	vld [tilespmem:$0x1FFF0];
	s7 =	sor.u32 $0x380, s7;
	[tilespmem:s6+$0x0] =	vst v55  }
0x16e: {  	v8 =	vld [tilespmem:s13+$0x0];
	s26 =	sadd.s32 $0x11D00, s29;
	[tilespmem:s7+$0x10400] =	vst v5  }
0x16f: {  	v9 =	vld [tilespmem:s13+$0xFFFFFFF0];
	v5 =	vor.u32 $0x12, v2;
	s6 =	sor.u32 s21, s26;
	[tilespmem:s16+$0x10400] =	vst v6  }
0x170: {  	s19 =	sadd.s32 $0x20, s19;
	s14 =	sadd.s32 $0x11480, s31;
	v7 =	vld.idx.msk [tilespmem:v7+s24+$0x0], $0xffff;
	[tilespmem:s6+$0x0] =	vst v56  }
0x171: {  	v54 =	vor.u32 $0x9, v3;
	v10 =	vmov s19;
	s11 =	sadd.s32 $0x10, s19;
	v52 =	vld.idx.msk [tilespmem:v52+s24+$0x0], $0xffff;
	s6 =	sor.u32 s2, s14;
	[tilespmem:s1+$0x0] =	vst v4  }
0x172: {  	v10 =	vshll.u32 v10, $0x7;
	v38 =	vmov s11;
	v6 =	vld.idx.msk [tilespmem:v53+s24+$0x0], $0xffff;
	[tilespmem:s6+$0x0] =	vst v0  }
0x173: {  	s22 =	sadd.s32 $0x10C00, s15;
	v4 =	vshll.u32 v38, $0x7;
	v0 =	vor.u32 $0x1C, v1;
	v13 =	vmovc v13;
	v8 =	vshll.u32 v8, $0x5;
	v56 =	vld.idx.msk [tilespmem:v39+s24+$0x0], $0xffff;
	[tilespmem:s10+$0x0] =	vst v40  }
0x174: {  	s8 =	sor.u32 s28, s26;
	s26 =	smov.u32 s9;
	s6 =	sor.u32 s5, s22;
	v4 =	vor.u32 v11, v4;
	v14 =	vor.u32 v11, v10;
	[tilespmem:$0x1FF10] =	vst v13;
	v8 =	vand.u32 $0x60, v8;
	v5 =	vld.idx.msk [tilespmem:v5+s24+$0x0], $0xffff  }
0x175: {  	s9 =	smov.u32 s31;
	s16 =	smov.u32 s11;
	s11 =	sadd.s32 $0x11D80, s29;
	v11 =	vmov v33;
	v9 =	vshll.u32 v9, $0x5;
	v8 =	vor.u32 v4, v8;
	v4 =	vld.idx.msk [tilespmem:v32+s24+$0x0], $0xffff;
	[tilespmem:s6+$0x0] =	vst v7  }
0x176: {  	s31 =	rddreg [dreg:$0x4];
	[tilespmem:$0x1FED0] =	vst v11;
	v9 =	vand.u32 $0x60, v9;
	v7 =	vor.u32 $0x13, v2;
	s6 =	sor.u32 s28, s11;
	s11 =	sor.u32 s21, s11;
	v45 =	vld.idx.msk [tilespmem:v54+s24+$0x0], $0xffff  }
0x177: {  	s30 =	smov.u32 s21;
	v28 =	vor.u32 $0xA, v3;
	s10 =	sor.u32 s31, s22;
	v11 =	vor.u32 v14, v9;
	v9 =	vld.idx.msk [tilespmem:v30+s24+$0x0], $0xffff;
	[tilespmem:s11+$0x0] =	vst v6  }
0x178: {  	s17 =	sadd.s32 $0x1, s17;
	s20 =	sor.u32 s0, s14;
	s14 =	sadd.s32 $0x11500, s9;
	[tilespmem:s10+$0x0] =	vst v52;
	v0 =	vld.idx.msk [tilespmem:v0+s24+$0x0], $0xffff  }
0x179: {  	v42 =	vmov v51;
	[dreg:$0xc] =	wrdreg s26;
	s26 =	sadd.s32 $0x10C80, s15;
	v13 =	vld.idx.msk [tilespmem:v50+s24+$0x0], $0xffff;
	[tilespmem:s20+$0x0] =	vst v56;
	s20 =	sor.u32 s2, s14  }
0x17a: {  	s7 =	sor.u32 s0, s14;
	s21 =	sand.u32 $0x3, s17;
	s14 =	sor.u32 s5, s26;
	v60 =	vld.idx.msk [tilespmem:v8+s24+$0x0], $0xffff;
	[tilespmem:s20+$0x0] =	vst v5  }
0x17b: {  	s3 =	sadd.s32 $0x100, s3;
	v32 =	vmov v35;
	v35 =	vmov v16;
	s22 =	sshll.u32 s21, $0x5;
	s20 =	sadd.s32 $0x11E00, s29;
	v16 =	vld.idx.msk [tilespmem:v7+s24+$0x0], $0xffff;
	[tilespmem:s14+$0x0] =	vst v45  }
0x17c: {  	[tilespmem:$0x1FF00] =	vst v42;
	v42 =	vmov v36;
	v36 =	vmov v23;
	s1 =	sadd.s32 s22, s3;
	s22 =	sor.u32 s30, s20;
	v23 =	vld.idx.msk [tilespmem:v28+s24+$0x0], $0xffff  }
0x17d: {  	v5 =	vor.u32 $0x1D, v1;
	[tilespmem:s22+$0x0] =	vst v0;
	v0 =	vld [tilespmem:$0x1FF60];
	_ =	sdelay $0x1  }
0x17e: {  	v37 =	vmovc v43;
	v43 =	vmov v26;
	v26 =	vmov v18;
	v18 =	vor.u32 $0x1, v8;
	[tilespmem:s12+$0x0] =	vst v4  }
0x17f: {  	v33 =	vmov v29;
	v29 =	vmov v17;
	s21 =	sand.u32 $0x400, s3;
	s1 =	sor.u32 $0x300, s1;
	v17 =	vld.idx.msk [tilespmem:v11+s24+$0x0], $0xffff;
	[tilespmem:s25+$0x0] =	vst v9  }
0x180: {  	v10 =	vmov v12;
	v12 =	vor.u32 $0x1, v11;
	v56 =	vmov v19;
	[dreg:$0xa] =	wrdreg s1;
	s1 =	sand.u32 $0x70, s16;
	s14 =	sadd.s32 $0x10400, s21;
	v19 =	vld.idx.msk [tilespmem:v44+s24+$0x0], $0xffff  }
0x181: {  	s22 =	sor.u32 s1, s14;
	v28 =	vmov v24;
	v24 =	vld.idx.msk [tilespmem:v5+s24+$0x0], $0xffff  }
0x182: {  	s23 =	sand.u32 $0x60, s19;
	[tilespmem:s22+$0x0] =	vst v60;
	v5 =	vld [tilespmem:$0x1FF90]  }
0x183: {  	[tilespmem:$0x1FEE0] =	vst v20;
	v20 =	vor.u32 $0x14, v2;
	s12 =	sor.u32 s23, s14;
	v18 =	vld.idx.msk [tilespmem:v18+s24+$0x0], $0xffff  }
0x184: {  	s11 =	sor.u32 s31, s26;
	s25 =	sadd.s32 $0x11580, s9;
	v7 =	vld.idx.msk [tilespmem:v0+s24+$0x0], $0xffff;
	[tilespmem:s12+$0x0] =	vst v17  }
0x185: {  	s26 =	sor.u32 s2, s25;
	v12 =	vld.idx.msk [tilespmem:v12+s24+$0x0], $0xffff;
	[tilespmem:s11+$0x0] =	vst v13  }
0x186: {  	v44 =	vmov v25;
	v25 =	vor.u32 $0xB, v3;
	[tilespmem:s26+$0x0] =	vst v16;
	v13 =	vld.idx.msk [tilespmem:v49+s24+$0x0], $0xffff  }
0x187: {  	[dreg:$0x8] =	wrdreg s16;
	s14 =	sor.u32 s0, s25;
	s25 =	sadd.s32 $0x10D00, s15;
	v16 =	vor.u32 $0x1E, v1;
	[tilespmem:s7+$0x0] =	vst v19;
	v19 =	vld [tilespmem:$0x1FF70]  }
0x188: {  	s10 =	sor.u32 s19, s3;
	s26 =	sor.u32 s28, s20;
	s20 =	sor.u32 s5, s25;
	v17 =	vld.idx.msk [tilespmem:v20+s24+$0x0], $0xffff;
	v20 =	vor.u32 $0x2, v8  }
0x189: {  	s16 =	sor.u32 $0x380, s10;
	s10 =	sor.u32 s31, s25;
	s25 =	sadd.s32 $0x11E80, s29;
	[tilespmem:s20+$0x0] =	vst v23;
	v23 =	vor.u32 $0x15, v2  }
0x18a: {  	[tilespmem:$0x1FEC0] =	vst v10;
	v6 =	vmov v27;
	v14 =	vor.u32 $0xA, v11;
	v27 =	vmov v5;
	v5 =	vld [tilespmem:$0x1FFE0];
	s20 =	sor.u32 s30, s25  }
0x18b: {  	v10 =	vor.u32 $0x2, v11;
	s11 =	sor.u32 s28, s25;
	s25 =	sadd.s32 $0x11600, s9;
	v49 =	vmov v14;
	v14 =	vld.idx.msk [tilespmem:v25+s24+$0x0], $0xffff;
	[tilespmem:s20+$0x0] =	vst v24  }
0x18c: {  	s7 =	sor.u32 s2, s25;
	v16 =	vld.idx.msk [tilespmem:v16+s24+$0x0], $0xffff;
	[tilespmem:s22+$0x80] =	vst v18  }
0x18d: {  	v18 =	vor.u32 $0xC, v3;
	v20 =	vld.idx.msk [tilespmem:v20+s24+$0x0], $0xffff;
	[tilespmem:s7+$0x0] =	vst v17  }
0x18e: {  	[tilespmem:$0x1FF50] =	vst v6;
	v17 =	vor.u32 $0x1F, v1;
	v1 =	vmovc v2;
	v2 =	vmov v3;
	v3 =	vmov v8;
	v8 =	vld.idx.msk [tilespmem:v23+s24+$0x0], $0xffff  }
0x18f: {  	s20 =	sor.u32 s0, s25;
	s25 =	sadd.s32 $0x10D80, s15;
	v19 =	vld.idx.msk [tilespmem:v19+s24+$0x0], $0xffff;
	[tilespmem:s12+$0x80] =	vst v12  }
0x190: {  	s7 =	sor.u32 s5, s25;
	v10 =	vld.idx.msk [tilespmem:v10+s24+$0x0], $0xffff;
	[tilespmem:s10+$0x0] =	vst v13;
	s10 =	simm.s32 $0x400  }
0x191: {  	v54 =	vmovc v31;
	v31 =	vmov v15;
	v6 =	vor.u32 $0x6, v11;
	v15 =	vor.u32 $0xB, v11;
	[tilespmem:s7+$0x0] =	vst v14;
	v13 =	vld.idx.msk [tilespmem:v48+s10+$0x0], $0xffff  }
0x192: {  	[tilespmem:$0x1FE90] =	vst v6;
	v6 =	vor.u32 $0x7, v11;
	v48 =	vmov v15;
	v15 =	vld.idx.msk [tilespmem:v18+s10+$0x0], $0xffff  }
0x193: {  	[dreg:$0x6] =	wrdreg s8;
	s8 =	smov.u32 s15;
	[tilespmem:$0x1FF20] =	vst v6;
	v4 =	vor.u32 $0xF, v11;
	s24 =	sadd.s32 $0x11F00, s29;
	v18 =	vld [tilespmem:$0x1FF80]  }
0x194: {  	[tilespmem:$0x1FEA0] =	vst v4;
	s15 =	sor.u32 s31, s25;
	s25 =	sor.u32 s28, s24;
	s24 =	sor.u32 s30, s24  }
0x195: {  	v4 =	vor.u32 $0x10, v11;
	[tilespmem:s24+$0x0] =	vst v16  }
0x196: {  	[tilespmem:$0x1FF40] =	vst v4;
	v16 =	vld.idx.msk [tilespmem:v17+s10+$0x0], $0xffff  }
0x197: {  	v40 =	vor.u32 $0x3, v11;
	[tilespmem:s22+$0x100] =	vst v20;
	v20 =	vld [tilespmem:$0x1FFC0]  }
0x198: {  	[tilespmem:$0x1FF60] =	vst v27;
	v0 =	vmov v5  }
0x199: {  	[tilespmem:$0x1FF90] =	vst v0;
	v12 =	vor.u32 $0x3, v3  }
0x19a: {  	v25 =	vld [tilespmem:$0x1FFB0];
	[tilespmem:s14+$0x0] =	vst v19  }
0x19b: {  	v0 =	vor.u32 $0x1A, v11;
	v18 =	vld.idx.msk [tilespmem:v18+s10+$0x0], $0xffff;
	[tilespmem:s12+$0x100] =	vst v10  }
0x19c: {  	[tilespmem:$0x1FFE0] =	vst v0;
	v14 =	vor.u32 $0x16, v1;
	s24 =	sadd.s32 $0x11680, s9;
	v19 =	vmov v20;
	v10 =	vld.idx.msk [tilespmem:v40+s10+$0x0], $0xffff  }
0x19d: {  	s14 =	sor.u32 s2, s24;
	[tilespmem:s15+$0x0] =	vst v13;
	v13 =	vld [tilespmem:$0x1FFA0]  }
0x19e: {  	v38 =	vmov v22;
	v22 =	vor.u32 $0x14, v11;
	v12 =	vld.idx.msk [tilespmem:v12+s10+$0x0], $0xffff;
	[tilespmem:s14+$0x0] =	vst v8  }
0x19f: {  	v62 =	vor.u32 $0x4, v11;
	v24 =	vmovc v25;
	v17 =	vor.u32 $0xD, v2;
	s14 =	sadd.s32 $0x10E00, s8;
	[tilespmem:$0x1FF80] =	vst v19;
	v19 =	vmov v22  }
0x1a0: {  	v53 =	vor.u32 $0x5, v11;
	v52 =	vor.u32 $0x8, v11;
	v50 =	vor.u32 $0x9, v11;
	[tilespmem:$0x1FF70] =	vst v24;
	s7 =	sor.u32 s0, s24;
	s24 =	sor.u32 s31, s14;
	s14 =	sor.u32 s5, s14  }
0x1a1: {  	v55 =	vmovc v34;
	v63 =	vor.u32 $0xD, v11;
	v59 =	vor.u32 $0xE, v11;
	v6 =	vor.u32 $0xC, v11;
	v8 =	vld.idx.msk [tilespmem:v14+s10+$0x0], $0xffff;
	[tilespmem:s14+$0x0] =	vst v15  }
0x1a2: {  	v34 =	vmovc v21;
	v51 =	vor.u32 $0x11, v11;
	v21 =	vor.u32 $0x13, v11;
	v61 =	vor.u32 $0x17, v11;
	s29 =	sadd.s32 $0x11F80, s29;
	[tilespmem:$0x1FFC0] =	vst v19;
	v19 =	vmovc v6  }
0x1a3: {  	v30 =	vmovc v41;
	v39 =	vor.u32 $0x18, v11;
	v41 =	vor.u32 $0x19, v11;
	s30 =	sor.u32 s30, s29;
	v14 =	vor.u32 $0x4, v3;
	[tilespmem:$0x1FFA0] =	vst v19;
	v19 =	vld [tilespmem:$0x1FFD0]  }
0x1a4: {  	v45 =	vor.u32 $0x12, v11;
	v9 =	vor.u32 $0x15, v11;
	v15 =	vor.u32 $0x17, v1;
	s15 =	sor.u32 s28, s29;
	s28 =	smov.u32 s0;
	s0 =	smov.u32 s31;
	v6 =	vld.idx.msk [tilespmem:v17+s10+$0x0], $0xffff;
	[tilespmem:s30+$0x0] =	vst v16  }
0x1a5: {  	v4 =	vor.u32 $0x16, v11;
	v60 =	vor.u32 $0x1D, v11;
	v27 =	vor.u32 $0x1E, v11;
	s29 =	smov.u32 s9;
	s31 =	smov.u32 s8;
	s30 =	smov.u32 s23;
	v13 =	vld.idx.msk [tilespmem:v13+s10+$0x0], $0xffff;
	[tilespmem:s20+$0x0] =	vst v18  }
0x1a6: {  	v5 =	vor.u32 $0x1B, v11;
	v0 =	vor.u32 $0x1C, v11;
	v11 =	vor.u32 $0x1F, v11;
	s8 =	smov.u32 s2;
	s23 =	sadd.s32 $0x11700, s29;
	[dreg:$0x4] =	wrdreg s30;
	[tilespmem:s22+$0x180] =	vst v12;
	v40 =	vld.idx.msk [tilespmem:v26+s10+$0x0], $0xffff  }
0x1a7: {  	v16 =	vmov v11;
	v11 =	vor.u32 $0xE, v2;
	s30 =	sadd.s32 $0x10E80, s31;
	s20 =	sor.u32 s2, s23;
	s2 =	smov.u32 s5;
	v12 =	vld.idx.msk [tilespmem:v37+s10+$0x0], $0xffff;
	[tilespmem:s12+$0x180] =	vst v10  }
0x1a8: {  	v18 =	vmov v43;
	s5 =	smov.u32 s1;
	s1 =	sor.u32 s2, s30;
	v43 =	vmov v19;
	v19 =	vmov v9;
	v9 =	vld.idx.msk [tilespmem:v14+s10+$0x0], $0xffff;
	[tilespmem:s20+$0x0] =	vst v8  }
0x1a9: {  	s9 =	smov.u32 s15;
	v8 =	vld.idx.msk [tilespmem:v15+s10+$0x0], $0xffff;
	[tilespmem:s1+$0x0] =	vst v6  }
0x1aa: {  	s15 =	smov.u32 s21;
	s21 =	rddreg [dreg:$0x6];
	v10 =	vld.idx.msk [tilespmem:v62+s10+$0x0], $0xffff;
	v14 =	vor.u32 $0x5, v3;
	[tilespmem:s24+$0x0] =	vst v13;
	s24 =	simm.s32 $0x400  }
0x1ab: {  	v24 =	vmov v21;
	v13 =	vld.idx.msk [tilespmem:v47+s24+$0x0], $0xffff;
	[tilespmem:s21+$0x0] =	vst v7  }
0x1ac: {  	v11 =	vld.idx.msk [tilespmem:v11+s24+$0x0], $0xffff;
	[tilespmem:s7+$0x0] =	vst v12  }
0x1ad: {  	[tilespmem:$0x1FFB0] =	vst v24;
	s14 =	sor.u32 s28, s23;
	s23 =	sadd.s32 $0x11780, s29;
	v6 =	vor.u32 $0x18, v1;
	v7 =	vld.idx.msk [tilespmem:v33+s24+$0x0], $0xffff  }
0x1ae: {  	v24 =	vmov v5;
	[tilespmem:s22+$0x200] =	vst v9;
	s7 =	sor.u32 s8, s23;
	v9 =	vld.idx.msk [tilespmem:v42+s24+$0x0], $0xffff  }
0x1af: {  	v5 =	vor.u32 $0xF, v2;
	v26 =	vmovc v29;
	v29 =	vmovc v36;
	v36 =	vmov v57;
	v57 =	vmov v4;
	v4 =	vld.idx.msk [tilespmem:v14+s24+$0x0], $0xffff;
	[tilespmem:s7+$0x0] =	vst v8  }
0x1b0: {  	s20 =	sor.u32 s0, s30;
	s30 =	sadd.s32 $0x10F00, s31;
	[tilespmem:s12+$0x200] =	vst v10  }
0x1b1: {  	s7 =	sor.u32 s2, s30;
	v8 =	vld.idx.msk [tilespmem:v53+s24+$0x0], $0xffff;
	[tilespmem:s20+$0x0] =	vst v13  }
0x1b2: {  	v6 =	vld.idx.msk [tilespmem:v6+s24+$0x0], $0xffff;
	[tilespmem:s7+$0x0] =	vst v11  }
0x1b3: {  	v12 =	vld.idx.msk [tilespmem:v46+s24+$0x0], $0xffff;
	[tilespmem:s6+$0x0] =	vst v7  }
0x1b4: {  	v5 =	vld.idx.msk [tilespmem:v5+s24+$0x0], $0xffff;
	[tilespmem:s14+$0x0] =	vst v9  }
0x1b5: {  	v7 =	vld.idx.msk [tilespmem:v31+s24+$0x0], $0xffff  }
0x1b6: {  	[tilespmem:s22+$0x280] =	vst v4;
	v4 =	vld.idx.msk [tilespmem:v32+s24+$0x0], $0xffff  }
0x1b7: {  	[tilespmem:s12+$0x280] =	vst v8;
	v8 =	vld [tilespmem:$0x1FE90]  }
0x1b8: {  	v10 =	vor.u32 $0x6, v3  }
0x1b9: {  	v11 =	vor.u32 $0x19, v1;
	_ =	sdelay $0x1  }
0x1ba: {  	s1 =	sor.u32 s28, s23;
	s23 =	sadd.s32 $0x11C00, s29  }
0x1bb: {  	s7 =	sor.u32 s8, s23  }
0x1bc: {  	v9 =	vld.idx.msk [tilespmem:v10+s24+$0x0], $0xffff;
	[tilespmem:s7+$0x0] =	vst v6  }
0x1bd: {  	s21 =	sor.u32 s0, s30;
	v6 =	vld.idx.msk [tilespmem:v11+s24+$0x0], $0xffff  }
0x1be: {  	v8 =	vld.idx.msk [tilespmem:v8+s24+$0x0], $0xffff;
	[tilespmem:s21+$0x0] =	vst v12  }
0x1bf: {  	v11 =	vld.idx.msk [tilespmem:v58+s24+$0x0], $0xffff;
	[tilespmem:s26+$0x0] =	vst v7  }
0x1c0: {  	[tilespmem:s1+$0x0] =	vst v4;
	v4 =	vld [tilespmem:$0x1FEB0];
	_ =	sdelay $0x7  }
0x1c1: {  	v13 =	vld.idx.msk [tilespmem:v4+s24+$0x0], $0xffff  }
0x1c2: {  	v4 =	vld [tilespmem:$0x1FEE0];
	_ =	sdelay $0x4  }
0x1c3: {  	[tilespmem:$0x1FFD0] =	vst v19;
	v19 =	vmov v4;
	v4 =	vld [tilespmem:$0x1FEF0];
	_ =	sdelay $0x3  }
0x1c4: {  	s4 =	sadd.s32 $0x2, s4;
	s14 =	sadd.s32 $0x10F80, s31  }
0x1c5: {  	v22 =	vmovc v0;
	v0 =	vor.u32 $0x10, v2;
	v15 =	vmov v34;
	s30 =	sand.u32 $0x7, s4;
	s12 =	sor.u32 s2, s14;
	v34 =	vmov v4;
	v4 =	vld [tilespmem:$0x1FF20]  }
0x1c6: {  	s7 =	sshll.u32 s30, $0x4;
	v10 =	vor.u32 $0x7, v3;
	[tilespmem:s12+$0x0] =	vst v5;
	v5 =	vld [tilespmem:$0x1FEA0]  }
0x1c7: {  	s7 =	sadd.s32 s3, s7  }
0x1c8: {  	s7 =	sadd.s32 $0x10, s7  }
0x1c9: {  	s7 =	sor.u32 $0x300, s7  }
0x1ca: {  	v0 =	vld.idx.msk [tilespmem:v0+s24+$0x0], $0xffff;
	[tilespmem:s7+$0x10400] =	vst v9;
	v12 =	vor.u32 $0x1A, v1  }
0x1cb: {  	s6 =	sor.u32 s28, s23;
	s22 =	sadd.s32 $0x11C80, s29;
	s23 =	rddreg [dreg:$0xa];
	v58 =	vmov v5;
	v5 =	vld.idx.msk [tilespmem:v10+s24+$0x0], $0xffff  }
0x1cc: {  	s1 =	sor.u32 s8, s22;
	v55 =	vld.idx.msk [tilespmem:v55+s24+$0x0], $0xffff;
	[tilespmem:s23+$0x10400] =	vst v8  }
0x1cd: {  	[tilespmem:s1+$0x0] =	vst v6;
	v6 =	vld.idx.msk [tilespmem:v4+s24+$0x0], $0xffff  }
0x1ce: {  	s26 =	sadd.s32 $0x11400, s31;
	v4 =	vld [tilespmem:$0x1FF30]  }
0x1cf: {  	v14 =	vmov v56;
	s7 =	sor.u32 s2, s26;
	v56 =	vld.idx.msk [tilespmem:v12+s24+$0x0], $0xffff  }
0x1d0: {  	v9 =	vor.u32 $0x11, v2;
	[tilespmem:s7+$0x0] =	vst v0;
	v0 =	vld [tilespmem:$0x1FF40]  }
0x1d1: {  	s18 =	sadd.s32 $0x2, s18;
	v23 =	vmov v28;
	v28 =	vmov v39;
	v39 =	vld [tilespmem:$0x1FF00]  }
0x1d2: {  	p0 =	slt.u32 s18, $0xE;
	v33 =	vmov v30;
	v30 =	vld [tilespmem:$0x1FEC0]  }
.Ltmp2:
0x1d3: {  	v32 =	vld [tilespmem:$0x1FED0];
	(pc) =	sbr.rel @p0 .LBB2_7-.Ltmp2, $4  }
0x1d4: {  	s20 =	sor.u32 s0, s14;
	v12 =	vld [tilespmem:$0x1FF10]  }
0x1d5: {  	s10 =	rddreg [dreg:$0xc];
	[tilespmem:s20+$0x0] =	vst v11;
	v11 =	vmov v0;
	v0 =	vld.idx.msk [tilespmem:v9+s24+$0x0], $0xffff  }
0x1d6: {  	s13 =	sadd.s32 $0x20, s13;
	v25 =	vmovc v45;
	v21 =	vmovc v38;
	v20 =	vmov v60;
	v17 =	vmov v35;
	v35 =	vmov v54;
	s30 =	rddreg [dreg:$0x8];
	s12 =	sor.u32 s28, s22;
	v4 =	vld.idx.msk [tilespmem:v4+s24+$0x0], $0xffff  }
0x1d7: {  	v47 =	vmovc v63;
	v53 =	vor.u32 $0x1B, v1;
	v46 =	vmovc v59;
	v31 =	vmov v61;
	s21 =	smov.u32 s8;
	v7 =	vor.u32 $0x8, v3;
	s1 =	sor.u32 s0, s26;
	s7 =	sor.u32 s30, s3;
	[tilespmem:s11+$0x0] =	vst v13;
	v13 =	vld [tilespmem:$0x1FF50]  }
0x1d8: {  	_ =	sdelay $0x1  }
0x1d9: {  	s3 =	sor.u32 $0x380, s7  }
0x1da: {  	[tilespmem:s3+$0x10400] =	vst v5  }
0x1db: {  	v5 =	vld.idx.msk [tilespmem:v7+s24+$0x0], $0xffff;
	_ =	sdelay $0x1  }
0x1dc: {  	[tilespmem:s16+$0x10400] =	vst v6  }
0x1dd: {  	v37 =	vor.u32 $0x9, v3;
	s7 =	sadd.s32 $0x10C00, s15;
	v38 =	vld.idx.msk [tilespmem:v52+s24+$0x0], $0xffff  }
0x1de: {  	s4 =	sor.u32 s5, s7  }
0x1df: {  	[tilespmem:s4+$0x0] =	vst v5  }
0x1e0: {  	s8 =	rddreg [dreg:$0x4]  }
0x1e1: {  	s3 =	sor.u32 s8, s7  }
0x1e2: {  	v5 =	vld.idx.msk [tilespmem:v37+s24+$0x0], $0xffff;
	[tilespmem:s3+$0x0] =	vst v38  }
0x1e3: {  	v42 =	vor.u32 $0xA, v3;
	v7 =	vld.idx.msk [tilespmem:v50+s24+$0x0], $0xffff;
	_ =	sdelay $0x1  }
0x1e4: {  	s11 =	sadd.s32 $0x10C80, s15  }
0x1e5: {  	s13 =	sor.u32 s5, s11  }
0x1e6: {  	s3 =	sor.u32 s8, s11;
	[tilespmem:s13+$0x0] =	vst v5  }
0x1e7: {  	v5 =	vld.idx.msk [tilespmem:v42+s24+$0x0], $0xffff;
	[tilespmem:s3+$0x0] =	vst v7  }
0x1e8: {  	v45 =	vor.u32 $0xB, v3;
	v7 =	vld.idx.msk [tilespmem:v49+s24+$0x0], $0xffff;
	_ =	sdelay $0x1  }
0x1e9: {  	s14 =	sadd.s32 $0x10D00, s15  }
0x1ea: {  	s16 =	sor.u32 s5, s14  }
0x1eb: {  	s3 =	sor.u32 s8, s14;
	[tilespmem:s16+$0x0] =	vst v5  }
0x1ec: {  	v5 =	vld.idx.msk [tilespmem:v45+s24+$0x0], $0xffff;
	[tilespmem:s3+$0x0] =	vst v7  }
0x1ed: {  	v7 =	vld.idx.msk [tilespmem:v48+s24+$0x0], $0xffff;
	_ =	sdelay $0x1  }
0x1ee: {  	s17 =	sadd.s32 $0x10D80, s15  }
0x1ef: {  	s18 =	sor.u32 s5, s17  }
0x1f0: {  	s3 =	sor.u32 s8, s17;
	[tilespmem:s18+$0x0] =	vst v5  }
0x1f1: {  	[tilespmem:s3+$0x0] =	vst v7  }
0x1f2: {  	v7 =	vld [tilespmem:$0x1FFA0]  }
0x1f3: {  	v49 =	vor.u32 $0xC, v3;
	_ =	sdelay $0x4  }
0x1f4: {  	v5 =	vld.idx.msk [tilespmem:v49+s24+$0x0], $0xffff  }
0x1f5: {  	v50 =	vor.u32 $0xD, v3  }
0x1f6: {  	v7 =	vld.idx.msk [tilespmem:v7+s24+$0x0], $0xffff  }
0x1f7: {  	s19 =	sadd.s32 $0x10E00, s15  }
0x1f8: {  	s20 =	sor.u32 s5, s19  }
0x1f9: {  	[tilespmem:s20+$0x0] =	vst v5  }
0x1fa: {  	s3 =	sor.u32 s8, s19;
	v5 =	vld.idx.msk [tilespmem:v50+s24+$0x0], $0xffff  }
0x1fb: {  	v52 =	vor.u32 $0xE, v3;
	[tilespmem:s3+$0x0] =	vst v7  }
0x1fc: {  	v7 =	vld.idx.msk [tilespmem:v47+s24+$0x0], $0xffff  }
0x1fd: {  	s22 =	sadd.s32 $0x10E80, s15  }
0x1fe: {  	s23 =	sor.u32 s5, s22  }
0x1ff: {  	[tilespmem:s23+$0x0] =	vst v5  }
0x200: {  	v5 =	vld.idx.msk [tilespmem:v52+s24+$0x0], $0xffff;
	s3 =	sor.u32 s8, s22  }
0x201: {  	v54 =	vor.u32 $0xF, v3;
	[tilespmem:s3+$0x0] =	vst v7  }
0x202: {  	v7 =	vld.idx.msk [tilespmem:v46+s24+$0x0], $0xffff  }
0x203: {  	s26 =	sadd.s32 $0x10F00, s15  }
0x204: {  	s30 =	sor.u32 s5, s26  }
0x205: {  	[tilespmem:s30+$0x0] =	vst v5  }
0x206: {  	v5 =	vld.idx.msk [tilespmem:v54+s24+$0x0], $0xffff;
	s3 =	sor.u32 s8, s26  }
0x207: {  	v59 =	vor.u32 $0x10, v3;
	[tilespmem:s3+$0x0] =	vst v7  }
0x208: {  	v7 =	vld.idx.msk [tilespmem:v58+s24+$0x0], $0xffff  }
0x209: {  	s7 =	sadd.s32 $0x10F80, s15  }
0x20a: {  	s11 =	sor.u32 s5, s7  }
0x20b: {  	[tilespmem:s11+$0x0] =	vst v5  }
0x20c: {  	v5 =	vld.idx.msk [tilespmem:v59+s24+$0x0], $0xffff;
	s3 =	sor.u32 s8, s7  }
0x20d: {  	v60 =	vor.u32 $0x11, v3;
	[tilespmem:s3+$0x0] =	vst v7  }
0x20e: {  	v7 =	vld.idx.msk [tilespmem:v11+s24+$0x0], $0xffff  }
0x20f: {  	s13 =	sadd.s32 $0x11400, s15  }
0x210: {  	s14 =	sor.u32 s5, s13  }
0x211: {  	[tilespmem:s14+$0x0] =	vst v5  }
0x212: {  	v8 =	vor.u32 $0x12, v2;
	s16 =	sor.u32 s8, s13;
	[tilespmem:s1+$0x0] =	vst v4;
	v61 =	vld.idx.msk [tilespmem:v60+s24+$0x0], $0xffff  }
0x213: {  	v63 =	vor.u32 $0x12, v3;
	v62 =	vld.idx.msk [tilespmem:v39+s24+$0x0], $0xffff;
	[tilespmem:s16+$0x0] =	vst v7  }
0x214: {  	s17 =	sadd.s32 $0x11480, s31;
	v7 =	vld.idx.msk [tilespmem:v51+s24+$0x0], $0xffff  }
0x215: {  	s18 =	sor.u32 s2, s17;
	s19 =	sadd.s32 $0x11480, s15  }
0x216: {  	[tilespmem:s18+$0x0] =	vst v0;
	s20 =	sor.u32 s5, s19  }
0x217: {  	v0 =	vld.idx.msk [tilespmem:v8+s24+$0x0], $0xffff;
	s3 =	sor.u32 s0, s17;
	[tilespmem:s20+$0x0] =	vst v61  }
0x218: {  	s1 =	sor.u32 s8, s19;
	[tilespmem:s3+$0x0] =	vst v62;
	v4 =	vld.idx.msk [tilespmem:v63+s24+$0x0], $0xffff  }
0x219: {  	v5 =	vld.idx.msk [tilespmem:v44+s24+$0x0], $0xffff;
	[tilespmem:s1+$0x0] =	vst v7  }
0x21a: {  	s22 =	sadd.s32 $0x11500, s31;
	v7 =	vld.idx.msk [tilespmem:v25+s24+$0x0], $0xffff  }
0x21b: {  	s23 =	sor.u32 s2, s22;
	s26 =	sadd.s32 $0x11500, s15  }
0x21c: {  	[tilespmem:s23+$0x0] =	vst v0;
	s30 =	sor.u32 s5, s26  }
0x21d: {  	s3 =	sor.u32 s0, s22;
	[tilespmem:s30+$0x0] =	vst v4  }
0x21e: {  	[tilespmem:s3+$0x0] =	vst v5;
	s1 =	sor.u32 s8, s26  }
0x21f: {  	v5 =	vld [tilespmem:$0x1FF70];
	[tilespmem:s1+$0x0] =	vst v7  }
0x220: {  	v37 =	vor.u32 $0x13, v2;
	v7 =	vld [tilespmem:$0x1FFB0]  }
0x221: {  	v38 =	vor.u32 $0x13, v3;
	_ =	sdelay $0x3  }
0x222: {  	v0 =	vld.idx.msk [tilespmem:v37+s24+$0x0], $0xffff  }
0x223: {  	v4 =	vld.idx.msk [tilespmem:v38+s24+$0x0], $0xffff  }
0x224: {  	v5 =	vld.idx.msk [tilespmem:v5+s24+$0x0], $0xffff  }
0x225: {  	s7 =	sadd.s32 $0x11580, s31;
	v7 =	vld.idx.msk [tilespmem:v7+s24+$0x0], $0xffff  }
0x226: {  	s13 =	sadd.s32 $0x11580, s15;
	s11 =	sor.u32 s2, s7  }
0x227: {  	s14 =	sor.u32 s5, s13;
	[tilespmem:s11+$0x0] =	vst v0  }
0x228: {  	s3 =	sor.u32 s0, s7;
	[tilespmem:s14+$0x0] =	vst v4  }
0x229: {  	s1 =	sor.u32 s8, s13;
	[tilespmem:s3+$0x0] =	vst v5  }
0x22a: {  	v5 =	vld [tilespmem:$0x1FF80];
	[tilespmem:s1+$0x0] =	vst v7  }
0x22b: {  	v39 =	vor.u32 $0x14, v2;
	v7 =	vld [tilespmem:$0x1FFC0]  }
0x22c: {  	v42 =	vor.u32 $0x14, v3;
	_ =	sdelay $0x3  }
0x22d: {  	v0 =	vld.idx.msk [tilespmem:v39+s24+$0x0], $0xffff  }
0x22e: {  	v4 =	vld.idx.msk [tilespmem:v42+s24+$0x0], $0xffff  }
0x22f: {  	v5 =	vld.idx.msk [tilespmem:v5+s24+$0x0], $0xffff  }
0x230: {  	s16 =	sadd.s32 $0x11600, s31;
	v7 =	vld.idx.msk [tilespmem:v7+s24+$0x0], $0xffff  }
0x231: {  	s18 =	sadd.s32 $0x11600, s15;
	s17 =	sor.u32 s2, s16  }
0x232: {  	s19 =	sor.u32 s5, s18;
	[tilespmem:s17+$0x0] =	vst v0  }
0x233: {  	s3 =	sor.u32 s0, s16;
	[tilespmem:s19+$0x0] =	vst v4  }
0x234: {  	v44 =	vor.u32 $0x15, v2;
	s1 =	sor.u32 s8, s18;
	[tilespmem:s3+$0x0] =	vst v5  }
0x235: {  	v45 =	vor.u32 $0x15, v3;
	[tilespmem:s1+$0x0] =	vst v7  }
0x236: {  	v7 =	vld [tilespmem:$0x1FFD0];
	_ =	sdelay $0x2  }
0x237: {  	v0 =	vld.idx.msk [tilespmem:v44+s24+$0x0], $0xffff  }
0x238: {  	v46 =	vor.u32 $0x16, v2;
	v4 =	vld.idx.msk [tilespmem:v45+s24+$0x0], $0xffff  }
0x239: {  	v47 =	vor.u32 $0x16, v3  }
0x23a: {  	s20 =	sadd.s32 $0x11680, s31  }
0x23b: {  	s23 =	sadd.s32 $0x11680, s15;
	s22 =	sor.u32 s2, s20;
	v5 =	vld.idx.msk [tilespmem:v43+s24+$0x0], $0xffff  }
0x23c: {  	s26 =	sor.u32 s5, s23;
	[tilespmem:s22+$0x0] =	vst v0;
	v7 =	vld.idx.msk [tilespmem:v7+s24+$0x0], $0xffff  }
0x23d: {  	[tilespmem:s26+$0x0] =	vst v4;
	v0 =	vld.idx.msk [tilespmem:v46+s24+$0x0], $0xffff  }
0x23e: {  	v48 =	vor.u32 $0x17, v2;
	v4 =	vld.idx.msk [tilespmem:v47+s24+$0x0], $0xffff  }
0x23f: {  	v49 =	vor.u32 $0x17, v3;
	s3 =	sor.u32 s0, s20  }
0x240: {  	s30 =	sadd.s32 $0x11700, s31;
	s1 =	sor.u32 s8, s23;
	[tilespmem:s3+$0x0] =	vst v5  }
0x241: {  	s7 =	sor.u32 s2, s30;
	s11 =	sadd.s32 $0x11700, s15;
	v5 =	vld.idx.msk [tilespmem:v36+s24+$0x0], $0xffff;
	[tilespmem:s1+$0x0] =	vst v7  }
0x242: {  	s13 =	sor.u32 s5, s11;
	[tilespmem:s7+$0x0] =	vst v0;
	v7 =	vld.idx.msk [tilespmem:v57+s24+$0x0], $0xffff  }
0x243: {  	[tilespmem:s13+$0x0] =	vst v4;
	v0 =	vld.idx.msk [tilespmem:v48+s24+$0x0], $0xffff  }
0x244: {  	v50 =	vor.u32 $0x18, v2;
	v51 =	vld.idx.msk [tilespmem:v49+s24+$0x0], $0xffff  }
0x245: {  	v54 =	vor.u32 $0x18, v3;
	s3 =	sor.u32 s0, s30;
	[tilespmem:s6+$0x0] =	vst v55  }
0x246: {  	s14 =	sadd.s32 $0x11780, s31;
	[tilespmem:s3+$0x0] =	vst v5;
	s1 =	sor.u32 s8, s11  }
0x247: {  	s16 =	sor.u32 s2, s14;
	s17 =	sadd.s32 $0x11780, s15;
	v52 =	vld.idx.msk [tilespmem:v35+s24+$0x0], $0xffff;
	[tilespmem:s1+$0x0] =	vst v7  }
0x248: {  	s19 =	sadd.s32 $0x11D00, s29;
	s18 =	sor.u32 s5, s17;
	[tilespmem:s16+$0x0] =	vst v0;
	v7 =	vld.idx.msk [tilespmem:v31+s24+$0x0], $0xffff  }
0x249: {  	s20 =	sor.u32 s21, s19;
	[tilespmem:s18+$0x0] =	vst v51;
	v0 =	vld.idx.msk [tilespmem:v50+s24+$0x0], $0xffff  }
0x24a: {  	v55 =	vor.u32 $0x19, v2;
	[tilespmem:s20+$0x0] =	vst v56;
	v5 =	vld.idx.msk [tilespmem:v54+s24+$0x0], $0xffff  }
0x24b: {  	[tilespmem:s10+$0x0] =	vst v40;
	v59 =	vld.idx.msk [tilespmem:v32+s24+$0x0], $0xffff;
	s3 =	sor.u32 s0, s14;
	v57 =	vor.u32 $0x19, v3  }
0x24c: {  	s22 =	sadd.s32 $0x11C00, s31;
	v9 =	vld.idx.msk [tilespmem:v53+s24+$0x0], $0xffff;
	[tilespmem:s3+$0x0] =	vst v52;
	s1 =	sor.u32 s8, s17  }
0x24d: {  	s26 =	sadd.s32 $0x11C00, s15;
	s23 =	sor.u32 s2, s22;
	v6 =	vld.idx.msk [tilespmem:v34+s24+$0x0], $0xffff;
	[tilespmem:s1+$0x0] =	vst v7  }
0x24e: {  	s30 =	sor.u32 s5, s26;
	[tilespmem:s23+$0x0] =	vst v0;
	v58 =	vld.idx.msk [tilespmem:v28+s24+$0x0], $0xffff  }
0x24f: {  	s6 =	sadd.s32 $0x11D80, s29;
	[tilespmem:s30+$0x0] =	vst v5;
	v0 =	vld.idx.msk [tilespmem:v55+s24+$0x0], $0xffff  }
0x250: {  	s7 =	sor.u32 s21, s6;
	[tilespmem:s12+$0x0] =	vst v59;
	v5 =	vld.idx.msk [tilespmem:v57+s24+$0x0], $0xffff  }
0x251: {  	[tilespmem:s7+$0x0] =	vst v9;
	s1 =	sor.u32 s0, s22  }
0x252: {  	s10 =	sadd.s32 $0x11C80, s31;
	s3 =	sor.u32 s8, s26;
	[tilespmem:s1+$0x0] =	vst v6  }
0x253: {  	v10 =	vor.u32 $0x1A, v2;
	s13 =	sadd.s32 $0x11C80, s15;
	s11 =	sor.u32 s2, s10;
	v6 =	vld.idx.msk [tilespmem:v33+s24+$0x0], $0xffff;
	[tilespmem:s3+$0x0] =	vst v58  }
0x254: {  	v60 =	vor.u32 $0x1A, v3;
	s14 =	sor.u32 s5, s13;
	[tilespmem:s11+$0x0] =	vst v0;
	v8 =	vld.idx.msk [tilespmem:v41+s24+$0x0], $0xffff  }
0x255: {  	v61 =	vld.idx.msk [tilespmem:v30+s24+$0x0], $0xffff;
	[tilespmem:s14+$0x0] =	vst v5  }
0x256: {  	v5 =	vld [tilespmem:$0x1FF60]  }
0x257: {  	s1 =	sor.u32 s0, s10  }
0x258: {  	s16 =	sor.u32 s8, s13;
	v63 =	vld.idx.msk [tilespmem:v10+s24+$0x0], $0xffff;
	[tilespmem:s1+$0x0] =	vst v6  }
0x259: {  	v28 =	vld.idx.msk [tilespmem:v60+s24+$0x0], $0xffff;
	[tilespmem:s16+$0x0] =	vst v8  }
0x25a: {  	v62 =	vor.u32 $0x1C, v1;
	v30 =	vld [tilespmem:$0x1FF90];
	[tilespmem:s25+$0x0] =	vst v61  }
0x25b: {  	v25 =	vor.u32 $0x1B, v2;
	v9 =	vld [tilespmem:$0x1FFE0]  }
0x25c: {  	v31 =	vor.u32 $0x1B, v3  }
0x25d: {  	s17 =	sadd.s32 $0x11D00, s31  }
0x25e: {  	s4 =	sor.u32 s28, s19;
	s19 =	sadd.s32 $0x11D00, s15;
	s18 =	sor.u32 s2, s17;
	v5 =	vld.idx.msk [tilespmem:v5+s24+$0x0], $0xffff  }
0x25f: {  	s20 =	sor.u32 s5, s19;
	v0 =	vld.idx.msk [tilespmem:v62+s24+$0x0], $0xffff;
	[tilespmem:s18+$0x0] =	vst v63  }
0x260: {  	[tilespmem:s20+$0x0] =	vst v28;
	v33 =	vld.idx.msk [tilespmem:v25+s24+$0x0], $0xffff  }
0x261: {  	v35 =	vor.u32 $0x1C, v2;
	v6 =	vld.idx.msk [tilespmem:v31+s24+$0x0], $0xffff  }
0x262: {  	v36 =	vor.u32 $0x1C, v3;
	s22 =	sadd.s32 $0x11E00, s29;
	v7 =	vld.idx.msk [tilespmem:v30+s24+$0x0], $0xffff  }
0x263: {  	s26 =	sadd.s32 $0x11D80, s31;
	s25 =	sor.u32 s21, s22;
	[tilespmem:s4+$0x0] =	vst v5;
	v9 =	vld.idx.msk [tilespmem:v9+s24+$0x0], $0xffff  }
0x264: {  	s7 =	sadd.s32 $0x11D80, s15;
	s30 =	sor.u32 s2, s26;
	[tilespmem:s25+$0x0] =	vst v0;
	v34 =	vld.idx.msk [tilespmem:v29+s24+$0x0], $0xffff  }
0x265: {  	s10 =	sor.u32 s5, s7;
	v59 =	vld.idx.msk [tilespmem:v18+s24+$0x0], $0xffff;
	[tilespmem:s30+$0x0] =	vst v33  }
0x266: {  	v32 =	vor.u32 $0x1D, v1;
	s1 =	sor.u32 s0, s17;
	[tilespmem:s10+$0x0] =	vst v6;
	v39 =	vld.idx.msk [tilespmem:v35+s24+$0x0], $0xffff  }
0x267: {  	v40 =	vor.u32 $0x1D, v2;
	s23 =	sor.u32 s8, s19;
	v6 =	vld.idx.msk [tilespmem:v36+s24+$0x0], $0xffff;
	[tilespmem:s1+$0x0] =	vst v7  }
0x268: {  	v42 =	vor.u32 $0x1D, v3;
	s6 =	sor.u32 s28, s6;
	[tilespmem:s23+$0x0] =	vst v9;
	v7 =	vld.idx.msk [tilespmem:v23+s24+$0x0], $0xffff  }
0x269: {  	s14 =	sadd.s32 $0x11E00, s31;
	[tilespmem:s6+$0x0] =	vst v34;
	v37 =	vld.idx.msk [tilespmem:v24+s24+$0x0], $0xffff  }
0x26a: {  	s17 =	sadd.s32 $0x11E00, s15;
	s16 =	sor.u32 s2, s14;
	[tilespmem:s9+$0x0] =	vst v59;
	v10 =	vld.idx.msk [tilespmem:v15+s24+$0x0], $0xffff  }
0x26b: {  	s18 =	sor.u32 s5, s17;
	v4 =	vld.idx.msk [tilespmem:v32+s24+$0x0], $0xffff;
	[tilespmem:s16+$0x0] =	vst v39  }
0x26c: {  	v38 =	vor.u32 $0x1E, v1;
	s1 =	sor.u32 s0, s26;
	[tilespmem:s18+$0x0] =	vst v6;
	v45 =	vld.idx.msk [tilespmem:v40+s24+$0x0], $0xffff  }
0x26d: {  	v47 =	vor.u32 $0x1E, v2;
	s12 =	sor.u32 s8, s7;
	v48 =	vld.idx.msk [tilespmem:v42+s24+$0x0], $0xffff;
	[tilespmem:s1+$0x0] =	vst v7  }
0x26e: {  	v50 =	vor.u32 $0x1E, v3;
	s11 =	sadd.s32 $0x11E80, s29;
	s4 =	sor.u32 s28, s22;
	[tilespmem:s12+$0x0] =	vst v37;
	v41 =	vld.idx.msk [tilespmem:v21+s24+$0x0], $0xffff  }
0x26f: {  	s13 =	sor.u32 s21, s11;
	s23 =	sadd.s32 $0x11E80, s31;
	[tilespmem:s4+$0x0] =	vst v10;
	v43 =	vld.idx.msk [tilespmem:v22+s24+$0x0], $0xffff  }
0x270: {  	[tilespmem:s13+$0x0] =	vst v4;
	s26 =	sadd.s32 $0x11E80, s15;
	s25 =	sor.u32 s2, s23;
	v46 =	vld.idx.msk [tilespmem:v14+s24+$0x0], $0xffff  }
0x271: {  	v5 =	vld.idx.msk [tilespmem:v38+s24+$0x0], $0xffff;
	s30 =	sor.u32 s5, s26;
	[tilespmem:s25+$0x0] =	vst v45  }
0x272: {  	v44 =	vor.u32 $0x1F, v1;
	s1 =	sor.u32 s0, s14;
	[tilespmem:s30+$0x0] =	vst v48;
	v52 =	vld.idx.msk [tilespmem:v47+s24+$0x0], $0xffff  }
0x273: {  	v54 =	vor.u32 $0x1F, v2;
	s20 =	sor.u32 s8, s17;
	v55 =	vld.idx.msk [tilespmem:v50+s24+$0x0], $0xffff;
	[tilespmem:s1+$0x0] =	vst v41  }
0x274: {  	s19 =	sadd.s32 $0x11F00, s29;
	v57 =	vor.u32 $0x1F, v3;
	s6 =	sor.u32 s28, s11;
	[tilespmem:s20+$0x0] =	vst v43;
	v49 =	vld.idx.msk [tilespmem:v19+s24+$0x0], $0xffff  }
0x275: {  	s22 =	sor.u32 s21, s19;
	s11 =	sadd.s32 $0x11F00, s31;
	[tilespmem:s6+$0x0] =	vst v46;
	v51 =	vld.idx.msk [tilespmem:v20+s24+$0x0], $0xffff  }
0x276: {  	s13 =	sadd.s32 $0x11F00, s15;
	[tilespmem:s22+$0x0] =	vst v5;
	s12 =	sor.u32 s2, s11;
	v53 =	vld.idx.msk [tilespmem:v12+s24+$0x0], $0xffff  }
0x277: {  	v1 =	vld.idx.msk [tilespmem:v44+s24+$0x0], $0xffff;
	s14 =	sor.u32 s5, s13;
	[tilespmem:s12+$0x0] =	vst v52  }
0x278: {  	s1 =	sor.u32 s0, s23;
	[tilespmem:s14+$0x0] =	vst v55;
	v60 =	vld.idx.msk [tilespmem:v54+s24+$0x0], $0xffff  }
0x279: {  	s3 =	sor.u32 s8, s26;
	v3 =	vld.idx.msk [tilespmem:v57+s24+$0x0], $0xffff;
	[tilespmem:s1+$0x0] =	vst v49  }
0x27a: {  	s7 =	sadd.s32 $0x11F80, s29;
	s4 =	sor.u32 s28, s19;
	[tilespmem:s3+$0x0] =	vst v51;
	v56 =	vld.idx.msk [tilespmem:v13+s24+$0x0], $0xffff  }
0x27b: {  	s17 =	sadd.s32 $0x11F80, s31;
	s10 =	sor.u32 s21, s7;
	[tilespmem:s4+$0x0] =	vst v53;
	v58 =	vld.idx.msk [tilespmem:v27+s24+$0x0], $0xffff  }
0x27c: {  	s18 =	sor.u32 s2, s17;
	[tilespmem:s10+$0x0] =	vst v1;
	s19 =	sadd.s32 $0x11F80, s15;
	v61 =	vld.idx.msk [tilespmem:v26+s24+$0x0], $0xffff  }
0x27d: {  	s20 =	sor.u32 s5, s19;
	[tilespmem:s18+$0x0] =	vst v60  }
0x27e: {  	[tilespmem:s20+$0x0] =	vst v3;
	s3 =	sor.u32 s0, s11  }
0x27f: {  	s16 =	sor.u32 s8, s13;
	[tilespmem:s3+$0x0] =	vst v56  }
0x280: {  	s1 =	sor.u32 s28, s7;
	[tilespmem:s16+$0x0] =	vst v58;
	v62 =	vld.idx.msk [tilespmem:v17+s24+$0x0], $0xffff  }
0x281: {  	s26 =	rddreg [dreg:$0x2];
	[tilespmem:s1+$0x0] =	vst v61;
	v63 =	vld.idx.msk [tilespmem:v16+s24+$0x0], $0xffff  }
0x282: {  	s4 =	rddreg [dreg:$0x17]  }
0x283: {  	s29 =	simm.s32 $0x20000;
	s21 =	sor.u32 s0, s17;
	s23 =	rddreg [dreg:$0x18]  }
0x284: {  	s30 =	simm.s32 $0x10400;
	s22 =	sshll.u32 s4, $0xA;
	s3 =	sand.u32 $0x3E00, s23  }
0x285: {  	s2 =	sor.u32 s8, s19;
	s25 =	sand.u32 $0xFFF0000, s22;
	s1 =	sadd.s32 s26, s3;
	[tilespmem:s21+$0x0] =	vst v62  }
0x286: {  	s28 =	simm.s32 $0x800;
	s3 =	simm.s32 $0x3;
	s0 =	sadd.s32 s25, s1;
	[tilespmem:s2+$0x0] =	vst v63  }
0x287: {  	[hbm4b:s0+s28] =	stream.strided.scatter [tilespmem:s30], [sflag:$0x3], $0x2000, s29, s28, $0x38;
	[tilespmem:$0x12400] =	vst v63  }
0x288: {  	_ =	swait.ge [sflag:s3], $0x2000  }
0x289: {  	s31 =	rddreg [dreg:$0x14]  }
0x28a: {  	p0 =	seq.s32 s31, $0x31  }
.Ltmp3:
0x28b: {  	_ = 	snop;
	(pc) =	sbr.rel @p0 .LBB2_12-.Ltmp3, $3  }
0x28c: {  	_ =	sdelay $0x1  }
0x28d: {  	[sflag:s3] =	ssyncset.done $0x0  }
0x28e: {  	s15 =	simm.s32 $0x8400;
	[sflag:s3] =	ssyncadd.s32 $0xFFFFE000  }
0x28f: {  	s0 =	sadd.s32 $0x2, s4  }
0x290: {  	s1 =	sshll.u32 s0, $0x8;
	s2 =	sshll.u32 s0, $0xB  }
0x291: {  	s0 =	sshll.u32 s0, $0x1;
	s1 =	sand.u32 $0xFFFE0000, s1;
	s2 =	sand.u32 $0x1F000, s2  }
0x292: {  	s0 =	sand.u32 $0x380, s0;
	s1 =	sor.u32 s2, s1  }
0x293: {  	s0 =	sor.u32 s0, s1  }
0x294: {  	s29 =	rddreg [dreg:$0x0];
	s0 =	sshrl.u32 s0, $0x3  }
0x295: {  	s30 =	simm.s32 $0x0;
	s31 =	simm.s32 $0x80;
	s0 =	sadd.s32 s29, s0  }
0x296: {  	[tilespmem:s30], [sflag:$0x3] =	stream.strided.gather [hbm4b:s0+s31], $0x100, s24, s31, $0x38;
	[tilespmem:$0x12400] =	vst v63  }
0x297: {  	_ =	swait.ge [sflag:s3], $0x100  }
0x298: {  	[sflag:s3] =	ssyncset.done $0x0  }
0x299: {  	s0 =	simm.s32 $0x0;
	[sflag:s3] =	ssyncadd.s32 $0xFFFFFF00  }
0x29a: {  	s1 =	simm.s32 $0x40;
	v0 =	vld [tilespmem:s0+$0x0]  }
.LBB2_10:
0x29b: {  	p0 =	sne.s32 s1, $0x3C0  }
.Ltmp4:
0x29c: {  	_ = 	snop;
	(pc) =	sbr.rel @p0 .LBB2_10-.Ltmp4, $3  }
0x29d: {  	_ =	sdelay $0x1  }
0x29e: {  	s2 =	sshra.s32 s1, $0x2;
	s1 =	sadd.s32 $0x40, s1;
	v1 =	vshrl.u32 v0, $0x2  }
0x29f: {  	v0 =	vld [tilespmem:s2+$0x0];
	[tilespmem:s0+$0x200] =	vst v1;
	s0 =	smov.u32 s2  }
0x2a0: {  	_ =	sdelay $0x3  }
0x2a1: {  	v0 =	vshrl.u32 v0, $0x2  }
0x2a2: {  	[tilespmem:s0+$0x200] =	vst v0  }
0x2a3: {  	s1 =	simm.s32 $0x100;
	s2 =	simm.s32 $0x200;
	s0 =	rddreg [dreg:$0x10]  }
0x2a4: {  	[tilespmem:s24], [sflag:$0x1] =	stream.indirect.gather [hbm4b:s0+s1], $0x80, s2, s1, $0xb8;
	[tilespmem:$0x12400] =	vst v63  }
.LBB2_12:
0x2a5: {  	s0 =	simm.s32 $0x2  }
0x2a6: {  	_ =	swait.ge [sflag:s0], $0x8000  }
0x2a7: {  	[sflag:s0] =	ssyncset.done $0x0  }
0x2a8: {  	s22 =	simm.s32 $0x110;
	[sflag:s0] =	ssyncadd.s32 $0xFFFF8000  }
0x2a9: {  	v0 =	vld [tilespmem:s22+$0x0]  }
0x2aa: {  	v24 =	vld [tilespmem:$0x1FFF0];
	_ =	sdelay $0x1  }
0x2ab: {  	s2 =	simm.s32 $0x10  }
0x2ac: {  	v1 =	vmov s2  }
0x2ad: {  	v1 =	vshll.u32 v1, $0x7;
	v0 =	vshll.u32 v0, $0x5  }
0x2ae: {  	v1 =	vor.u32 v24, v1;
	v0 =	vand.u32 $0x60, v0  }
0x2af: {  	v3 =	vor.u32 v1, v0;
	_ =	sdelay $0x2  }
0x2b0: {  	v0 =	vld [tilespmem:s22+$0xFFFFFFF0];
	_ =	sdelay $0x1  }
0x2b1: {  	v1 =	vld.idx.msk [tilespmem:v3+s15+$0x0], $0xffff  }
0x2b2: {  	s1 =	simm.s32 $0x0;
	v2 =	vor.u32 $0x1, v3  }
0x2b3: {  	v4 =	vmov s1;
	s7 =	sand.u32 $0x400, s1  }
0x2b4: {  	v4 =	vshll.u32 v4, $0x7;
	s3 =	sadd.s32 $0x10400, s7;
	s0 =	sand.u32 $0x70, s2;
	v0 =	vshll.u32 v0, $0x5  }
0x2b5: {  	s4 =	sor.u32 s0, s3;
	v4 =	vor.u32 v24, v4;
	v0 =	vand.u32 $0x60, v0  }
0x2b6: {  	v4 =	vor.u32 v4, v0;
	[tilespmem:s4+$0x0] =	vst v1  }
0x2b7: {  	v0 =	vld.idx.msk [tilespmem:v2+s15+$0x0], $0xffff  }
0x2b8: {  	v1 =	vor.u32 $0x2, v3;
	_ =	sdelay $0x2  }
0x2b9: {  	v2 =	vld.idx.msk [tilespmem:v4+s15+$0x0], $0xffff  }
0x2ba: {  	v5 =	vor.u32 $0x1, v4;
	[tilespmem:s4+$0x80] =	vst v0  }
0x2bb: {  	v0 =	vld.idx.msk [tilespmem:v1+s15+$0x0], $0xffff  }
0x2bc: {  	s5 =	sand.u32 $0x60, s1;
	v1 =	vor.u32 $0x3, v3  }
0x2bd: {  	s3 =	sor.u32 s5, s3  }
0x2be: {  	[tilespmem:s3+$0x0] =	vst v2  }
0x2bf: {  	v2 =	vld.idx.msk [tilespmem:v5+s15+$0x0], $0xffff  }
0x2c0: {  	v5 =	vor.u32 $0x2, v4;
	[tilespmem:s4+$0x100] =	vst v0  }
0x2c1: {  	v0 =	vld.idx.msk [tilespmem:v1+s15+$0x0], $0xffff  }
0x2c2: {  	v1 =	vor.u32 $0x4, v3;
	_ =	sdelay $0x1  }
0x2c3: {  	[tilespmem:s3+$0x80] =	vst v2  }
0x2c4: {  	v2 =	vld.idx.msk [tilespmem:v5+s15+$0x0], $0xffff  }
0x2c5: {  	v5 =	vor.u32 $0x3, v4;
	[tilespmem:s4+$0x180] =	vst v0  }
0x2c6: {  	v0 =	vld.idx.msk [tilespmem:v1+s15+$0x0], $0xffff  }
0x2c7: {  	v1 =	vor.u32 $0x5, v3;
	_ =	sdelay $0x1  }
0x2c8: {  	[tilespmem:s3+$0x100] =	vst v2  }
0x2c9: {  	v2 =	vld.idx.msk [tilespmem:v5+s15+$0x0], $0xffff  }
0x2ca: {  	v5 =	vor.u32 $0x4, v4;
	[tilespmem:s4+$0x200] =	vst v0  }
0x2cb: {  	v0 =	vld.idx.msk [tilespmem:v1+s15+$0x0], $0xffff  }
0x2cc: {  	v1 =	vor.u32 $0x6, v3;
	_ =	sdelay $0x1  }
0x2cd: {  	[tilespmem:s3+$0x180] =	vst v2  }
0x2ce: {  	v2 =	vld.idx.msk [tilespmem:v5+s15+$0x0], $0xffff  }
0x2cf: {  	v5 =	vor.u32 $0x5, v4;
	[tilespmem:s4+$0x280] =	vst v0  }
0x2d0: {  	s23 =	sand.u32 $0x7, s1;
	v0 =	vld.idx.msk [tilespmem:v1+s15+$0x0], $0xffff  }
0x2d1: {  	s4 =	sshll.u32 s23, $0x4;
	v1 =	vor.u32 $0x7, v3  }
0x2d2: {  	s4 =	sadd.s32 $0x0, s4  }
0x2d3: {  	[tilespmem:s3+$0x200] =	vst v2;
	s4 =	sadd.s32 $0x10, s4  }
0x2d4: {  	v2 =	vld.idx.msk [tilespmem:v5+s15+$0x0], $0xffff;
	s4 =	sor.u32 $0x300, s4  }
0x2d5: {  	v5 =	vor.u32 $0x6, v4;
	[tilespmem:s4+$0x10400] =	vst v0  }
0x2d6: {  	v0 =	vld.idx.msk [tilespmem:v1+s15+$0x0], $0xffff  }
0x2d7: {  	v1 =	vor.u32 $0x8, v3  }
0x2d8: {  	s24 =	simm.s32 $0x130  }
0x2d9: {  	s2 =	sor.u32 s2, s1;
	[tilespmem:s3+$0x280] =	vst v2;
	v2 =	vld [tilespmem:s24+$0x0]  }
0x2da: {  	s2 =	sor.u32 $0x380, s2;
	v5 =	vld.idx.msk [tilespmem:v5+s15+$0x0], $0xffff  }
0x2db: {  	s25 =	sand.u32 $0x3, s1;
	v6 =	vor.u32 $0x7, v4;
	[tilespmem:s2+$0x10400] =	vst v0  }
0x2dc: {  	s3 =	sshll.u32 s25, $0x5;
	s2 =	simm.s32 $0x30;
	v0 =	vld.idx.msk [tilespmem:v1+s15+$0x0], $0xffff  }
0x2dd: {  	v7 =	vor.u32 $0x9, v3;
	s3 =	sadd.s32 $0x0, s3;
	v1 =	vmov s2  }
0x2de: {  	v8 =	vld [tilespmem:s24+$0xFFFFFFF0];
	s3 =	sor.u32 $0x300, s3;
	v2 =	vshll.u32 v2, $0x5;
	v1 =	vshll.u32 v1, $0x7  }
0x2df: {  	s26 =	sadd.s32 $0x10C00, s7;
	[tilespmem:s3+$0x10400] =	vst v5;
	v2 =	vand.u32 $0x60, v2;
	v1 =	vor.u32 v24, v1  }
0x2e0: {  	s6 =	sor.u32 s0, s26;
	v5 =	vld.idx.msk [tilespmem:v6+s15+$0x0], $0xffff;
	v6 =	vor.u32 v1, v2  }
0x2e1: {  	s4 =	simm.s32 $0x20;
	v1 =	vor.u32 $0x8, v4;
	[tilespmem:s6+$0x0] =	vst v0  }
0x2e2: {  	v0 =	vmov s4;
	v2 =	vld.idx.msk [tilespmem:v7+s15+$0x0], $0xffff  }
0x2e3: {  	s1 =	sor.u32 s1, s1;
	v0 =	vshll.u32 v0, $0x7;
	v7 =	vshll.u32 v8, $0x5;
	v8 =	vor.u32 $0xA, v3  }
0x2e4: {  	s1 =	sor.u32 $0x380, s1;
	v7 =	vand.u32 $0x60, v7;
	v0 =	vor.u32 v24, v0  }
0x2e5: {  	s9 =	sadd.s32 $0x10C80, s7;
	[tilespmem:s1+$0x10400] =	vst v5;
	v5 =	vor.u32 v0, v7;
	v0 =	vld.idx.msk [tilespmem:v6+s15+$0x0], $0xffff  }
0x2e6: {  	s8 =	sor.u32 s0, s9;
	s6 =	simm.s32 $0x100;
	v1 =	vld.idx.msk [tilespmem:v1+s15+$0x0], $0xffff;
	v7 =	vor.u32 $0x1, v6  }
0x2e7: {  	v9 =	vor.u32 $0x9, v4;
	s1 =	sand.u32 $0x400, s6;
	[tilespmem:s8+$0x0] =	vst v2  }
0x2e8: {  	s14 =	sand.u32 $0x70, s2;
	s11 =	sadd.s32 $0x10400, s1;
	v2 =	vld.idx.msk [tilespmem:v8+s15+$0x0], $0xffff  }
0x2e9: {  	s28 =	sor.u32 s14, s11;
	v8 =	vor.u32 $0xB, v3  }
0x2ea: {  	s3 =	sor.u32 s5, s26;
	v10 =	vld.idx.msk [tilespmem:v5+s15+$0x0], $0xffff;
	[tilespmem:s28+$0x0] =	vst v0  }
0x2eb: {  	s12 =	sadd.s32 $0x10D00, s7;
	v0 =	vor.u32 $0x1, v5;
	[tilespmem:s3+$0x0] =	vst v1;
	v1 =	vld.idx.msk [tilespmem:v7+s15+$0x0], $0xffff  }
0x2ec: {  	s10 =	sor.u32 s0, s12;
	v7 =	vld.idx.msk [tilespmem:v9+s15+$0x0], $0xffff;
	v9 =	vor.u32 $0x2, v6  }
0x2ed: {  	v11 =	vor.u32 $0xA, v4;
	s13 =	sand.u32 $0x60, s4;
	[tilespmem:s10+$0x0] =	vst v2  }
0x2ee: {  	s16 =	sor.u32 s13, s11;
	v2 =	vld.idx.msk [tilespmem:v8+s15+$0x0], $0xffff  }
0x2ef: {  	[tilespmem:s16+$0x0] =	vst v10;
	v8 =	vor.u32 $0xC, v3  }
0x2f0: {  	s9 =	sor.u32 s5, s9;
	v0 =	vld.idx.msk [tilespmem:v0+s15+$0x0], $0xffff;
	[tilespmem:s28+$0x80] =	vst v1  }
0x2f1: {  	s17 =	sadd.s32 $0x10D80, s7;
	v1 =	vor.u32 $0x2, v5;
	[tilespmem:s9+$0x0] =	vst v7;
	v7 =	vld.idx.msk [tilespmem:v9+s15+$0x0], $0xffff  }
0x2f2: {  	s18 =	sor.u32 s0, s17;
	v10 =	vor.u32 $0x3, v6;
	v9 =	vld.idx.msk [tilespmem:v11+s15+$0x0], $0xffff  }
0x2f3: {  	v11 =	vor.u32 $0xB, v4;
	[tilespmem:s18+$0x0] =	vst v2  }
0x2f4: {  	v2 =	vld.idx.msk [tilespmem:v8+s15+$0x0], $0xffff  }
0x2f5: {  	[tilespmem:s16+$0x80] =	vst v0;
	v0 =	vor.u32 $0xD, v3  }
0x2f6: {  	s19 =	sor.u32 s5, s12;
	v1 =	vld.idx.msk [tilespmem:v1+s15+$0x0], $0xffff;
	[tilespmem:s28+$0x100] =	vst v7  }
0x2f7: {  	s20 =	sadd.s32 $0x10E00, s7;
	v7 =	vor.u32 $0x3, v5;
	[tilespmem:s19+$0x0] =	vst v9;
	v8 =	vld.idx.msk [tilespmem:v10+s15+$0x0], $0xffff  }
0x2f8: {  	s21 =	sor.u32 s0, s20;
	v9 =	vld.idx.msk [tilespmem:v11+s15+$0x0], $0xffff;
	v10 =	vor.u32 $0x4, v6  }
0x2f9: {  	v11 =	vor.u32 $0xC, v4;
	[tilespmem:s21+$0x0] =	vst v2  }
0x2fa: {  	v0 =	vld.idx.msk [tilespmem:v0+s15+$0x0], $0xffff  }
0x2fb: {  	[tilespmem:s16+$0x100] =	vst v1;
	v1 =	vor.u32 $0xE, v3  }
0x2fc: {  	s9 =	sor.u32 s5, s17;
	v2 =	vld.idx.msk [tilespmem:v7+s15+$0x0], $0xffff;
	[tilespmem:s28+$0x180] =	vst v8  }
0x2fd: {  	s22 =	sadd.s32 $0x10E80, s7;
	v7 =	vor.u32 $0x4, v5;
	[tilespmem:s9+$0x0] =	vst v9;
	v8 =	vld.idx.msk [tilespmem:v10+s15+$0x0], $0xffff  }
0x2fe: {  	s23 =	sor.u32 s0, s22;
	v9 =	vld.idx.msk [tilespmem:v11+s15+$0x0], $0xffff;
	v10 =	vor.u32 $0x5, v6  }
0x2ff: {  	v11 =	vor.u32 $0xD, v4;
	[tilespmem:s23+$0x0] =	vst v0  }
0x300: {  	v0 =	vld.idx.msk [tilespmem:v1+s15+$0x0], $0xffff  }
0x301: {  	[tilespmem:s16+$0x180] =	vst v2;
	v1 =	vor.u32 $0xF, v3  }
0x302: {  	s11 =	sor.u32 s5, s20;
	v2 =	vld.idx.msk [tilespmem:v7+s15+$0x0], $0xffff;
	[tilespmem:s28+$0x200] =	vst v8  }
0x303: {  	s24 =	sadd.s32 $0x10F00, s7;
	v7 =	vor.u32 $0x5, v5;
	[tilespmem:s11+$0x0] =	vst v9;
	v8 =	vld.idx.msk [tilespmem:v10+s15+$0x0], $0xffff  }
0x304: {  	s25 =	sor.u32 s0, s24;
	v9 =	vld.idx.msk [tilespmem:v11+s15+$0x0], $0xffff;
	v10 =	vor.u32 $0x6, v6  }
0x305: {  	v11 =	vor.u32 $0xE, v4;
	[tilespmem:s25+$0x0] =	vst v0  }
0x306: {  	v0 =	vld.idx.msk [tilespmem:v1+s15+$0x0], $0xffff  }
0x307: {  	[tilespmem:s16+$0x200] =	vst v2;
	v1 =	vor.u32 $0x10, v3  }
0x308: {  	s26 =	simm.s32 $0x2;
	s9 =	sor.u32 s5, s22;
	v2 =	vld.idx.msk [tilespmem:v7+s15+$0x0], $0xffff;
	[tilespmem:s28+$0x280] =	vst v8  }
0x309: {  	s8 =	sand.u32 $0x7, s26;
	v7 =	vor.u32 $0x6, v5;
	[tilespmem:s9+$0x0] =	vst v9;
	s28 =	sadd.s32 $0x10F80, s7;
	v8 =	vld.idx.msk [tilespmem:v10+s15+$0x0], $0xffff  }
0x30a: {  	s8 =	sshll.u32 s8, $0x4;
	v9 =	vld.idx.msk [tilespmem:v11+s15+$0x0], $0xffff;
	v10 =	vor.u32 $0x7, v6;
	s10 =	sor.u32 s0, s28  }
0x30b: {  	s8 =	sadd.s32 $0x100, s8;
	v11 =	vor.u32 $0xF, v4;
	[tilespmem:s10+$0x0] =	vst v0  }
0x30c: {  	s8 =	sadd.s32 $0x10, s8;
	v0 =	vld.idx.msk [tilespmem:v1+s15+$0x0], $0xffff  }
0x30d: {  	[tilespmem:s16+$0x280] =	vst v2;
	s16 =	sor.u32 $0x300, s8;
	v1 =	vor.u32 $0x11, v3  }
0x30e: {  	s17 =	simm.s32 $0x1;
	s11 =	sor.u32 s5, s24;
	v2 =	vld.idx.msk [tilespmem:v7+s15+$0x0], $0xffff;
	[tilespmem:s16+$0x10400] =	vst v8  }
0x30f: {  	s18 =	sand.u32 $0x3, s17;
	s19 =	sadd.s32 $0x11400, s7;
	v7 =	vor.u32 $0x7, v5;
	[tilespmem:s11+$0x0] =	vst v9;
	v8 =	vld.idx.msk [tilespmem:v10+s15+$0x0], $0xffff  }
0x310: {  	s3 =	sshll.u32 s18, $0x5;
	s20 =	sor.u32 s0, s19;
	s21 =	simm.s32 $0x150;
	v9 =	vld.idx.msk [tilespmem:v11+s15+$0x0], $0xffff;
	v10 =	vor.u32 $0x8, v6  }
0x311: {  	s3 =	sadd.s32 $0x100, s3;
	v11 =	vor.u32 $0x10, v4;
	[tilespmem:s20+$0x0] =	vst v0;
	v0 =	vld [tilespmem:s21+$0x0]  }
0x312: {  	s2 =	sor.u32 s2, s6;
	s3 =	sor.u32 $0x300, s3;
	v1 =	vld.idx.msk [tilespmem:v1+s15+$0x0], $0xffff  }
0x313: {  	v12 =	vor.u32 $0x12, v3;
	s2 =	sor.u32 $0x380, s2;
	[tilespmem:s3+$0x10400] =	vst v2;
	v2 =	vld [tilespmem:s21+$0xFFFFFFF0]  }
0x314: {  	s22 =	sor.u32 s5, s28;
	v7 =	vld.idx.msk [tilespmem:v7+s15+$0x0], $0xffff;
	[tilespmem:s2+$0x10400] =	vst v8;
	s2 =	simm.s32 $0x50  }
0x315: {  	v14 =	vor.u32 $0x9, v6;
	v13 =	vor.u32 $0x8, v5;
	s23 =	sadd.s32 $0x11480, s7;
	[tilespmem:s22+$0x0] =	vst v9;
	v9 =	vld.idx.msk [tilespmem:v10+s15+$0x0], $0xffff;
	v10 =	vmov s2  }
0x316: {  	s24 =	sor.u32 s0, s23;
	s3 =	simm.s32 $0x40;
	v8 =	vor.u32 $0x11, v4;
	v11 =	vld.idx.msk [tilespmem:v11+s15+$0x0], $0xffff;
	v10 =	vshll.u32 v10, $0x7;
	v0 =	vshll.u32 v0, $0x5  }
0x317: {  	s4 =	sor.u32 s4, s6;
	v15 =	vmov s3;
	[tilespmem:s24+$0x0] =	vst v1;
	v0 =	vand.u32 $0x60, v0;
	v1 =	vor.u32 v24, v10  }
0x318: {  	s4 =	sor.u32 $0x380, s4;
	s25 =	sadd.s32 $0x10C00, s1;
	v10 =	vshll.u32 v15, $0x7;
	v2 =	vshll.u32 v2, $0x5;
	v12 =	vld.idx.msk [tilespmem:v12+s15+$0x0], $0xffff;
	v1 =	vor.u32 v1, v0  }
0x319: {  	s26 =	sor.u32 s14, s25;
	[tilespmem:s4+$0x10400] =	vst v7;
	v0 =	vand.u32 $0x60, v2;
	v2 =	vor.u32 v24, v10;
	v10 =	vor.u32 $0x13, v3  }
0x31a: {  	s8 =	sor.u32 s5, s19;
	v13 =	vld.idx.msk [tilespmem:v13+s15+$0x0], $0xffff;
	v7 =	vor.u32 v2, v0;
	[tilespmem:s26+$0x0] =	vst v9  }
0x31b: {  	s28 =	sadd.s32 $0x11500, s7;
	v0 =	vor.u32 $0x9, v5;
	[tilespmem:s8+$0x0] =	vst v11;
	v2 =	vld.idx.msk [tilespmem:v14+s15+$0x0], $0xffff  }
0x31c: {  	s17 =	sor.u32 s0, s28;
	v9 =	vor.u32 $0xA, v6;
	v8 =	vld.idx.msk [tilespmem:v8+s15+$0x0], $0xffff  }
0x31d: {  	v11 =	vor.u32 $0x12, v4;
	v14 =	vld.idx.msk [tilespmem:v1+s15+$0x0], $0xffff;
	[tilespmem:s17+$0x0] =	vst v12  }
0x31e: {  	s18 =	sadd.s32 $0x10C80, s1;
	s6 =	sor.u32 s13, s25;
	s4 =	simm.s32 $0x200;
	v12 =	vor.u32 $0x1, v1;
	v10 =	vld.idx.msk [tilespmem:v10+s15+$0x0], $0xffff  }
0x31f: {  	s19 =	sor.u32 s14, s18;
	v15 =	vor.u32 $0x14, v3;
	s10 =	sand.u32 $0x400, s4;
	[tilespmem:s6+$0x0] =	vst v13;
	v13 =	vld.idx.msk [tilespmem:v7+s15+$0x0], $0xffff  }
0x320: {  	s20 =	sor.u32 s5, s23;
	s31 =	sand.u32 $0x70, s2;
	v16 =	vor.u32 $0x1, v7;
	s21 =	sadd.s32 $0x10400, s10;
	v0 =	vld.idx.msk [tilespmem:v0+s15+$0x0], $0xffff;
	[tilespmem:s19+$0x0] =	vst v2  }
0x321: {  	s22 =	sadd.s32 $0x11580, s7;
	s8 =	sor.u32 s31, s21;
	v2 =	vor.u32 $0xA, v5;
	[tilespmem:s20+$0x0] =	vst v8;
	v8 =	vld.idx.msk [tilespmem:v9+s15+$0x0], $0xffff  }
0x322: {  	s25 =	sand.u32 $0x60, s3;
	s16 =	sor.u32 s0, s22;
	v9 =	vld.idx.msk [tilespmem:v11+s15+$0x0], $0xffff;
	v11 =	vor.u32 $0xB, v6;
	[tilespmem:s8+$0x0] =	vst v14  }
0x323: {  	s6 =	sor.u32 s25, s21;
	v14 =	vor.u32 $0x13, v4;
	v12 =	vld.idx.msk [tilespmem:v12+s15+$0x0], $0xffff;
	[tilespmem:s16+$0x0] =	vst v10  }
0x324: {  	s12 =	sor.u32 s13, s18;
	s23 =	sadd.s32 $0x10D00, s1;
	[tilespmem:s6+$0x0] =	vst v13;
	v13 =	vor.u32 $0x2, v1;
	v10 =	vld.idx.msk [tilespmem:v15+s15+$0x0], $0xffff  }
0x325: {  	s24 =	sor.u32 s14, s23;
	v15 =	vld.idx.msk [tilespmem:v16+s15+$0x0], $0xffff;
	[tilespmem:s12+$0x0] =	vst v0;
	v0 =	vor.u32 $0x15, v3  }
0x326: {  	s11 =	sor.u32 s5, s28;
	v16 =	vor.u32 $0x2, v7;
	v2 =	vld.idx.msk [tilespmem:v2+s15+$0x0], $0xffff;
	[tilespmem:s24+$0x0] =	vst v8  }
0x327: {  	s26 =	sadd.s32 $0x11600, s7;
	v8 =	vor.u32 $0xB, v5;
	[tilespmem:s11+$0x0] =	vst v9;
	v11 =	vld.idx.msk [tilespmem:v11+s15+$0x0], $0xffff  }
0x328: {  	s28 =	sor.u32 s0, s26;
	v9 =	vor.u32 $0xC, v6;
	[tilespmem:s8+$0x80] =	vst v12;
	v12 =	vld.idx.msk [tilespmem:v14+s15+$0x0], $0xffff  }
0x329: {  	v14 =	vor.u32 $0x14, v4;
	v13 =	vld.idx.msk [tilespmem:v13+s15+$0x0], $0xffff;
	[tilespmem:s28+$0x0] =	vst v10  }
0x32a: {  	s18 =	sadd.s32 $0x10D80, s1;
	s17 =	sor.u32 s13, s23;
	[tilespmem:s6+$0x80] =	vst v15;
	v10 =	vor.u32 $0x3, v1;
	v0 =	vld.idx.msk [tilespmem:v0+s15+$0x0], $0xffff  }
0x32b: {  	s19 =	sor.u32 s14, s18;
	v15 =	vld.idx.msk [tilespmem:v16+s15+$0x0], $0xffff;
	[tilespmem:s17+$0x0] =	vst v2;
	v2 =	vor.u32 $0x16, v3  }
0x32c: {  	s9 =	sor.u32 s5, s22;
	v16 =	vor.u32 $0x3, v7;
	v8 =	vld.idx.msk [tilespmem:v8+s15+$0x0], $0xffff;
	[tilespmem:s19+$0x0] =	vst v11  }
0x32d: {  	s20 =	sadd.s32 $0x11680, s7;
	v11 =	vor.u32 $0xC, v5;
	v9 =	vld.idx.msk [tilespmem:v9+s15+$0x0], $0xffff;
	[tilespmem:s9+$0x0] =	vst v12  }
0x32e: {  	s21 =	sor.u32 s0, s20;
	v12 =	vor.u32 $0xD, v6;
	[tilespmem:s8+$0x100] =	vst v13;
	v13 =	vld.idx.msk [tilespmem:v14+s15+$0x0], $0xffff  }
0x32f: {  	v14 =	vor.u32 $0x15, v4;
	v10 =	vld.idx.msk [tilespmem:v10+s15+$0x0], $0xffff;
	[tilespmem:s21+$0x0] =	vst v0  }
0x330: {  	s22 =	sor.u32 s13, s18;
	s23 =	sadd.s32 $0x10E00, s1;
	[tilespmem:s6+$0x100] =	vst v15;
	v0 =	vld.idx.msk [tilespmem:v2+s15+$0x0], $0xffff;
	v2 =	vor.u32 $0x4, v1  }
0x331: {  	s24 =	sor.u32 s14, s23;
	v15 =	vld.idx.msk [tilespmem:v16+s15+$0x0], $0xffff;
	[tilespmem:s22+$0x0] =	vst v8;
	v8 =	vor.u32 $0x17, v3  }
0x332: {  	s11 =	sor.u32 s5, s26;
	v16 =	vor.u32 $0x4, v7;
	v11 =	vld.idx.msk [tilespmem:v11+s15+$0x0], $0xffff;
	[tilespmem:s24+$0x0] =	vst v9  }
0x333: {  	s26 =	sadd.s32 $0x11700, s7;
	v9 =	vor.u32 $0xD, v5;
	v12 =	vld.idx.msk [tilespmem:v12+s15+$0x0], $0xffff;
	[tilespmem:s11+$0x0] =	vst v13  }
0x334: {  	s28 =	sor.u32 s0, s26;
	[tilespmem:s8+$0x180] =	vst v10;
	v10 =	vor.u32 $0xE, v6;
	v13 =	vld.idx.msk [tilespmem:v14+s15+$0x0], $0xffff  }
0x335: {  	v14 =	vor.u32 $0x16, v4;
	v2 =	vld.idx.msk [tilespmem:v2+s15+$0x0], $0xffff;
	[tilespmem:s28+$0x0] =	vst v0  }
0x336: {  	s18 =	sadd.s32 $0x10E80, s1;
	s17 =	sor.u32 s13, s23;
	[tilespmem:s6+$0x180] =	vst v15;
	v0 =	vld.idx.msk [tilespmem:v8+s15+$0x0], $0xffff;
	v8 =	vor.u32 $0x5, v1  }
0x337: {  	s19 =	sor.u32 s14, s18;
	v15 =	vld.idx.msk [tilespmem:v16+s15+$0x0], $0xffff;
	[tilespmem:s17+$0x0] =	vst v11;
	v11 =	vor.u32 $0x18, v3  }
0x338: {  	s9 =	sor.u32 s5, s20;
	v16 =	vor.u32 $0x5, v7;
	v9 =	vld.idx.msk [tilespmem:v9+s15+$0x0], $0xffff;
	[tilespmem:s19+$0x0] =	vst v12  }
0x339: {  	s20 =	sadd.s32 $0x11780, s7;
	v12 =	vor.u32 $0xE, v5;
	v10 =	vld.idx.msk [tilespmem:v10+s15+$0x0], $0xffff;
	[tilespmem:s9+$0x0] =	vst v13  }
0x33a: {  	s21 =	sor.u32 s0, s20;
	[tilespmem:s8+$0x200] =	vst v2;
	v2 =	vor.u32 $0xF, v6;
	v13 =	vld.idx.msk [tilespmem:v14+s15+$0x0], $0xffff  }
0x33b: {  	v14 =	vor.u32 $0x17, v4;
	v8 =	vld.idx.msk [tilespmem:v8+s15+$0x0], $0xffff;
	[tilespmem:s21+$0x0] =	vst v0  }
0x33c: {  	s23 =	sadd.s32 $0x10F00, s1;
	s22 =	sor.u32 s13, s18;
	[tilespmem:s6+$0x200] =	vst v15;
	v0 =	vld.idx.msk [tilespmem:v11+s15+$0x0], $0xffff;
	v11 =	vor.u32 $0x6, v1  }
0x33d: {  	s24 =	sor.u32 s14, s23;
	v15 =	vld.idx.msk [tilespmem:v16+s15+$0x0], $0xffff;
	[tilespmem:s22+$0x0] =	vst v9;
	v9 =	vor.u32 $0x19, v3  }
0x33e: {  	s11 =	sor.u32 s5, s26;
	v16 =	vor.u32 $0x6, v7;
	v12 =	vld.idx.msk [tilespmem:v12+s15+$0x0], $0xffff;
	[tilespmem:s24+$0x0] =	vst v10  }
0x33f: {  	v10 =	vor.u32 $0xF, v5;
	v2 =	vld.idx.msk [tilespmem:v2+s15+$0x0], $0xffff;
	[tilespmem:s11+$0x0] =	vst v13;
	s11 =	sadd.s32 $0x11C00, s7  }
0x340: {  	s28 =	simm.s32 $0x4;
	[tilespmem:s8+$0x280] =	vst v8;
	v8 =	vor.u32 $0x10, v6;
	v13 =	vld.idx.msk [tilespmem:v14+s15+$0x0], $0xffff;
	s26 =	sor.u32 s0, s11  }
0x341: {  	s12 =	sand.u32 $0x7, s28;
	v14 =	vor.u32 $0x18, v4;
	v11 =	vld.idx.msk [tilespmem:v11+s15+$0x0], $0xffff;
	[tilespmem:s26+$0x0] =	vst v0  }
0x342: {  	s16 =	sor.u32 s13, s23;
	s17 =	sadd.s32 $0x10F80, s1;
	s8 =	sshll.u32 s12, $0x4;
	[tilespmem:s6+$0x280] =	vst v15;
	v0 =	vld.idx.msk [tilespmem:v9+s15+$0x0], $0xffff;
	v9 =	vor.u32 $0x7, v1  }
0x343: {  	s18 =	simm.s32 $0x2;
	s19 =	sor.u32 s14, s17;
	s8 =	sadd.s32 $0x200, s8;
	v15 =	vld.idx.msk [tilespmem:v16+s15+$0x0], $0xffff;
	[tilespmem:s16+$0x0] =	vst v12;
	v12 =	vor.u32 $0x1A, v3  }
0x344: {  	s9 =	sor.u32 s5, s20;
	v16 =	vor.u32 $0x7, v7;
	s16 =	sand.u32 $0x3, s18;
	s8 =	sadd.s32 $0x10, s8;
	v10 =	vld.idx.msk [tilespmem:v10+s15+$0x0], $0xffff;
	[tilespmem:s19+$0x0] =	vst v2  }
0x345: {  	s20 =	sshll.u32 s16, $0x5;
	s21 =	sor.u32 $0x300, s8;
	s8 =	sadd.s32 $0x11C80, s7;
	v2 =	vor.u32 $0x10, v5;
	v8 =	vld.idx.msk [tilespmem:v8+s15+$0x0], $0xffff;
	[tilespmem:s9+$0x0] =	vst v13  }
0x346: {  	s22 =	sadd.s32 $0x200, s20;
	s23 =	sor.u32 s0, s8;
	[tilespmem:s21+$0x10400] =	vst v11;
	v11 =	vld.idx.msk [tilespmem:v14+s15+$0x0], $0xffff  }
0x347: {  	s9 =	sor.u32 $0x300, s22;
	v13 =	vor.u32 $0x11, v6;
	v9 =	vld.idx.msk [tilespmem:v9+s15+$0x0], $0xffff;
	[tilespmem:s23+$0x0] =	vst v0  }
0x348: {  	s6 =	sor.u32 s13, s17;
	[tilespmem:s9+$0x10400] =	vst v15;
	v0 =	vld.idx.msk [tilespmem:v12+s15+$0x0], $0xffff  }
0x349: {  	s24 =	sadd.s32 $0x11400, s1;
	v14 =	vor.u32 $0x8, v1;
	v12 =	vld.idx.msk [tilespmem:v16+s15+$0x0], $0xffff;
	[tilespmem:s6+$0x0] =	vst v10  }
0x34a: {  	s28 =	simm.s32 $0x170;
	s26 =	sor.u32 s14, s24;
	v10 =	vor.u32 $0x1B, v3;
	v2 =	vld.idx.msk [tilespmem:v2+s15+$0x0], $0xffff  }
0x34b: {  	s2 =	sor.u32 s2, s4;
	v15 =	vor.u32 $0x8, v7;
	[tilespmem:s26+$0x0] =	vst v8;
	v8 =	vld [tilespmem:s28+$0x0]  }
0x34c: {  	s2 =	sor.u32 $0x380, s2;
	s9 =	sadd.s32 $0x11D00, s7;
	v16 =	vor.u32 $0x11, v5;
	v13 =	vld.idx.msk [tilespmem:v13+s15+$0x0], $0xffff  }
0x34d: {  	s3 =	sor.u32 s3, s4;
	v17 =	vld [tilespmem:s28+$0xFFFFFFF0];
	s17 =	sor.u32 s0, s9;
	[tilespmem:s2+$0x10400] =	vst v9;
	v9 =	vor.u32 $0x12, v6  }
0x34e: {  	v18 =	vor.u32 $0x19, v4;
	s4 =	sor.u32 $0x380, s3;
	s3 =	simm.s32 $0x70;
	v14 =	vld.idx.msk [tilespmem:v14+s15+$0x0], $0xffff;
	[tilespmem:s17+$0x0] =	vst v0  }
0x34f: {  	v19 =	vor.u32 $0x9, v1;
	s18 =	sor.u32 s13, s24;
	s19 =	sadd.s32 $0x11480, s1;
	v0 =	vor.u32 $0x9, v7;
	[tilespmem:s4+$0x10400] =	vst v12;
	v12 =	vmov s3;
	v10 =	vld.idx.msk [tilespmem:v10+s15+$0x0], $0xffff  }
0x350: {  	s20 =	sor.u32 s14, s19;
	s4 =	simm.s32 $0x60;
	v15 =	vld.idx.msk [tilespmem:v15+s15+$0x0], $0xffff;
	[tilespmem:s18+$0x0] =	vst v2;
	v2 =	vshll.u32 v12, $0x7;
	v12 =	vor.u32 $0x1C, v3;
	v8 =	vshll.u32 v8, $0x5  }
0x351: {  	s11 =	sor.u32 s5, s11;
	s21 =	sadd.s32 $0x10C00, s10;
	v20 =	vmov s4;
	v21 =	vld.idx.msk [tilespmem:v16+s15+$0x0], $0xffff;
	v2 =	vor.u32 v24, v2;
	[tilespmem:s20+$0x0] =	vst v13;
	v8 =	vand.u32 $0x60, v8  }
0x352: {  	s16 =	sadd.s32 $0x11D80, s7;
	s22 =	sor.u32 s31, s21;
	[tilespmem:s11+$0x0] =	vst v11;
	v11 =	vshll.u32 v20, $0x7;
	v13 =	vshll.u32 v17, $0x5;
	v9 =	vld.idx.msk [tilespmem:v9+s15+$0x0], $0xffff;
	v2 =	vor.u32 v2, v8  }
0x353: {  	s23 =	sor.u32 s0, s16;
	v11 =	vor.u32 v24, v11;
	v8 =	vand.u32 $0x60, v13;
	v13 =	vld.idx.msk [tilespmem:v18+s15+$0x0], $0xffff;
	[tilespmem:s22+$0x0] =	vst v14;
	v14 =	vor.u32 $0x13, v6  }
0x354: {  	s2 =	sor.u32 s25, s21;
	v16 =	vor.u32 v11, v8;
	v8 =	vld.idx.msk [tilespmem:v19+s15+$0x0], $0xffff;
	[tilespmem:s23+$0x0] =	vst v10  }
0x355: {  	s22 =	sadd.s32 $0x11500, s1;
	v10 =	vor.u32 $0x12, v5;
	[tilespmem:s2+$0x0] =	vst v15;
	v11 =	vld.idx.msk [tilespmem:v12+s15+$0x0], $0xffff  }
0x356: {  	s24 =	sor.u32 s14, s22;
	v0 =	vld.idx.msk [tilespmem:v0+s15+$0x0], $0xffff;
	v12 =	vor.u32 $0xA, v1  }
0x357: {  	v15 =	vld.idx.msk [tilespmem:v2+s15+$0x0], $0xffff;
	[tilespmem:s24+$0x0] =	vst v9;
	v9 =	vor.u32 $0x1D, v3  }
0x358: {  	s26 =	sor.u32 s13, s19;
	s28 =	sadd.s32 $0x10C80, s10;
	v17 =	vor.u32 $0x1A, v4;
	v14 =	vld.idx.msk [tilespmem:v14+s15+$0x0], $0xffff  }
0x359: {  	s12 =	sadd.s32 $0x11E00, s7;
	s6 =	simm.s32 $0x300;
	s17 =	sor.u32 s31, s28;
	v19 =	vor.u32 $0x1, v2;
	[tilespmem:s26+$0x0] =	vst v21;
	v18 =	vld.idx.msk [tilespmem:v16+s15+$0x0], $0xffff  }
0x35a: {  	s19 =	sand.u32 $0x400, s6;
	s21 =	sor.u32 s0, s12;
	[tilespmem:s17+$0x0] =	vst v8;
	v8 =	vld.idx.msk [tilespmem:v10+s15+$0x0], $0xffff;
	v10 =	vor.u32 $0x14, v6  }
0x35b: {  	s30 =	sand.u32 $0x70, s3;
	s8 =	sor.u32 s5, s8;
	s20 =	sadd.s32 $0x10400, s19;
	v20 =	vor.u32 $0x1, v16;
	v12 =	vld.idx.msk [tilespmem:v12+s15+$0x0], $0xffff;
	[tilespmem:s21+$0x0] =	vst v11  }
0x35c: {  	s18 =	sor.u32 s30, s20;
	[tilespmem:s8+$0x0] =	vst v13;
	v11 =	vor.u32 $0xA, v7;
	s21 =	sadd.s32 $0x11580, s1;
	v9 =	vld.idx.msk [tilespmem:v9+s15+$0x0], $0xffff  }
0x35d: {  	s29 =	sand.u32 $0x60, s4;
	v13 =	vor.u32 $0xB, v1;
	s23 =	sor.u32 s14, s21;
	[tilespmem:s18+$0x0] =	vst v15;
	v15 =	vld.idx.msk [tilespmem:v17+s15+$0x0], $0xffff  }
0x35e: {  	s17 =	sor.u32 s29, s20;
	v17 =	vld.idx.msk [tilespmem:v19+s15+$0x0], $0xffff;
	[tilespmem:s23+$0x0] =	vst v14;
	v14 =	vor.u32 $0x1E, v3  }
0x35f: {  	s26 =	sadd.s32 $0x10D00, s10;
	s24 =	sor.u32 s25, s28;
	v19 =	vor.u32 $0x13, v5;
	[tilespmem:s17+$0x0] =	vst v18;
	v10 =	vld.idx.msk [tilespmem:v10+s15+$0x0], $0xffff  }
0x360: {  	s11 =	sadd.s32 $0x11E80, s7;
	s28 =	sor.u32 s31, s26;
	[tilespmem:s24+$0x0] =	vst v0;
	v18 =	vld.idx.msk [tilespmem:v20+s15+$0x0], $0xffff;
	v20 =	vor.u32 $0x2, v2  }
0x361: {  	s2 =	sor.u32 s0, s11;
	v0 =	vld.idx.msk [tilespmem:v11+s15+$0x0], $0xffff;
	[tilespmem:s28+$0x0] =	vst v12;
	v11 =	vor.u32 $0x15, v6  }
0x362: {  	s22 =	sor.u32 s13, s22;
	v12 =	vor.u32 $0x2, v16;
	v13 =	vld.idx.msk [tilespmem:v13+s15+$0x0], $0xffff;
	[tilespmem:s2+$0x0] =	vst v9  }
0x363: {  	[tilespmem:s22+$0x0] =	vst v8;
	v9 =	vor.u32 $0xB, v7;
	s2 =	sadd.s32 $0x11600, s1;
	v8 =	vld.idx.msk [tilespmem:v14+s15+$0x0], $0xffff  }
0x364: {  	[tilespmem:s18+$0x80] =	vst v17;
	v14 =	vor.u32 $0xC, v1;
	v17 =	vld.idx.msk [tilespmem:v19+s15+$0x0], $0xffff;
	s23 =	sor.u32 s14, s2  }
0x365: {  	v3 =	vor.u32 $0x1F, v3;
	v19 =	vld.idx.msk [tilespmem:v20+s15+$0x0], $0xffff;
	[tilespmem:s23+$0x0] =	vst v10  }
0x366: {  	s24 =	sor.u32 s25, s26;
	s26 =	sadd.s32 $0x10D80, s10;
	v10 =	vor.u32 $0x14, v5;
	[tilespmem:s17+$0x80] =	vst v18;
	v11 =	vld.idx.msk [tilespmem:v11+s15+$0x0], $0xffff  }
0x367: {  	s8 =	sadd.s32 $0x11F00, s7;
	s28 =	sor.u32 s31, s26;
	v18 =	vor.u32 $0x3, v2;
	v12 =	vld.idx.msk [tilespmem:v12+s15+$0x0], $0xffff;
	[tilespmem:s24+$0x0] =	vst v0  }
0x368: {  	s23 =	sor.u32 s0, s8;
	[tilespmem:s28+$0x0] =	vst v13;
	v13 =	vor.u32 $0x3, v16;
	v0 =	vld.idx.msk [tilespmem:v9+s15+$0x0], $0xffff  }
0x369: {  	s21 =	sor.u32 s13, s21;
	v9 =	vor.u32 $0x16, v6;
	v14 =	vld.idx.msk [tilespmem:v14+s15+$0x0], $0xffff;
	[tilespmem:s23+$0x0] =	vst v8  }
0x36a: {  	v20 =	vor.u32 $0xC, v7;
	[tilespmem:s21+$0x0] =	vst v17;
	v8 =	vld.idx.msk [tilespmem:v3+s15+$0x0], $0xffff  }
0x36b: {  	s21 =	sadd.s32 $0x11680, s1;
	[tilespmem:s18+$0x100] =	vst v19;
	v3 =	vor.u32 $0xD, v1;
	v10 =	vld.idx.msk [tilespmem:v10+s15+$0x0], $0xffff  }
0x36c: {  	v17 =	vor.u32 $0x15, v5;
	s24 =	sor.u32 s14, s21;
	v18 =	vld.idx.msk [tilespmem:v18+s15+$0x0], $0xffff;
	[tilespmem:s17+$0x100] =	vst v12  }
0x36d: {  	s20 =	sor.u32 s25, s26;
	s26 =	sadd.s32 $0x10E00, s10;
	[tilespmem:s24+$0x0] =	vst v11;
	v11 =	vor.u32 $0x4, v2;
	v12 =	vld.idx.msk [tilespmem:v13+s15+$0x0], $0xffff  }
0x36e: {  	s28 =	sor.u32 s31, s26;
	v13 =	vor.u32 $0x4, v16;
	v9 =	vld.idx.msk [tilespmem:v9+s15+$0x0], $0xffff;
	[tilespmem:s20+$0x0] =	vst v0  }
0x36f: {  	s2 =	sor.u32 s13, s2;
	v0 =	vor.u32 $0x17, v6;
	v19 =	vld.idx.msk [tilespmem:v20+s15+$0x0], $0xffff;
	[tilespmem:s28+$0x0] =	vst v14  }
0x370: {  	v14 =	vor.u32 $0xD, v7;
	v3 =	vld.idx.msk [tilespmem:v3+s15+$0x0], $0xffff;
	[tilespmem:s2+$0x0] =	vst v10  }
0x371: {  	s2 =	sadd.s32 $0x11700, s1;
	v10 =	vor.u32 $0xE, v1;
	[tilespmem:s18+$0x180] =	vst v18;
	v17 =	vld.idx.msk [tilespmem:v17+s15+$0x0], $0xffff  }
0x372: {  	s23 =	sor.u32 s14, s2;
	v18 =	vor.u32 $0x1B, v4;
	v11 =	vld.idx.msk [tilespmem:v11+s15+$0x0], $0xffff;
	[tilespmem:s17+$0x180] =	vst v12  }
0x373: {  	s24 =	sor.u32 s25, s26;
	s26 =	sadd.s32 $0x10E80, s10;
	[tilespmem:s23+$0x0] =	vst v9;
	v9 =	vor.u32 $0x16, v5;
	v12 =	vld.idx.msk [tilespmem:v13+s15+$0x0], $0xffff  }
0x374: {  	s28 =	sor.u32 s31, s26;
	v13 =	vor.u32 $0x5, v2;
	v0 =	vld.idx.msk [tilespmem:v0+s15+$0x0], $0xffff;
	[tilespmem:s24+$0x0] =	vst v19  }
0x375: {  	s9 =	sor.u32 s5, s9;
	v19 =	vor.u32 $0x5, v16;
	v14 =	vld.idx.msk [tilespmem:v14+s15+$0x0], $0xffff;
	[tilespmem:s28+$0x0] =	vst v3  }
0x376: {  	[tilespmem:s9+$0x0] =	vst v15;
	s21 =	sor.u32 s13, s21;
	v3 =	vor.u32 $0x18, v6;
	v10 =	vld.idx.msk [tilespmem:v10+s15+$0x0], $0xffff  }
0x377: {  	v15 =	vor.u32 $0xE, v7;
	[tilespmem:s21+$0x0] =	vst v17;
	v17 =	vld.idx.msk [tilespmem:v18+s15+$0x0], $0xffff  }
0x378: {  	s20 =	sadd.s32 $0x11780, s1;
	[tilespmem:s18+$0x200] =	vst v11;
	v11 =	vor.u32 $0xF, v1;
	v9 =	vld.idx.msk [tilespmem:v9+s15+$0x0], $0xffff  }
0x379: {  	s23 =	sor.u32 s14, s20;
	v18 =	vor.u32 $0x1C, v4;
	v13 =	vld.idx.msk [tilespmem:v13+s15+$0x0], $0xffff;
	[tilespmem:s17+$0x200] =	vst v12  }
0x37a: {  	s24 =	sor.u32 s25, s26;
	s26 =	sadd.s32 $0x10F00, s10;
	[tilespmem:s23+$0x0] =	vst v0;
	v0 =	vor.u32 $0x17, v5;
	v12 =	vld.idx.msk [tilespmem:v19+s15+$0x0], $0xffff  }
0x37b: {  	s28 =	sor.u32 s31, s26;
	v19 =	vor.u32 $0x6, v2;
	v3 =	vld.idx.msk [tilespmem:v3+s15+$0x0], $0xffff;
	[tilespmem:s24+$0x0] =	vst v14  }
0x37c: {  	s16 =	sor.u32 s5, s16;
	v14 =	vld.idx.msk [tilespmem:v15+s15+$0x0], $0xffff;
	[tilespmem:s28+$0x0] =	vst v10;
	v10 =	vor.u32 $0x19, v6  }
0x37d: {  	s22 =	sor.u32 s13, s2;
	v15 =	vor.u32 $0x6, v16;
	[tilespmem:s16+$0x0] =	vst v17;
	v11 =	vld.idx.msk [tilespmem:v11+s15+$0x0], $0xffff  }
0x37e: {  	s9 =	sadd.s32 $0x11C00, s1;
	v17 =	vor.u32 $0xF, v7;
	[tilespmem:s22+$0x0] =	vst v9;
	v9 =	vld.idx.msk [tilespmem:v18+s15+$0x0], $0xffff  }
0x37f: {  	s23 =	sor.u32 s14, s9;
	[tilespmem:s18+$0x280] =	vst v13;
	v13 =	vor.u32 $0x10, v1;
	v0 =	vld.idx.msk [tilespmem:v0+s15+$0x0], $0xffff  }
0x380: {  	v19 =	vld.idx.msk [tilespmem:v19+s15+$0x0], $0xffff;
	[tilespmem:s23+$0x0] =	vst v3  }
0x381: {  	s26 =	sor.u32 s25, s26;
	s24 =	simm.s32 $0x6;
	s28 =	sadd.s32 $0x10F80, s10;
	v18 =	vor.u32 $0x1D, v4;
	[tilespmem:s17+$0x280] =	vst v12;
	v10 =	vld.idx.msk [tilespmem:v10+s15+$0x0], $0xffff  }
0x382: {  	s2 =	sor.u32 s31, s28;
	s18 =	sand.u32 $0x7, s24;
	v12 =	vld.idx.msk [tilespmem:v15+s15+$0x0], $0xffff;
	[tilespmem:s26+$0x0] =	vst v14  }
0x383: {  	s12 =	sor.u32 s5, s12;
	s18 =	sshll.u32 s18, $0x4;
	v3 =	vor.u32 $0x18, v5;
	v14 =	vld.idx.msk [tilespmem:v17+s15+$0x0], $0xffff;
	[tilespmem:s2+$0x0] =	vst v11  }
0x384: {  	s21 =	simm.s32 $0x3;
	s18 =	sadd.s32 $0x300, s18;
	v15 =	vor.u32 $0x7, v2;
	s2 =	simm.s32 $0x190;
	v13 =	vld.idx.msk [tilespmem:v13+s15+$0x0], $0xffff  }
0x385: {  	s22 =	sand.u32 $0x3, s21;
	s23 =	sor.u32 s13, s20;
	s18 =	sadd.s32 $0x10, s18;
	v11 =	vor.u32 $0x1A, v6;
	[tilespmem:s12+$0x0] =	vst v9;
	v20 =	vld [tilespmem:s2+$0xFFFFFFF0]  }
0x386: {  	s16 =	sshll.u32 s22, $0x5;
	v17 =	vor.u32 $0x7, v16;
	s18 =	sor.u32 $0x300, s18;
	s12 =	sadd.s32 $0x11C80, s1;
	[tilespmem:s23+$0x0] =	vst v0;
	v0 =	vld.idx.msk [tilespmem:v18+s15+$0x0], $0xffff  }
0x387: {  	s16 =	sadd.s32 $0x300, s16;
	v9 =	vor.u32 $0x10, v7;
	[tilespmem:s18+$0x10400] =	vst v19;
	s24 =	sor.u32 s14, s12;
	v19 =	vld [tilespmem:s2+$0x0]  }
0x388: {  	s16 =	sor.u32 $0x300, s16;
	v18 =	vor.u32 $0x11, v1;
	v3 =	vld.idx.msk [tilespmem:v3+s15+$0x0], $0xffff;
	[tilespmem:s24+$0x0] =	vst v10  }
0x389: {  	s17 =	sor.u32 s25, s28;
	s26 =	sadd.s32 $0x11400, s10;
	v15 =	vld.idx.msk [tilespmem:v15+s15+$0x0], $0xffff;
	[tilespmem:s16+$0x10400] =	vst v12  }
0x38a: {  	s28 =	sor.u32 s31, s26;
	v12 =	vor.u32 $0x8, v2;
	v10 =	vld.idx.msk [tilespmem:v11+s15+$0x0], $0xffff;
	[tilespmem:s17+$0x0] =	vst v14  }
0x38b: {  	v11 =	vld.idx.msk [tilespmem:v17+s15+$0x0], $0xffff;
	[tilespmem:s28+$0x0] =	vst v13;
	v13 =	vor.u32 $0x1B, v6  }
0x38c: {  	s3 =	sor.u32 s3, s6;
	s22 =	sor.u32 s13, s9;
	v14 =	vor.u32 $0x8, v16;
	v9 =	vld.idx.msk [tilespmem:v9+s15+$0x0], $0xffff  }
0x38d: {  	s3 =	sor.u32 $0x380, s3;
	s16 =	sadd.s32 $0x11D00, s1;
	v17 =	vld.idx.msk [tilespmem:v18+s15+$0x0], $0xffff;
	v18 =	vor.u32 $0x11, v7;
	[tilespmem:s22+$0x0] =	vst v3  }
0x38e: {  	s4 =	sor.u32 s4, s6;
	v21 =	vor.u32 $0x19, v5;
	s17 =	sor.u32 s14, s16;
	[tilespmem:s3+$0x10400] =	vst v15  }
0x38f: {  	s4 =	sor.u32 $0x380, s4;
	v23 =	vor.u32 $0x9, v2;
	s2 =	simm.s32 $0x90;
	v15 =	vor.u32 $0x12, v1;
	v12 =	vld.idx.msk [tilespmem:v12+s15+$0x0], $0xffff;
	[tilespmem:s17+$0x0] =	vst v10  }
0x390: {  	s9 =	simm.s32 $0x80;
	s20 =	sor.u32 s25, s26;
	v22 =	vmov s2;
	v20 =	vshll.u32 v20, $0x5;
	v10 =	vor.u32 $0x1E, v4;
	[tilespmem:s4+$0x10400] =	vst v11;
	s17 =	sadd.s32 $0x11480, s10;
	v11 =	vld.idx.msk [tilespmem:v13+s15+$0x0], $0xffff  }
0x391: {  	v19 =	vshll.u32 v19, $0x5;
	v3 =	vmov s9;
	v14 =	vld.idx.msk [tilespmem:v14+s15+$0x0], $0xffff;
	[tilespmem:s20+$0x0] =	vst v9;
	s21 =	sor.u32 s31, s17;
	v9 =	vshll.u32 v22, $0x7  }
0x392: {  	s6 =	sadd.s32 $0x11F80, s7;
	s23 =	sor.u32 s5, s11;
	v19 =	vand.u32 $0x60, v19;
	v18 =	vld.idx.msk [tilespmem:v18+s15+$0x0], $0xffff;
	[tilespmem:s21+$0x0] =	vst v17;
	v17 =	vor.u32 $0x1C, v6;
	v9 =	vor.u32 v24, v9  }
0x393: {  	s0 =	sor.u32 s0, s6;
	s24 =	sadd.s32 $0x10C00, s19;
	[tilespmem:s23+$0x0] =	vst v0;
	v0 =	vshll.u32 v3, $0x7;
	v13 =	vor.u32 $0x9, v16;
	v3 =	vor.u32 v9, v19;
	v9 =	vld.idx.msk [tilespmem:v21+s15+$0x0], $0xffff  }
0x394: {  	[tilespmem:s0+$0x0] =	vst v8;
	s26 =	sor.u32 s30, s24;
	s4 =	sadd.s32 $0x11D80, s1;
	v0 =	vor.u32 v24, v0;
	v19 =	vand.u32 $0x60, v20;
	v15 =	vld.idx.msk [tilespmem:v15+s15+$0x0], $0xffff  }
0x395: {  	s28 =	sor.u32 s14, s4;
	v53 =	vor.u32 v0, v19;
	[tilespmem:s26+$0x0] =	vst v12;
	v10 =	vld.idx.msk [tilespmem:v10+s15+$0x0], $0xffff  }
0x396: {  	s11 =	sor.u32 s29, s24;
	v12 =	vor.u32 $0x13, v1;
	v0 =	vld.idx.msk [tilespmem:v23+s15+$0x0], $0xffff;
	[tilespmem:s28+$0x0] =	vst v11  }
0x397: {  	s21 =	sor.u32 s25, s17;
	v11 =	vor.u32 $0x12, v7;
	[tilespmem:s11+$0x0] =	vst v14;
	v14 =	vld.idx.msk [tilespmem:v17+s15+$0x0], $0xffff  }
0x398: {  	s22 =	sor.u32 s13, s12;
	s20 =	sadd.s32 $0x11500, s10;
	v8 =	vld.idx.msk [tilespmem:v13+s15+$0x0], $0xffff;
	v13 =	vor.u32 $0xA, v2;
	[tilespmem:s21+$0x0] =	vst v18  }
0x399: {  	s18 =	sor.u32 s31, s20;
	v19 =	vor.u32 $0x1A, v5;
	v17 =	vld.idx.msk [tilespmem:v3+s15+$0x0], $0xffff;
	[tilespmem:s22+$0x0] =	vst v9  }
0x39a: {  	s8 =	sor.u32 s5, s8;
	s12 =	sadd.s32 $0x10C80, s19;
	s3 =	simm.s32 $0x400;
	[tilespmem:s18+$0x0] =	vst v15;
	v15 =	vor.u32 $0x1D, v6;
	v9 =	vld.idx.msk [tilespmem:v53+s15+$0x0], $0xffff  }
0x39b: {  	s23 =	sor.u32 s30, s12;
	s26 =	sadd.s32 $0x11E00, s1;
	v18 =	vor.u32 $0x1, v3;
	s21 =	sand.u32 $0x400, s3;
	v12 =	vld.idx.msk [tilespmem:v12+s15+$0x0], $0xffff;
	[tilespmem:s8+$0x0] =	vst v10  }
0x39c: {  	s7 =	sand.u32 $0x70, s2;
	s24 =	sor.u32 s14, s26;
	s28 =	sadd.s32 $0x10400, s21;
	[tilespmem:s23+$0x0] =	vst v0;
	v0 =	vld.idx.msk [tilespmem:v11+s15+$0x0], $0xffff;
	v11 =	vor.u32 $0x14, v1  }
0x39d: {  	v20 =	vor.u32 $0x1, v53;
	s18 =	sor.u32 s7, s28;
	v13 =	vld.idx.msk [tilespmem:v13+s15+$0x0], $0xffff;
	[tilespmem:s24+$0x0] =	vst v14  }
0x39e: {  	s12 =	sor.u32 s29, s12;
	s22 =	sadd.s32 $0x11580, s10;
	v14 =	vor.u32 $0xA, v16;
	[tilespmem:s18+$0x0] =	vst v17;
	v17 =	vld.idx.msk [tilespmem:v19+s15+$0x0], $0xffff  }
0x39f: {  	s23 =	sor.u32 s31, s22;
	s24 =	sand.u32 $0x60, s9;
	[tilespmem:s12+$0x0] =	vst v8;
	v10 =	vld.idx.msk [tilespmem:v15+s15+$0x0], $0xffff;
	v15 =	vor.u32 $0xB, v2  }
0x3a0: {  	s17 =	sor.u32 s24, s28;
	v19 =	vor.u32 $0x13, v7;
	v18 =	vld.idx.msk [tilespmem:v18+s15+$0x0], $0xffff;
	[tilespmem:s23+$0x0] =	vst v12  }
0x3a1: {  	s0 =	sadd.s32 $0x10D00, s19;
	s20 =	sor.u32 s25, s20;
	[tilespmem:s17+$0x0] =	vst v9;
	v12 =	vor.u32 $0x1E, v6;
	v9 =	vld.idx.msk [tilespmem:v11+s15+$0x0], $0xffff  }
0x3a2: {  	s12 =	sadd.s32 $0x11E80, s1;
	s28 =	sor.u32 s30, s0;
	v11 =	vld.idx.msk [tilespmem:v20+s15+$0x0], $0xffff;
	v20 =	vor.u32 $0x2, v3;
	[tilespmem:s20+$0x0] =	vst v0  }
0x3a3: {  	s8 =	sor.u32 s14, s12;
	[tilespmem:s28+$0x0] =	vst v13;
	v8 =	vld.idx.msk [tilespmem:v14+s15+$0x0], $0xffff;
	v13 =	vor.u32 $0x15, v1  }
0x3a4: {  	s23 =	sadd.s32 $0x11600, s10;
	[tilespmem:s8+$0x0] =	vst v10;
	v10 =	vor.u32 $0x2, v53;
	v14 =	vld.idx.msk [tilespmem:v15+s15+$0x0], $0xffff  }
0x3a5: {  	s11 =	smov.u32 s24;
	s24 =	sor.u32 s31, s23;
	v15 =	vor.u32 $0xB, v16;
	[tilespmem:s18+$0x80] =	vst v18;
	v18 =	vld.idx.msk [tilespmem:v19+s15+$0x0], $0xffff  }
0x3a6: {  	v0 =	vld.idx.msk [tilespmem:v12+s15+$0x0], $0xffff;
	v12 =	vor.u32 $0xC, v2;
	[tilespmem:s24+$0x0] =	vst v9  }
0x3a7: {  	s28 =	sor.u32 s29, s0;
	s0 =	sadd.s32 $0x10D80, s19;
	v19 =	vor.u32 $0x14, v7;
	v9 =	vld.idx.msk [tilespmem:v20+s15+$0x0], $0xffff;
	[tilespmem:s17+$0x80] =	vst v11  }
0x3a8: {  	v6 =	vor.u32 $0x1F, v6;
	s24 =	sor.u32 s30, s0;
	v11 =	vld.idx.msk [tilespmem:v13+s15+$0x0], $0xffff;
	[tilespmem:s28+$0x0] =	vst v8  }
0x3a9: {  	s22 =	sor.u32 s25, s22;
	s20 =	sadd.s32 $0x11F00, s1;
	v8 =	vld.idx.msk [tilespmem:v10+s15+$0x0], $0xffff;
	v10 =	vor.u32 $0x3, v3;
	[tilespmem:s24+$0x0] =	vst v14  }
0x3aa: {  	s8 =	sor.u32 s14, s20;
	v13 =	vld.idx.msk [tilespmem:v15+s15+$0x0], $0xffff;
	v14 =	vor.u32 $0x16, v1;
	[tilespmem:s22+$0x0] =	vst v18  }
0x3ab: {  	s22 =	sadd.s32 $0x11680, s10;
	[tilespmem:s8+$0x0] =	vst v0;
	v0 =	vor.u32 $0x3, v53;
	v12 =	vld.idx.msk [tilespmem:v12+s15+$0x0], $0xffff  }
0x3ac: {  	v15 =	vor.u32 $0xC, v16;
	v18 =	vld.idx.msk [tilespmem:v19+s15+$0x0], $0xffff;
	s28 =	sor.u32 s31, s22;
	[tilespmem:s18+$0x100] =	vst v9  }
0x3ad: {  	v4 =	vor.u32 $0x1F, v4;
	v6 =	vld.idx.msk [tilespmem:v6+s15+$0x0], $0xffff;
	[tilespmem:s28+$0x0] =	vst v11  }
0x3ae: {  	s0 =	sor.u32 s29, s0;
	s24 =	sadd.s32 $0x10E00, s19;
	v9 =	vor.u32 $0xD, v2;
	v10 =	vld.idx.msk [tilespmem:v10+s15+$0x0], $0xffff;
	[tilespmem:s17+$0x100] =	vst v8  }
0x3af: {  	s8 =	sor.u32 s30, s24;
	v11 =	vor.u32 $0x15, v7;
	v8 =	vld.idx.msk [tilespmem:v14+s15+$0x0], $0xffff;
	[tilespmem:s0+$0x0] =	vst v13  }
0x3b0: {  	s23 =	sor.u32 s25, s23;
	v13 =	vor.u32 $0x4, v3;
	s0 =	sadd.s32 $0x11F80, s1;
	v0 =	vld.idx.msk [tilespmem:v0+s15+$0x0], $0xffff;
	[tilespmem:s8+$0x0] =	vst v12  }
0x3b1: {  	v14 =	vor.u32 $0x17, v1;
	v12 =	vld.idx.msk [tilespmem:v15+s15+$0x0], $0xffff;
	s14 =	sor.u32 s14, s0;
	[tilespmem:s23+$0x0] =	vst v18  }
0x3b2: {  	v40 =	vld.idx.msk [tilespmem:v4+s15+$0x0], $0xffff;
	s1 =	sadd.s32 $0x11700, s10;
	[tilespmem:s14+$0x0] =	vst v6;
	v6 =	vor.u32 $0x4, v53  }
0x3b3: {  	v15 =	vor.u32 $0xD, v16;
	s28 =	sor.u32 s31, s1;
	v9 =	vld.idx.msk [tilespmem:v9+s15+$0x0], $0xffff;
	[tilespmem:s18+$0x180] =	vst v10  }
0x3b4: {  	v4 =	vor.u32 $0xE, v2;
	v10 =	vld.idx.msk [tilespmem:v11+s15+$0x0], $0xffff;
	[tilespmem:s28+$0x0] =	vst v8  }
0x3b5: {  	s8 =	sor.u32 s29, s24;
	v8 =	vor.u32 $0x1B, v5;
	v11 =	vld.idx.msk [tilespmem:v13+s15+$0x0], $0xffff;
	[tilespmem:s17+$0x180] =	vst v0  }
0x3b6: {  	s23 =	sadd.s32 $0x10E80, s19;
	s28 =	sor.u32 s13, s16;
	v13 =	vor.u32 $0x16, v7;
	v0 =	vld.idx.msk [tilespmem:v14+s15+$0x0], $0xffff;
	[tilespmem:s8+$0x0] =	vst v12  }
0x3b7: {  	s24 =	sor.u32 s30, s23;
	[tilespmem:s28+$0x0] =	vst v17;
	v6 =	vld.idx.msk [tilespmem:v6+s15+$0x0], $0xffff  }
0x3b8: {  	v19 =	vor.u32 $0x5, v3;
	s8 =	sor.u32 s25, s22;
	[tilespmem:s24+$0x0] =	vst v9;
	v20 =	vld.idx.msk [tilespmem:v15+s15+$0x0], $0xffff  }
0x3b9: {  	v21 =	vor.u32 $0x18, v1;
	v4 =	vld.idx.msk [tilespmem:v4+s15+$0x0], $0xffff;
	[tilespmem:s8+$0x0] =	vst v10  }
0x3ba: {  	s14 =	sadd.s32 $0x11780, s10;
	v17 =	vor.u32 $0xE, v16;
	v12 =	vor.u32 $0x1A, v7;
	v8 =	vld.idx.msk [tilespmem:v8+s15+$0x0], $0xffff;
	[tilespmem:s18+$0x200] =	vst v11  }
0x3bb: {  	v23 =	vor.u32 $0x5, v53;
	s22 =	sor.u32 s31, s14;
	v13 =	vld.idx.msk [tilespmem:v13+s15+$0x0], $0xffff;
	[tilespmem:$0x1FE10] =	vst v12  }
0x3bc: {  	[tilespmem:s22+$0x0] =	vst v0  }
0x3bd: {  	s28 =	sadd.s32 $0x10F00, s19;
	s24 =	sor.u32 s29, s23;
	v19 =	vld.idx.msk [tilespmem:v19+s15+$0x0], $0xffff;
	[tilespmem:s17+$0x200] =	vst v6  }
0x3be: {  	v30 =	vor.u32 $0x1E, v5;
	s8 =	sor.u32 s30, s28;
	v11 =	vor.u32 $0xF, v2;
	[tilespmem:s24+$0x0] =	vst v20;
	v0 =	vld.idx.msk [tilespmem:v21+s15+$0x0], $0xffff  }
0x3bf: {  	v22 =	vor.u32 $0x1D, v5;
	v9 =	vor.u32 $0x1C, v5;
	[tilespmem:s8+$0x0] =	vst v4;
	v4 =	vld.idx.msk [tilespmem:v17+s15+$0x0], $0xffff;
	v17 =	vor.u32 $0x13, v16  }
0x3c0: {  	v18 =	vor.u32 $0x1F, v5;
	v5 =	vor.u32 $0x17, v7;
	v24 =	vld.idx.msk [tilespmem:v23+s15+$0x0], $0xffff;
	[tilespmem:$0x1FE20] =	vst v17;
	v17 =	vor.u32 $0x14, v16  }
0x3c1: {  	s4 =	sor.u32 s13, s4;
	[tilespmem:$0x1FE30] =	vst v17  }
0x3c2: {  	s1 =	sor.u32 s25, s1;
	[tilespmem:s4+$0x0] =	vst v8  }
0x3c3: {  	v32 =	vor.u32 $0x19, v7;
	v27 =	vor.u32 $0x6, v3;
	v31 =	vld.idx.msk [tilespmem:v11+s15+$0x0], $0xffff;
	[tilespmem:s1+$0x0] =	vst v13  }
0x3c4: {  	v29 =	vor.u32 $0x1B, v7;
	v20 =	vor.u32 $0x19, v1;
	s1 =	sadd.s32 $0x11C00, s10;
	v11 =	vor.u32 $0x1A, v16;
	v8 =	vld.idx.msk [tilespmem:v9+s15+$0x0], $0xffff;
	[tilespmem:s18+$0x280] =	vst v19  }
0x3c5: {  	v26 =	vor.u32 $0x1F, v7;
	v54 =	vor.u32 $0x11, v2;
	v28 =	vor.u32 $0x6, v53;
	v5 =	vld.idx.msk [tilespmem:v5+s15+$0x0], $0xffff;
	s18 =	sor.u32 s31, s1;
	[tilespmem:$0x1FE40] =	vst v11  }
0x3c6: {  	v39 =	vor.u32 $0x11, v16;
	v38 =	vor.u32 $0x12, v16;
	v6 =	vor.u32 $0xF, v16;
	[tilespmem:s18+$0x0] =	vst v0  }
0x3c7: {  	v43 =	vor.u32 $0x15, v16;
	v36 =	vor.u32 $0x16, v16;
	v35 =	vor.u32 $0x17, v16;
	s24 =	sor.u32 s29, s28;
	s22 =	sadd.s32 $0x10F80, s19;
	s4 =	simm.s32 $0x8;
	[tilespmem:s17+$0x280] =	vst v24  }
0x3c8: {  	v34 =	vor.u32 $0x18, v16;
	v33 =	vor.u32 $0x19, v16;
	s8 =	sor.u32 s30, s22;
	v9 =	vor.u32 $0x10, v2;
	s28 =	sand.u32 $0x7, s4;
	v27 =	vld.idx.msk [tilespmem:v27+s15+$0x0], $0xffff;
	[tilespmem:s24+$0x0] =	vst v4  }
0x3c9: {  	v52 =	vor.u32 $0x8, v53;
	v50 =	vor.u32 $0x9, v53;
	v49 =	vor.u32 $0xA, v53;
	s16 =	sor.u32 s13, s26;
	s18 =	sshll.u32 s28, $0x4;
	v0 =	vld.idx.msk [tilespmem:v20+s15+$0x0], $0xffff;
	[tilespmem:s8+$0x0] =	vst v31  }
0x3ca: {  	v14 =	vor.u32 $0x1D, v7;
	v10 =	vor.u32 $0x18, v7;
	s17 =	simm.s32 $0x4;
	v20 =	vld.idx.msk [tilespmem:v28+s15+$0x0], $0xffff;
	s24 =	sadd.s32 $0x400, s18;
	[tilespmem:s16+$0x0] =	vst v8;
	v8 =	vor.u32 $0xC, v53  }
0x3cb: {  	s14 =	sor.u32 s25, s14;
	v15 =	vor.u32 $0x1C, v7;
	v12 =	vor.u32 $0x1E, v7;
	v7 =	vor.u32 $0x10, v16;
	v4 =	vld.idx.msk [tilespmem:v6+s15+$0x0], $0xffff;
	s26 =	sand.u32 $0x3, s17;
	s16 =	sadd.s32 $0x10, s24;
	[tilespmem:$0x1FE50] =	vst v8  }
0x3cc: {  	v23 =	vor.u32 $0x1B, v16;
	v21 =	vor.u32 $0x1C, v16;
	v24 =	vor.u32 $0x7, v3;
	s8 =	sshll.u32 s26, $0x5;
	s16 =	sor.u32 $0x300, s16;
	[tilespmem:s14+$0x0] =	vst v5;
	s14 =	sadd.s32 $0x11C80, s10  }
0x3cd: {  	v17 =	vor.u32 $0x1F, v16;
	v13 =	vor.u32 $0x1E, v16;
	v6 =	vor.u32 $0x1A, v1;
	s28 =	sadd.s32 $0x400, s8;
	v8 =	vld.idx.msk [tilespmem:v9+s15+$0x0], $0xffff;
	[tilespmem:s16+$0x10400] =	vst v27;
	s8 =	sor.u32 s31, s14  }
0x3ce: {  	v19 =	vor.u32 $0x1D, v16;
	v16 =	vor.u32 $0x7, v53;
	v9 =	vld.idx.msk [tilespmem:v22+s15+$0x0], $0xffff;
	[tilespmem:s8+$0x0] =	vst v0;
	v0 =	vor.u32 $0x14, v53  }
0x3cf: {  	v48 =	vor.u32 $0xB, v53;
	v47 =	vor.u32 $0xD, v53;
	v55 =	vld.idx.msk [tilespmem:v10+s15+$0x0], $0xffff;
	[tilespmem:$0x1FE60] =	vst v0;
	v0 =	vor.u32 $0x15, v53  }
0x3d0: {  	v46 =	vor.u32 $0xE, v53;
	v44 =	vor.u32 $0xF, v53;
	v51 =	vor.u32 $0x11, v53;
	s23 =	smov.u32 s10;
	s10 =	sor.u32 s5, s6;
	s5 =	sor.u32 $0x300, s28;
	[tilespmem:$0x1FE70] =	vst v0  }
0x3d1: {  	v58 =	vor.u32 $0x12, v53;
	v25 =	vor.u32 $0x13, v53;
	s18 =	simm.s32 $0x8;
	s26 =	sor.u32 s9, s3;
	v0 =	vor.u32 $0x1A, v53;
	v5 =	vld.idx.msk [tilespmem:v24+s15+$0x0], $0xffff;
	[tilespmem:s5+$0x10400] =	vst v20  }
0x3d2: {  	v57 =	vor.u32 $0x16, v53;
	v41 =	vor.u32 $0x19, v53;
	v11 =	vor.u32 $0x10, v53;
	s24 =	sor.u32 s13, s20;
	s16 =	sor.u32 s29, s22;
	s22 =	sadd.s32 $0x11400, s19;
	v56 =	vld.idx.msk [tilespmem:v6+s15+$0x0], $0xffff;
	[tilespmem:$0x1FE80] =	vst v0  }
0x3d3: {  	v28 =	vor.u32 $0x18, v53;
	v31 =	vor.u32 $0x17, v53;
	s20 =	sor.u32 s13, s0;
	v22 =	vor.u32 $0x1C, v53;
	s6 =	sor.u32 s25, s1;
	s28 =	sor.u32 s30, s22;
	v6 =	vld.idx.msk [tilespmem:v16+s15+$0x0], $0xffff;
	[tilespmem:s16+$0x0] =	vst v4  }
0x3d4: {  	v27 =	vor.u32 $0x1E, v53;
	s1 =	sor.u32 s29, s22;
	s8 =	sor.u32 s13, s12;
	s12 =	sor.u32 s25, s14;
	v24 =	vor.u32 $0x1B, v53;
	v20 =	vor.u32 $0x1D, v53;
	[tilespmem:s28+$0x0] =	vst v8;
	v4 =	vld.idx.msk [tilespmem:v7+s15+$0x0], $0xffff  }
0x3d5: {  	s13 =	simm.s32 $0x1B0;
	s5 =	sor.u32 s2, s3;
	s16 =	sor.u32 $0x380, s26;
	v16 =	vor.u32 $0x1F, v53;
	[tilespmem:s8+$0x0] =	vst v9;
	v53 =	vor.u32 $0x1B, v1;
	v7 =	vor.u32 $0x8, v3;
	v0 =	vld.idx.msk [tilespmem:v54+s15+$0x0], $0xffff  }
.LBB2_13:
0x3d6: {  	[tilespmem:$0x1FD50] =	vst v14  }
0x3d7: {  	[tilespmem:$0x1FDE0] =	vst v11  }
0x3d8: {  	v8 =	vld [tilespmem:s13+$0x0];
	s5 =	sor.u32 $0x380, s5;
	[tilespmem:s6+$0x0] =	vst v55  }
0x3d9: {  	v11 =	vmov v51;
	v9 =	vld [tilespmem:s13+$0xFFFFFFF0];
	[tilespmem:s5+$0x10400] =	vst v5  }
0x3da: {  	s14 =	sadd.s32 $0x11D00, s23;
	[tilespmem:$0x1FDB0] =	vst v11;
	v11 =	vld [tilespmem:$0x1FFF0]  }
0x3db: {  	s9 =	sadd.s32 $0x20, s9;
	v5 =	vor.u32 $0x12, v2;
	s22 =	sor.u32 s31, s14;
	[tilespmem:s16+$0x10400] =	vst v6;
	v7 =	vld.idx.msk [tilespmem:v7+s15+$0x0], $0xffff  }
0x3dc: {  	s26 =	sadd.s32 $0x11480, s19;
	v54 =	vor.u32 $0x9, v3;
	s8 =	sadd.s32 $0x10, s9;
	[tilespmem:s22+$0x0] =	vst v56;
	v52 =	vld.idx.msk [tilespmem:v52+s15+$0x0], $0xffff  }
0x3dd: {  	s5 =	sor.u32 s30, s26;
	v42 =	vmov s8;
	v6 =	vld.idx.msk [tilespmem:v53+s15+$0x0], $0xffff;
	[tilespmem:s1+$0x0] =	vst v4  }
0x3de: {  	s6 =	sadd.s32 $0x10C00, s21;
	v4 =	vshll.u32 v42, $0x7;
	[tilespmem:s5+$0x0] =	vst v0;
	v0 =	vor.u32 $0x1C, v1;
	v8 =	vshll.u32 v8, $0x5  }
0x3df: {  	[tilespmem:$0x1FDA0] =	vst v28;
	s5 =	sor.u32 s7, s6;
	v56 =	vld.idx.msk [tilespmem:v39+s15+$0x0], $0xffff;
	v8 =	vand.u32 $0x60, v8;
	v4 =	vor.u32 v11, v4  }
0x3e0: {  	s0 =	sor.u32 s25, s14;
	v10 =	vmov s9;
	s14 =	sadd.s32 $0x11D80, s23;
	v5 =	vld.idx.msk [tilespmem:v5+s15+$0x0], $0xffff;
	v8 =	vor.u32 v4, v8;
	[tilespmem:s5+$0x0] =	vst v7  }
0x3e1: {  	v10 =	vshll.u32 v10, $0x7;
	s16 =	sor.u32 s31, s14;
	[tilespmem:s10+$0x0] =	vst v40;
	v7 =	vor.u32 $0x13, v2;
	v45 =	vld.idx.msk [tilespmem:v54+s15+$0x0], $0xffff  }
0x3e2: {  	v28 =	vor.u32 $0xA, v3;
	v9 =	vshll.u32 v9, $0x5;
	v14 =	vor.u32 v11, v10;
	v11 =	vmovc v33;
	v4 =	vld.idx.msk [tilespmem:v32+s15+$0x0], $0xffff;
	[tilespmem:s16+$0x0] =	vst v6  }
0x3e3: {  	s2 =	smov.u32 s20;
	s20 =	sadd.s32 $0x11500, s19;
	s10 =	sor.u32 s11, s6;
	v9 =	vand.u32 $0x60, v9;
	[tilespmem:$0x1FD80] =	vst v11;
	v0 =	vld.idx.msk [tilespmem:v0+s15+$0x0], $0xffff  }
0x3e4: {  	s22 =	sor.u32 s30, s20;
	v11 =	vor.u32 v14, v9;
	v9 =	vld.idx.msk [tilespmem:v30+s15+$0x0], $0xffff;
	[tilespmem:s10+$0x0] =	vst v52;
	s10 =	sadd.s32 $0x10C80, s21  }
0x3e5: {  	s16 =	sor.u32 s7, s10;
	v60 =	vld.idx.msk [tilespmem:v8+s15+$0x0], $0xffff;
	[tilespmem:s22+$0x0] =	vst v5  }
0x3e6: {  	v13 =	vmov v13;
	s5 =	sor.u32 s29, s20;
	v32 =	vmov v35;
	v35 =	vmov v16;
	s20 =	sadd.s32 $0x11E00, s23;
	v16 =	vld.idx.msk [tilespmem:v7+s15+$0x0], $0xffff;
	[tilespmem:s16+$0x0] =	vst v45  }
0x3e7: {  	s17 =	sadd.s32 $0x1, s17;
	[tilespmem:$0x1FDC0] =	vst v13;
	v42 =	vmov v36;
	v36 =	vmov v23;
	s22 =	sor.u32 s31, s20;
	v23 =	vld.idx.msk [tilespmem:v28+s15+$0x0], $0xffff  }
0x3e8: {  	s28 =	sor.u32 s29, s26;
	s26 =	sand.u32 $0x3, s17;
	[tilespmem:s22+$0x0] =	vst v0;
	v0 =	vld [tilespmem:$0x1FE10]  }
0x3e9: {  	s3 =	sadd.s32 $0x100, s3;
	v13 =	vld.idx.msk [tilespmem:v50+s15+$0x0], $0xffff;
	[tilespmem:s28+$0x0] =	vst v56;
	s28 =	sshll.u32 s26, $0x5;
	v5 =	vor.u32 $0x1D, v1  }
0x3ea: {  	v37 =	vmovc v43;
	v43 =	vmov v26;
	v26 =	vmov v18;
	v18 =	vor.u32 $0x1, v8;
	s1 =	sadd.s32 s28, s3;
	[tilespmem:s12+$0x0] =	vst v4  }
0x3eb: {  	v33 =	vmov v29;
	v29 =	vmov v17;
	s26 =	sand.u32 $0x400, s3;
	s1 =	sor.u32 $0x300, s1;
	v17 =	vld.idx.msk [tilespmem:v11+s15+$0x0], $0xffff  }
0x3ec: {  	v10 =	vmov v12;
	v12 =	vor.u32 $0x1, v11;
	[tilespmem:s24+$0x0] =	vst v9;
	s24 =	sadd.s32 $0x10400, s26;
	[dreg:$0xb] =	wrdreg s1;
	s1 =	sand.u32 $0x70, s8  }
0x3ed: {  	[tilespmem:$0x1FD70] =	vst v19;
	v19 =	vld.idx.msk [tilespmem:v38+s15+$0x0], $0xffff;
	s22 =	sor.u32 s1, s24  }
0x3ee: {  	[dreg:$0x7] =	wrdreg s0;
	s0 =	sand.u32 $0x60, s9;
	v28 =	vmov v24;
	v24 =	vld.idx.msk [tilespmem:v5+s15+$0x0], $0xffff;
	[tilespmem:s22+$0x0] =	vst v60  }
0x3ef: {  	[tilespmem:$0x1FD90] =	vst v20;
	v20 =	vor.u32 $0x14, v2;
	[dreg:$0x5] =	wrdreg s2;
	s2 =	smov.u32 s11;
	s12 =	sor.u32 s0, s24;
	v18 =	vld.idx.msk [tilespmem:v18+s15+$0x0], $0xffff  }
0x3f0: {  	s11 =	sor.u32 s2, s10;
	s28 =	sadd.s32 $0x11580, s19;
	v7 =	vld.idx.msk [tilespmem:v0+s15+$0x0], $0xffff;
	[tilespmem:s12+$0x0] =	vst v17  }
0x3f1: {  	s10 =	sor.u32 s30, s28;
	v12 =	vld.idx.msk [tilespmem:v12+s15+$0x0], $0xffff;
	[tilespmem:s11+$0x0] =	vst v13  }
0x3f2: {  	v45 =	vmov v25;
	v25 =	vor.u32 $0xB, v3;
	[tilespmem:s10+$0x0] =	vst v16;
	v13 =	vld.idx.msk [tilespmem:v49+s15+$0x0], $0xffff  }
0x3f3: {  	[dreg:$0x9] =	wrdreg s8;
	s8 =	sor.u32 s9, s3;
	s24 =	sadd.s32 $0x10D00, s21;
	v16 =	vor.u32 $0x1E, v1;
	[tilespmem:s5+$0x0] =	vst v19;
	v19 =	vld [tilespmem:$0x1FE20]  }
0x3f4: {  	s16 =	sor.u32 $0x380, s8;
	s8 =	sor.u32 s7, s24;
	v17 =	vld.idx.msk [tilespmem:v20+s15+$0x0], $0xffff;
	v20 =	vor.u32 $0x2, v8  }
0x3f5: {  	s6 =	sor.u32 s25, s14;
	s20 =	sor.u32 s25, s20;
	s10 =	sadd.s32 $0x11E80, s23;
	[tilespmem:s8+$0x0] =	vst v23;
	v23 =	vor.u32 $0x15, v2  }
0x3f6: {  	[tilespmem:$0x1FD60] =	vst v10;
	v14 =	vor.u32 $0xA, v11;
	s14 =	sor.u32 s29, s28;
	[dreg:$0xe] =	wrdreg s20;
	v5 =	vld [tilespmem:$0x1FE40];
	s20 =	sor.u32 s31, s10  }
0x3f7: {  	v10 =	vor.u32 $0x2, v11;
	s28 =	sor.u32 s2, s24;
	s24 =	sor.u32 s25, s10;
	s10 =	sadd.s32 $0x11600, s19;
	v49 =	vmov v14;
	v14 =	vld.idx.msk [tilespmem:v25+s15+$0x0], $0xffff;
	[tilespmem:s20+$0x0] =	vst v24  }
0x3f8: {  	s5 =	sor.u32 s30, s10;
	v16 =	vld.idx.msk [tilespmem:v16+s15+$0x0], $0xffff;
	[tilespmem:s22+$0x80] =	vst v18  }
0x3f9: {  	v18 =	vor.u32 $0xC, v3;
	v20 =	vld.idx.msk [tilespmem:v20+s15+$0x0], $0xffff;
	[tilespmem:s5+$0x0] =	vst v17  }
0x3fa: {  	v17 =	vor.u32 $0x1F, v1;
	v1 =	vmovc v2;
	v2 =	vmov v3;
	v3 =	vmov v8;
	v8 =	vld.idx.msk [tilespmem:v23+s15+$0x0], $0xffff  }
0x3fb: {  	s11 =	sadd.s32 $0x10D80, s21;
	v19 =	vld.idx.msk [tilespmem:v19+s15+$0x0], $0xffff;
	[tilespmem:s12+$0x80] =	vst v12  }
0x3fc: {  	s5 =	sor.u32 s7, s11;
	v10 =	vld.idx.msk [tilespmem:v10+s15+$0x0], $0xffff;
	[tilespmem:s28+$0x0] =	vst v13  }
0x3fd: {  	v6 =	vmovc v27;
	v54 =	vmov v31;
	v31 =	vmov v15;
	v15 =	vor.u32 $0xB, v11;
	[tilespmem:s5+$0x0] =	vst v14;
	v13 =	vld.idx.msk [tilespmem:v48+s15+$0x0], $0xffff  }
0x3fe: {  	[tilespmem:$0x1FE00] =	vst v6;
	v6 =	vor.u32 $0x6, v11;
	s20 =	sadd.s32 $0x11F00, s23;
	v48 =	vmov v15;
	v15 =	vld.idx.msk [tilespmem:v18+s15+$0x0], $0xffff  }
0x3ff: {  	[tilespmem:$0x1FD30] =	vst v6;
	s28 =	sor.u32 s2, s11;
	s11 =	sor.u32 s31, s20;
	v18 =	vld [tilespmem:$0x1FE30]  }
0x400: {  	v6 =	vor.u32 $0x7, v11;
	v27 =	vmov v5;
	v5 =	vld [tilespmem:$0x1FE80];
	[tilespmem:s11+$0x0] =	vst v16  }
0x401: {  	[tilespmem:$0x1FDD0] =	vst v6;
	v16 =	vld.idx.msk [tilespmem:v17+s15+$0x0], $0xffff  }
0x402: {  	v4 =	vor.u32 $0xF, v11;
	[tilespmem:s22+$0x100] =	vst v20;
	v20 =	vld [tilespmem:$0x1FE60]  }
0x403: {  	v40 =	vor.u32 $0x3, v11;
	[tilespmem:$0x1FD40] =	vst v4;
	v4 =	vor.u32 $0x10, v11  }
0x404: {  	[tilespmem:$0x1FDF0] =	vst v4  }
0x405: {  	[tilespmem:$0x1FE10] =	vst v27  }
0x406: {  	[tilespmem:s14+$0x0] =	vst v19  }
0x407: {  	v0 =	vmov v5;
	v12 =	vor.u32 $0x3, v3;
	v19 =	vmov v20;
	v18 =	vld.idx.msk [tilespmem:v18+s15+$0x0], $0xffff;
	[tilespmem:s12+$0x100] =	vst v10  }
0x408: {  	[tilespmem:$0x1FE40] =	vst v0;
	v14 =	vor.u32 $0x16, v1;
	v10 =	vld.idx.msk [tilespmem:v40+s15+$0x0], $0xffff  }
0x409: {  	v38 =	vmov v22;
	v22 =	vor.u32 $0x14, v11;
	[tilespmem:s28+$0x0] =	vst v13;
	v13 =	vld [tilespmem:$0x1FE50]  }
0x40a: {  	v0 =	vor.u32 $0x1A, v11;
	s14 =	sadd.s32 $0x11680, s19;
	[tilespmem:$0x1FE30] =	vst v19;
	v19 =	vmov v22  }
0x40b: {  	v62 =	vor.u32 $0x4, v11;
	s8 =	sor.u32 s29, s10;
	[tilespmem:$0x1FE80] =	vst v0;
	v17 =	vor.u32 $0xD, v2;
	s10 =	sor.u32 s30, s14  }
0x40c: {  	v53 =	vor.u32 $0x5, v11;
	v52 =	vor.u32 $0x8, v11;
	v6 =	vor.u32 $0xC, v11;
	v12 =	vld.idx.msk [tilespmem:v12+s15+$0x0], $0xffff;
	[tilespmem:s10+$0x0] =	vst v8  }
0x40d: {  	v55 =	vmovc v34;
	v50 =	vor.u32 $0x9, v11;
	v63 =	vor.u32 $0xD, v11;
	v59 =	vor.u32 $0xE, v11;
	[dreg:$0xd] =	wrdreg s24;
	s24 =	sor.u32 s25, s20;
	s20 =	sadd.s32 $0x10E00, s21;
	v8 =	vld.idx.msk [tilespmem:v14+s15+$0x0], $0xffff;
	[tilespmem:$0x1FE60] =	vst v19;
	v19 =	vmovc v6  }
0x40e: {  	v39 =	vmovc v44;
	v44 =	vmovc v58;
	v51 =	vor.u32 $0x11, v11;
	v58 =	vor.u32 $0x12, v11;
	s11 =	sadd.s32 $0x11F80, s23;
	s10 =	sor.u32 s7, s20;
	v14 =	vor.u32 $0x4, v3;
	[tilespmem:$0x1FE50] =	vst v19;
	v19 =	vld [tilespmem:$0x1FE70]  }
0x40f: {  	v34 =	vmovc v21;
	v30 =	vmovc v41;
	v21 =	vor.u32 $0x13, v11;
	v61 =	vor.u32 $0x17, v11;
	v41 =	vor.u32 $0x19, v11;
	s23 =	sor.u32 s31, s11;
	[tilespmem:s10+$0x0] =	vst v15  }
0x410: {  	v56 =	vor.u32 $0x18, v11;
	v9 =	vor.u32 $0x15, v11;
	v15 =	vor.u32 $0x17, v1;
	v6 =	vld.idx.msk [tilespmem:v17+s15+$0x0], $0xffff;
	[tilespmem:s23+$0x0] =	vst v16;
	s23 =	smov.u32 s19  }
0x411: {  	v4 =	vor.u32 $0x16, v11;
	v60 =	vor.u32 $0x1D, v11;
	v27 =	vor.u32 $0x1E, v11;
	v13 =	vld.idx.msk [tilespmem:v13+s15+$0x0], $0xffff;
	[tilespmem:s8+$0x0] =	vst v18;
	s8 =	sadd.s32 $0x11700, s23  }
0x412: {  	v5 =	vor.u32 $0x1B, v11;
	v0 =	vor.u32 $0x1C, v11;
	v11 =	vor.u32 $0x1F, v11;
	s19 =	smov.u32 s21;
	[tilespmem:s22+$0x180] =	vst v12;
	v40 =	vld.idx.msk [tilespmem:v26+s15+$0x0], $0xffff;
	s10 =	sor.u32 s30, s8  }
0x413: {  	s31 =	smov.u32 s30;
	v16 =	vmovc v11;
	v11 =	vor.u32 $0xE, v2;
	v18 =	vmovc v43;
	v43 =	vmov v19;
	v19 =	vmov v9;
	v9 =	vld.idx.msk [tilespmem:v14+s15+$0x0], $0xffff;
	s30 =	smov.u32 s7;
	[tilespmem:s10+$0x0] =	vst v8;
	s10 =	sadd.s32 $0x10E80, s19  }
0x414: {  	v12 =	vld.idx.msk [tilespmem:v37+s15+$0x0], $0xffff;
	s7 =	smov.u32 s1;
	[tilespmem:s12+$0x180] =	vst v10;
	v14 =	vor.u32 $0x5, v3;
	s1 =	sor.u32 s30, s10  }
0x415: {  	s28 =	sor.u32 s2, s20;
	v8 =	vld.idx.msk [tilespmem:v15+s15+$0x0], $0xffff;
	[tilespmem:s1+$0x0] =	vst v6  }
0x416: {  	v10 =	vld.idx.msk [tilespmem:v62+s15+$0x0], $0xffff;
	[tilespmem:s28+$0x0] =	vst v13;
	s28 =	rddreg [dreg:$0x7]  }
0x417: {  	v13 =	vld.idx.msk [tilespmem:v47+s15+$0x0], $0xffff;
	[tilespmem:s28+$0x0] =	vst v7  }
0x418: {  	v24 =	vmov v45;
	s5 =	sor.u32 s29, s14;
	v6 =	vor.u32 $0x18, v1;
	v11 =	vld.idx.msk [tilespmem:v11+s15+$0x0], $0xffff;
	[tilespmem:s22+$0x200] =	vst v9  }
0x419: {  	s20 =	sor.u32 s25, s11;
	s11 =	smov.u32 s0;
	s0 =	sadd.s32 $0x11780, s23;
	v26 =	vmovc v29;
	v29 =	vmov v36;
	v36 =	vmov v57;
	v57 =	vmov v4;
	[tilespmem:s5+$0x0] =	vst v12;
	v4 =	vld.idx.msk [tilespmem:v14+s15+$0x0], $0xffff  }
0x41a: {  	[tilespmem:$0x1FE20] =	vst v24;
	s5 =	sor.u32 s31, s0;
	v7 =	vld.idx.msk [tilespmem:v33+s15+$0x0], $0xffff  }
0x41b: {  	v24 =	vmov v5;
	v5 =	vor.u32 $0xF, v2;
	s25 =	smov.u32 s29;
	s29 =	smov.u32 s2;
	s2 =	sadd.s32 $0x10F00, s19;
	v9 =	vld.idx.msk [tilespmem:v42+s15+$0x0], $0xffff;
	[tilespmem:s5+$0x0] =	vst v8  }
0x41c: {  	[tilespmem:s12+$0x200] =	vst v10;
	s5 =	sor.u32 s30, s2  }
0x41d: {  	s21 =	smov.u32 s26;
	s26 =	sor.u32 s29, s10;
	v6 =	vld.idx.msk [tilespmem:v6+s15+$0x0], $0xffff;
	[tilespmem:s5+$0x0] =	vst v11  }
0x41e: {  	v8 =	vld.idx.msk [tilespmem:v53+s15+$0x0], $0xffff;
	[tilespmem:s26+$0x0] =	vst v13  }
0x41f: {  	s14 =	sor.u32 s25, s8;
	v12 =	vld.idx.msk [tilespmem:v46+s15+$0x0], $0xffff;
	[tilespmem:s6+$0x0] =	vst v7  }
0x420: {  	v5 =	vld.idx.msk [tilespmem:v5+s15+$0x0], $0xffff;
	[tilespmem:s14+$0x0] =	vst v9  }
0x421: {  	v7 =	vld.idx.msk [tilespmem:v31+s15+$0x0], $0xffff  }
0x422: {  	[tilespmem:s22+$0x280] =	vst v4;
	v4 =	vld.idx.msk [tilespmem:v32+s15+$0x0], $0xffff  }
0x423: {  	[tilespmem:s12+$0x280] =	vst v8;
	v8 =	vld [tilespmem:$0x1FD30]  }
0x424: {  	v10 =	vor.u32 $0x6, v3  }
0x425: {  	v11 =	vor.u32 $0x19, v1;
	_ =	sdelay $0x1  }
0x426: {  	s14 =	sadd.s32 $0x11C00, s23  }
0x427: {  	s5 =	sor.u32 s31, s14  }
0x428: {  	v9 =	vld.idx.msk [tilespmem:v10+s15+$0x0], $0xffff;
	[tilespmem:s5+$0x0] =	vst v6  }
0x429: {  	s8 =	sor.u32 s29, s2;
	v6 =	vld.idx.msk [tilespmem:v11+s15+$0x0], $0xffff  }
0x42a: {  	s2 =	rddreg [dreg:$0xe];
	v8 =	vld.idx.msk [tilespmem:v8+s15+$0x0], $0xffff;
	[tilespmem:s8+$0x0] =	vst v12  }
0x42b: {  	s1 =	sor.u32 s25, s0;
	v11 =	vld.idx.msk [tilespmem:v39+s15+$0x0], $0xffff;
	[tilespmem:s2+$0x0] =	vst v7  }
0x42c: {  	[tilespmem:s1+$0x0] =	vst v4;
	v4 =	vld [tilespmem:$0x1FD50];
	_ =	sdelay $0x7  }
0x42d: {  	v13 =	vld.idx.msk [tilespmem:v4+s15+$0x0], $0xffff  }
0x42e: {  	v4 =	vld [tilespmem:$0x1FD70];
	_ =	sdelay $0x4  }
0x42f: {  	v14 =	vmov v4;
	v4 =	vld [tilespmem:$0x1FD90];
	_ =	sdelay $0x4  }
0x430: {  	[tilespmem:$0x1FE70] =	vst v19;
	v19 =	vmov v4;
	v4 =	vld [tilespmem:$0x1FDA0];
	_ =	sdelay $0x3  }
0x431: {  	s4 =	sadd.s32 $0x2, s4;
	s26 =	sadd.s32 $0x10F80, s19  }
0x432: {  	v22 =	vmovc v0;
	v0 =	vor.u32 $0x10, v2;
	v15 =	vmov v34;
	s22 =	sand.u32 $0x7, s4;
	s12 =	sor.u32 s30, s26;
	v34 =	vmov v4;
	v4 =	vld [tilespmem:$0x1FDD0]  }
0x433: {  	v10 =	vor.u32 $0x7, v3;
	s5 =	sshll.u32 s22, $0x4;
	[tilespmem:s12+$0x0] =	vst v5;
	v5 =	vld [tilespmem:$0x1FD40]  }
0x434: {  	s5 =	sadd.s32 s3, s5  }
0x435: {  	s5 =	sadd.s32 $0x10, s5  }
0x436: {  	s5 =	sor.u32 $0x300, s5  }
0x437: {  	v0 =	vld.idx.msk [tilespmem:v0+s15+$0x0], $0xffff;
	[tilespmem:s5+$0x10400] =	vst v9;
	v12 =	vor.u32 $0x1A, v1  }
0x438: {  	v25 =	vmovc v21;
	v21 =	vmov v38;
	v38 =	vmov v44;
	s6 =	sor.u32 s25, s14;
	s14 =	rddreg [dreg:$0xb];
	v44 =	vmov v5;
	v5 =	vld.idx.msk [tilespmem:v10+s15+$0x0], $0xffff;
	s8 =	sadd.s32 $0x11C80, s23  }
0x439: {  	s1 =	sor.u32 s31, s8;
	v55 =	vld.idx.msk [tilespmem:v55+s15+$0x0], $0xffff;
	[tilespmem:s14+$0x10400] =	vst v8  }
0x43a: {  	[tilespmem:s1+$0x0] =	vst v6;
	v6 =	vld.idx.msk [tilespmem:v4+s15+$0x0], $0xffff  }
0x43b: {  	s22 =	sadd.s32 $0x11400, s19;
	v4 =	vld [tilespmem:$0x1FDE0]  }
0x43c: {  	v23 =	vmov v28;
	v28 =	vmov v56;
	s5 =	sor.u32 s30, s22;
	v56 =	vld.idx.msk [tilespmem:v12+s15+$0x0], $0xffff  }
0x43d: {  	v9 =	vor.u32 $0x11, v2;
	[tilespmem:s5+$0x0] =	vst v0;
	v0 =	vld [tilespmem:$0x1FDF0]  }
0x43e: {  	s18 =	sadd.s32 $0x2, s18;
	v33 =	vmov v30;
	v30 =	vld [tilespmem:$0x1FD60]  }
0x43f: {  	p0 =	slt.u32 s18, $0xE;
	v32 =	vld [tilespmem:$0x1FD80]  }
.Ltmp5:
0x440: {  	v39 =	vld [tilespmem:$0x1FDB0];
	(pc) =	sbr.rel @p0 .LBB2_13-.Ltmp5, $4  }
0x441: {  	s10 =	rddreg [dreg:$0x5];
	s28 =	sor.u32 s29, s26;
	v12 =	vld [tilespmem:$0x1FDC0]  }
0x442: {  	s26 =	rddreg [dreg:$0x9];
	[tilespmem:s28+$0x0] =	vst v11;
	v11 =	vmov v0;
	v0 =	vld.idx.msk [tilespmem:v9+s15+$0x0], $0xffff  }
0x443: {  	s13 =	sadd.s32 $0x20, s13;
	v20 =	vmov v60;
	v17 =	vmov v35;
	v35 =	vmov v54;
	s28 =	rddreg [dreg:$0xd];
	v4 =	vld.idx.msk [tilespmem:v4+s15+$0x0], $0xffff  }
0x444: {  	v47 =	vmovc v63;
	v53 =	vor.u32 $0x1B, v1;
	v46 =	vmovc v59;
	v31 =	vmov v61;
	s12 =	sor.u32 s25, s8;
	v7 =	vor.u32 $0x8, v3;
	s1 =	sor.u32 s29, s22;
	s5 =	sor.u32 s26, s3;
	[tilespmem:s28+$0x0] =	vst v13;
	v13 =	vld [tilespmem:$0x1FE00]  }
0x445: {  	_ =	sdelay $0x2  }
0x446: {  	s3 =	sor.u32 $0x380, s5;
	[tilespmem:s16+$0x10400] =	vst v6  }
0x447: {  	[tilespmem:s3+$0x10400] =	vst v5;
	v37 =	vld.idx.msk [tilespmem:v52+s15+$0x0], $0xffff  }
0x448: {  	v5 =	vld.idx.msk [tilespmem:v7+s15+$0x0], $0xffff  }
0x449: {  	v10 =	vor.u32 $0x9, v3  }
0x44a: {  	s14 =	sadd.s32 $0x10C00, s21  }
0x44b: {  	s3 =	sor.u32 s11, s14  }
0x44c: {  	s4 =	sor.u32 s7, s14;
	[tilespmem:s3+$0x0] =	vst v37  }
0x44d: {  	[tilespmem:s4+$0x0] =	vst v5;
	v7 =	vld.idx.msk [tilespmem:v50+s15+$0x0], $0xffff  }
0x44e: {  	v5 =	vld.idx.msk [tilespmem:v10+s15+$0x0], $0xffff  }
0x44f: {  	v42 =	vor.u32 $0xA, v3  }
0x450: {  	s16 =	sadd.s32 $0x10C80, s21  }
0x451: {  	s3 =	sor.u32 s11, s16  }
0x452: {  	s17 =	sor.u32 s7, s16;
	[tilespmem:s3+$0x0] =	vst v7  }
0x453: {  	[tilespmem:s17+$0x0] =	vst v5;
	v7 =	vld.idx.msk [tilespmem:v49+s15+$0x0], $0xffff  }
0x454: {  	v5 =	vld.idx.msk [tilespmem:v42+s15+$0x0], $0xffff  }
0x455: {  	v45 =	vor.u32 $0xB, v3  }
0x456: {  	s18 =	sadd.s32 $0x10D00, s21  }
0x457: {  	s3 =	sor.u32 s11, s18  }
0x458: {  	s22 =	sor.u32 s7, s18;
	[tilespmem:s3+$0x0] =	vst v7  }
0x459: {  	[tilespmem:s22+$0x0] =	vst v5;
	v7 =	vld.idx.msk [tilespmem:v48+s15+$0x0], $0xffff  }
0x45a: {  	v5 =	vld.idx.msk [tilespmem:v45+s15+$0x0], $0xffff;
	_ =	sdelay $0x1  }
0x45b: {  	s26 =	sadd.s32 $0x10D80, s21;
	v49 =	vor.u32 $0xC, v3  }
0x45c: {  	s3 =	sor.u32 s11, s26  }
0x45d: {  	s28 =	sor.u32 s7, s26;
	[tilespmem:s3+$0x0] =	vst v7  }
0x45e: {  	[tilespmem:s28+$0x0] =	vst v5  }
0x45f: {  	v7 =	vld [tilespmem:$0x1FE50]  }
0x460: {  	v5 =	vld.idx.msk [tilespmem:v49+s15+$0x0], $0xffff  }
0x461: {  	v50 =	vor.u32 $0xD, v3;
	_ =	sdelay $0x1  }
0x462: {  	s0 =	sadd.s32 $0x10E00, s21  }
0x463: {  	s2 =	sor.u32 s7, s0  }
0x464: {  	[tilespmem:s2+$0x0] =	vst v5  }
0x465: {  	v5 =	vld.idx.msk [tilespmem:v50+s15+$0x0], $0xffff  }
0x466: {  	v52 =	vor.u32 $0xE, v3;
	v7 =	vld.idx.msk [tilespmem:v7+s15+$0x0], $0xffff;
	_ =	sdelay $0x1  }
0x467: {  	s5 =	sadd.s32 $0x10E80, s21  }
0x468: {  	s8 =	sor.u32 s7, s5  }
0x469: {  	s3 =	sor.u32 s11, s0;
	[tilespmem:s8+$0x0] =	vst v5  }
0x46a: {  	v5 =	vld.idx.msk [tilespmem:v52+s15+$0x0], $0xffff;
	[tilespmem:s3+$0x0] =	vst v7  }
0x46b: {  	v54 =	vor.u32 $0xF, v3;
	v7 =	vld.idx.msk [tilespmem:v47+s15+$0x0], $0xffff;
	_ =	sdelay $0x1  }
0x46c: {  	s9 =	sadd.s32 $0x10F00, s21  }
0x46d: {  	s13 =	sor.u32 s7, s9  }
0x46e: {  	s3 =	sor.u32 s11, s5;
	[tilespmem:s13+$0x0] =	vst v5  }
0x46f: {  	v5 =	vld.idx.msk [tilespmem:v54+s15+$0x0], $0xffff;
	[tilespmem:s3+$0x0] =	vst v7  }
0x470: {  	v59 =	vor.u32 $0x10, v3;
	v7 =	vld.idx.msk [tilespmem:v46+s15+$0x0], $0xffff;
	_ =	sdelay $0x1  }
0x471: {  	s14 =	sadd.s32 $0x10F80, s21  }
0x472: {  	s16 =	sor.u32 s7, s14  }
0x473: {  	s3 =	sor.u32 s11, s9;
	[tilespmem:s16+$0x0] =	vst v5  }
0x474: {  	v5 =	vld.idx.msk [tilespmem:v59+s15+$0x0], $0xffff;
	[tilespmem:s3+$0x0] =	vst v7  }
0x475: {  	v60 =	vor.u32 $0x11, v3;
	v7 =	vld.idx.msk [tilespmem:v44+s15+$0x0], $0xffff;
	_ =	sdelay $0x1  }
0x476: {  	s17 =	sadd.s32 $0x11400, s21  }
0x477: {  	s18 =	sor.u32 s7, s17;
	[tilespmem:s1+$0x0] =	vst v4  }
0x478: {  	v8 =	vor.u32 $0x12, v2;
	v62 =	vld.idx.msk [tilespmem:v39+s15+$0x0], $0xffff;
	s3 =	sor.u32 s11, s14;
	[tilespmem:s18+$0x0] =	vst v5  }
0x479: {  	v61 =	vld.idx.msk [tilespmem:v60+s15+$0x0], $0xffff;
	[tilespmem:s3+$0x0] =	vst v7  }
0x47a: {  	v63 =	vor.u32 $0x12, v3;
	s26 =	sadd.s32 $0x11480, s19;
	v7 =	vld.idx.msk [tilespmem:v11+s15+$0x0], $0xffff  }
0x47b: {  	s28 =	sor.u32 s30, s26  }
0x47c: {  	s0 =	sadd.s32 $0x11480, s21;
	[tilespmem:s28+$0x0] =	vst v0;
	s3 =	sor.u32 s29, s26  }
0x47d: {  	v0 =	vld.idx.msk [tilespmem:v8+s15+$0x0], $0xffff;
	s2 =	sor.u32 s7, s0;
	[tilespmem:s3+$0x0] =	vst v62  }
0x47e: {  	s22 =	sor.u32 s11, s17;
	v5 =	vld.idx.msk [tilespmem:v38+s15+$0x0], $0xffff;
	[tilespmem:s2+$0x0] =	vst v61  }
0x47f: {  	v4 =	vld.idx.msk [tilespmem:v63+s15+$0x0], $0xffff;
	[tilespmem:s22+$0x0] =	vst v7  }
0x480: {  	s5 =	sadd.s32 $0x11500, s19;
	v7 =	vld.idx.msk [tilespmem:v51+s15+$0x0], $0xffff  }
0x481: {  	s8 =	sor.u32 s30, s5  }
0x482: {  	[tilespmem:s8+$0x0] =	vst v0;
	s9 =	sadd.s32 $0x11500, s21;
	s3 =	sor.u32 s29, s5  }
0x483: {  	s13 =	sor.u32 s7, s9;
	[tilespmem:s3+$0x0] =	vst v5  }
0x484: {  	s1 =	sor.u32 s11, s0;
	[tilespmem:s13+$0x0] =	vst v4  }
0x485: {  	[tilespmem:s1+$0x0] =	vst v7  }
0x486: {  	v5 =	vld [tilespmem:$0x1FE20]  }
0x487: {  	v37 =	vor.u32 $0x13, v2  }
0x488: {  	v38 =	vor.u32 $0x13, v3  }
0x489: {  	v7 =	vld.idx.msk [tilespmem:v58+s15+$0x0], $0xffff;
	_ =	sdelay $0x2  }
0x48a: {  	v0 =	vld.idx.msk [tilespmem:v37+s15+$0x0], $0xffff  }
0x48b: {  	v4 =	vld.idx.msk [tilespmem:v38+s15+$0x0], $0xffff;
	s1 =	sor.u32 s11, s9  }
0x48c: {  	[tilespmem:s1+$0x0] =	vst v7;
	v5 =	vld.idx.msk [tilespmem:v5+s15+$0x0], $0xffff  }
0x48d: {  	s14 =	sadd.s32 $0x11580, s19;
	v7 =	vld.idx.msk [tilespmem:v25+s15+$0x0], $0xffff  }
0x48e: {  	s17 =	sadd.s32 $0x11580, s21;
	s16 =	sor.u32 s30, s14  }
0x48f: {  	s18 =	sor.u32 s7, s17;
	[tilespmem:s16+$0x0] =	vst v0  }
0x490: {  	s3 =	sor.u32 s29, s14;
	[tilespmem:s18+$0x0] =	vst v4  }
0x491: {  	s1 =	sor.u32 s11, s17;
	[tilespmem:s3+$0x0] =	vst v5  }
0x492: {  	v5 =	vld [tilespmem:$0x1FE30];
	[tilespmem:s1+$0x0] =	vst v7  }
0x493: {  	v39 =	vor.u32 $0x14, v2;
	v7 =	vld [tilespmem:$0x1FE60]  }
0x494: {  	v42 =	vor.u32 $0x14, v3;
	_ =	sdelay $0x3  }
0x495: {  	v0 =	vld.idx.msk [tilespmem:v39+s15+$0x0], $0xffff  }
0x496: {  	v4 =	vld.idx.msk [tilespmem:v42+s15+$0x0], $0xffff  }
0x497: {  	v5 =	vld.idx.msk [tilespmem:v5+s15+$0x0], $0xffff  }
0x498: {  	s22 =	sadd.s32 $0x11600, s19;
	v7 =	vld.idx.msk [tilespmem:v7+s15+$0x0], $0xffff  }
0x499: {  	s28 =	sadd.s32 $0x11600, s21;
	s26 =	sor.u32 s30, s22  }
0x49a: {  	s0 =	sor.u32 s7, s28;
	[tilespmem:s26+$0x0] =	vst v0  }
0x49b: {  	s3 =	sor.u32 s29, s22;
	[tilespmem:s0+$0x0] =	vst v4  }
0x49c: {  	v44 =	vor.u32 $0x15, v2;
	s1 =	sor.u32 s11, s28;
	[tilespmem:s3+$0x0] =	vst v5  }
0x49d: {  	v45 =	vor.u32 $0x15, v3;
	[tilespmem:s1+$0x0] =	vst v7  }
0x49e: {  	v7 =	vld [tilespmem:$0x1FE70];
	_ =	sdelay $0x2  }
0x49f: {  	v0 =	vld.idx.msk [tilespmem:v44+s15+$0x0], $0xffff  }
0x4a0: {  	v46 =	vor.u32 $0x16, v2;
	v4 =	vld.idx.msk [tilespmem:v45+s15+$0x0], $0xffff  }
0x4a1: {  	v47 =	vor.u32 $0x16, v3  }
0x4a2: {  	s2 =	sadd.s32 $0x11680, s19  }
0x4a3: {  	s5 =	sadd.s32 $0x11680, s21;
	s4 =	sor.u32 s30, s2;
	v5 =	vld.idx.msk [tilespmem:v43+s15+$0x0], $0xffff  }
0x4a4: {  	s8 =	sor.u32 s7, s5;
	[tilespmem:s4+$0x0] =	vst v0;
	v7 =	vld.idx.msk [tilespmem:v7+s15+$0x0], $0xffff  }
0x4a5: {  	[tilespmem:s8+$0x0] =	vst v4;
	v0 =	vld.idx.msk [tilespmem:v46+s15+$0x0], $0xffff  }
0x4a6: {  	v48 =	vor.u32 $0x17, v2;
	v4 =	vld.idx.msk [tilespmem:v47+s15+$0x0], $0xffff  }
0x4a7: {  	v49 =	vor.u32 $0x17, v3;
	s3 =	sor.u32 s29, s2  }
0x4a8: {  	s9 =	sadd.s32 $0x11700, s19;
	s1 =	sor.u32 s11, s5;
	[tilespmem:s3+$0x0] =	vst v5  }
0x4a9: {  	s14 =	sadd.s32 $0x11700, s21;
	s13 =	sor.u32 s30, s9;
	v5 =	vld.idx.msk [tilespmem:v36+s15+$0x0], $0xffff;
	[tilespmem:s1+$0x0] =	vst v7  }
0x4aa: {  	s16 =	sor.u32 s7, s14;
	[tilespmem:s13+$0x0] =	vst v0;
	v7 =	vld.idx.msk [tilespmem:v57+s15+$0x0], $0xffff  }
0x4ab: {  	[tilespmem:s16+$0x0] =	vst v4;
	v0 =	vld.idx.msk [tilespmem:v48+s15+$0x0], $0xffff  }
0x4ac: {  	v50 =	vor.u32 $0x18, v2;
	v51 =	vld.idx.msk [tilespmem:v49+s15+$0x0], $0xffff  }
0x4ad: {  	v54 =	vor.u32 $0x18, v3;
	[tilespmem:s6+$0x0] =	vst v55;
	s3 =	sor.u32 s29, s9  }
0x4ae: {  	s17 =	sadd.s32 $0x11780, s19;
	[tilespmem:s3+$0x0] =	vst v5;
	s1 =	sor.u32 s11, s14  }
0x4af: {  	s18 =	sor.u32 s30, s17;
	s22 =	sadd.s32 $0x11780, s21;
	v52 =	vld.idx.msk [tilespmem:v35+s15+$0x0], $0xffff;
	[tilespmem:s1+$0x0] =	vst v7  }
0x4b0: {  	s28 =	sadd.s32 $0x11D00, s23;
	s26 =	sor.u32 s7, s22;
	[tilespmem:s18+$0x0] =	vst v0;
	v7 =	vld.idx.msk [tilespmem:v31+s15+$0x0], $0xffff  }
0x4b1: {  	s0 =	sor.u32 s31, s28;
	[tilespmem:s26+$0x0] =	vst v51;
	v0 =	vld.idx.msk [tilespmem:v50+s15+$0x0], $0xffff  }
0x4b2: {  	v55 =	vor.u32 $0x19, v2;
	[tilespmem:s0+$0x0] =	vst v56;
	v5 =	vld.idx.msk [tilespmem:v54+s15+$0x0], $0xffff  }
0x4b3: {  	[tilespmem:s10+$0x0] =	vst v40;
	v59 =	vld.idx.msk [tilespmem:v32+s15+$0x0], $0xffff;
	s3 =	sor.u32 s29, s17;
	v57 =	vor.u32 $0x19, v3  }
0x4b4: {  	s2 =	sadd.s32 $0x11C00, s19;
	v9 =	vld.idx.msk [tilespmem:v53+s15+$0x0], $0xffff;
	[tilespmem:s3+$0x0] =	vst v52;
	s1 =	sor.u32 s11, s22  }
0x4b5: {  	s5 =	sor.u32 s30, s2;
	s6 =	sadd.s32 $0x11C00, s21;
	v6 =	vld.idx.msk [tilespmem:v34+s15+$0x0], $0xffff;
	[tilespmem:s1+$0x0] =	vst v7  }
0x4b6: {  	s8 =	sor.u32 s7, s6;
	[tilespmem:s5+$0x0] =	vst v0;
	v58 =	vld.idx.msk [tilespmem:v28+s15+$0x0], $0xffff  }
0x4b7: {  	[tilespmem:s8+$0x0] =	vst v5;
	s5 =	sadd.s32 $0x11D80, s23;
	v0 =	vld.idx.msk [tilespmem:v55+s15+$0x0], $0xffff  }
0x4b8: {  	[tilespmem:s12+$0x0] =	vst v59;
	v5 =	vld.idx.msk [tilespmem:v57+s15+$0x0], $0xffff;
	s10 =	sor.u32 s31, s5  }
0x4b9: {  	[tilespmem:s10+$0x0] =	vst v9;
	s1 =	sor.u32 s29, s2  }
0x4ba: {  	s9 =	sor.u32 s11, s6;
	s13 =	sadd.s32 $0x11C80, s19;
	[tilespmem:s1+$0x0] =	vst v6  }
0x4bb: {  	s16 =	sadd.s32 $0x11C80, s21;
	s14 =	sor.u32 s30, s13;
	v6 =	vld.idx.msk [tilespmem:v33+s15+$0x0], $0xffff;
	[tilespmem:s9+$0x0] =	vst v58  }
0x4bc: {  	v10 =	vor.u32 $0x1A, v2;
	s17 =	sor.u32 s7, s16;
	[tilespmem:s14+$0x0] =	vst v0;
	v8 =	vld.idx.msk [tilespmem:v41+s15+$0x0], $0xffff  }
0x4bd: {  	v61 =	vld.idx.msk [tilespmem:v30+s15+$0x0], $0xffff;
	[tilespmem:s17+$0x0] =	vst v5  }
0x4be: {  	v5 =	vld [tilespmem:$0x1FE10]  }
0x4bf: {  	s1 =	sor.u32 s29, s13  }
0x4c0: {  	s18 =	sor.u32 s11, s16;
	[tilespmem:s1+$0x0] =	vst v6  }
0x4c1: {  	v63 =	vld.idx.msk [tilespmem:v10+s15+$0x0], $0xffff;
	[tilespmem:s18+$0x0] =	vst v8  }
0x4c2: {  	v60 =	vor.u32 $0x1A, v3;
	v30 =	vld [tilespmem:$0x1FE40];
	[tilespmem:s24+$0x0] =	vst v61  }
0x4c3: {  	v62 =	vor.u32 $0x1C, v1;
	v9 =	vld [tilespmem:$0x1FE80]  }
0x4c4: {  	v25 =	vor.u32 $0x1B, v2;
	_ =	sdelay $0x1  }
0x4c5: {  	s22 =	sadd.s32 $0x11D00, s19;
	v5 =	vld.idx.msk [tilespmem:v5+s15+$0x0], $0xffff  }
0x4c6: {  	s26 =	sor.u32 s30, s22;
	v28 =	vld.idx.msk [tilespmem:v60+s15+$0x0], $0xffff  }
0x4c7: {  	v31 =	vor.u32 $0x1B, v3;
	v0 =	vld.idx.msk [tilespmem:v62+s15+$0x0], $0xffff;
	[tilespmem:s26+$0x0] =	vst v63  }
0x4c8: {  	v33 =	vld.idx.msk [tilespmem:v25+s15+$0x0], $0xffff  }
0x4c9: {  	s4 =	sor.u32 s25, s28;
	s28 =	sadd.s32 $0x11D00, s21;
	v35 =	vor.u32 $0x1C, v2;
	v7 =	vld.idx.msk [tilespmem:v30+s15+$0x0], $0xffff  }
0x4ca: {  	s0 =	sor.u32 s7, s28;
	s2 =	sadd.s32 $0x11E00, s23;
	[tilespmem:s4+$0x0] =	vst v5;
	v9 =	vld.idx.msk [tilespmem:v9+s15+$0x0], $0xffff  }
0x4cb: {  	s8 =	sor.u32 s31, s2;
	s9 =	sadd.s32 $0x11D80, s19;
	[tilespmem:s0+$0x0] =	vst v28;
	v34 =	vld.idx.msk [tilespmem:v29+s15+$0x0], $0xffff  }
0x4cc: {  	s10 =	sor.u32 s30, s9;
	[tilespmem:s8+$0x0] =	vst v0;
	v6 =	vld.idx.msk [tilespmem:v31+s15+$0x0], $0xffff  }
0x4cd: {  	v36 =	vor.u32 $0x1C, v3;
	s1 =	sor.u32 s29, s22;
	v59 =	vld.idx.msk [tilespmem:v18+s15+$0x0], $0xffff;
	[tilespmem:s10+$0x0] =	vst v33  }
0x4ce: {  	v32 =	vor.u32 $0x1D, v1;
	s6 =	sor.u32 s11, s28;
	v39 =	vld.idx.msk [tilespmem:v35+s15+$0x0], $0xffff;
	[tilespmem:s1+$0x0] =	vst v7  }
0x4cf: {  	v40 =	vor.u32 $0x1D, v2;
	s12 =	sadd.s32 $0x11D80, s21;
	s5 =	sor.u32 s25, s5;
	[tilespmem:s6+$0x0] =	vst v9;
	v7 =	vld.idx.msk [tilespmem:v23+s15+$0x0], $0xffff  }
0x4d0: {  	s13 =	sor.u32 s7, s12;
	[tilespmem:s5+$0x0] =	vst v34;
	v37 =	vld.idx.msk [tilespmem:v24+s15+$0x0], $0xffff  }
0x4d1: {  	s18 =	sadd.s32 $0x11E00, s19;
	[tilespmem:s13+$0x0] =	vst v6;
	v10 =	vld.idx.msk [tilespmem:v15+s15+$0x0], $0xffff  }
0x4d2: {  	s22 =	sor.u32 s30, s18;
	[tilespmem:s20+$0x0] =	vst v59;
	v6 =	vld.idx.msk [tilespmem:v36+s15+$0x0], $0xffff  }
0x4d3: {  	v42 =	vor.u32 $0x1D, v3;
	v4 =	vld.idx.msk [tilespmem:v32+s15+$0x0], $0xffff;
	s1 =	sor.u32 s29, s9;
	[tilespmem:s22+$0x0] =	vst v39  }
0x4d4: {  	v38 =	vor.u32 $0x1E, v1;
	s16 =	sor.u32 s11, s12;
	v45 =	vld.idx.msk [tilespmem:v40+s15+$0x0], $0xffff;
	[tilespmem:s1+$0x0] =	vst v7  }
0x4d5: {  	v47 =	vor.u32 $0x1E, v2;
	s24 =	sadd.s32 $0x11E00, s21;
	s4 =	sor.u32 s25, s2;
	[tilespmem:s16+$0x0] =	vst v37;
	v41 =	vld.idx.msk [tilespmem:v21+s15+$0x0], $0xffff  }
0x4d6: {  	s14 =	sadd.s32 $0x11E80, s23;
	s26 =	sor.u32 s7, s24;
	[tilespmem:s4+$0x0] =	vst v10;
	v43 =	vld.idx.msk [tilespmem:v22+s15+$0x0], $0xffff  }
0x4d7: {  	s17 =	sor.u32 s31, s14;
	[tilespmem:s26+$0x0] =	vst v6;
	s6 =	sadd.s32 $0x11E80, s19;
	v46 =	vld.idx.msk [tilespmem:v14+s15+$0x0], $0xffff  }
0x4d8: {  	[tilespmem:s17+$0x0] =	vst v4;
	v48 =	vld.idx.msk [tilespmem:v42+s15+$0x0], $0xffff;
	s8 =	sor.u32 s30, s6  }
0x4d9: {  	v50 =	vor.u32 $0x1E, v3;
	v5 =	vld.idx.msk [tilespmem:v38+s15+$0x0], $0xffff;
	s1 =	sor.u32 s29, s18;
	[tilespmem:s8+$0x0] =	vst v45  }
0x4da: {  	v44 =	vor.u32 $0x1F, v1;
	s0 =	sor.u32 s11, s24;
	v52 =	vld.idx.msk [tilespmem:v47+s15+$0x0], $0xffff;
	[tilespmem:s1+$0x0] =	vst v41  }
0x4db: {  	v54 =	vor.u32 $0x1F, v2;
	s5 =	sor.u32 s25, s14;
	s9 =	sadd.s32 $0x11E80, s21;
	[tilespmem:s0+$0x0] =	vst v43;
	v49 =	vld.idx.msk [tilespmem:v19+s15+$0x0], $0xffff  }
0x4dc: {  	s28 =	sadd.s32 $0x11F00, s23;
	s10 =	sor.u32 s7, s9;
	[tilespmem:s5+$0x0] =	vst v46;
	v51 =	vld.idx.msk [tilespmem:v20+s15+$0x0], $0xffff  }
0x4dd: {  	s2 =	sor.u32 s31, s28;
	s14 =	sadd.s32 $0x11F00, s19;
	[tilespmem:s10+$0x0] =	vst v48;
	v53 =	vld.idx.msk [tilespmem:v12+s15+$0x0], $0xffff  }
0x4de: {  	[tilespmem:s2+$0x0] =	vst v5;
	v55 =	vld.idx.msk [tilespmem:v50+s15+$0x0], $0xffff;
	s16 =	sor.u32 s30, s14  }
0x4df: {  	v57 =	vor.u32 $0x1F, v3;
	v1 =	vld.idx.msk [tilespmem:v44+s15+$0x0], $0xffff;
	s1 =	sor.u32 s29, s6;
	[tilespmem:s16+$0x0] =	vst v52  }
0x4e0: {  	s3 =	sor.u32 s11, s9;
	v60 =	vld.idx.msk [tilespmem:v54+s15+$0x0], $0xffff;
	[tilespmem:s1+$0x0] =	vst v49  }
0x4e1: {  	s17 =	sadd.s32 $0x11F00, s21;
	s4 =	sor.u32 s25, s28;
	[tilespmem:s3+$0x0] =	vst v51;
	v56 =	vld.idx.msk [tilespmem:v13+s15+$0x0], $0xffff  }
0x4e2: {  	s12 =	sadd.s32 $0x11F80, s23;
	s18 =	sor.u32 s7, s17;
	[tilespmem:s4+$0x0] =	vst v53;
	v58 =	vld.idx.msk [tilespmem:v27+s15+$0x0], $0xffff  }
0x4e3: {  	s13 =	sor.u32 s31, s12;
	s2 =	sadd.s32 $0x11F80, s19;
	[tilespmem:s18+$0x0] =	vst v55;
	v61 =	vld.idx.msk [tilespmem:v26+s15+$0x0], $0xffff  }
0x4e4: {  	s23 =	sor.u32 s30, s2;
	[tilespmem:s13+$0x0] =	vst v1;
	v3 =	vld.idx.msk [tilespmem:v57+s15+$0x0], $0xffff  }
0x4e5: {  	[tilespmem:s23+$0x0] =	vst v60;
	s3 =	sor.u32 s29, s14  }
0x4e6: {  	s22 =	sor.u32 s11, s17;
	[tilespmem:s3+$0x0] =	vst v56  }
0x4e7: {  	s0 =	sadd.s32 $0x11F80, s21;
	s1 =	sor.u32 s25, s12;
	[tilespmem:s22+$0x0] =	vst v58;
	v62 =	vld.idx.msk [tilespmem:v17+s15+$0x0], $0xffff  }
0x4e8: {  	s24 =	sor.u32 s7, s0;
	[tilespmem:s1+$0x0] =	vst v61;
	v63 =	vld.idx.msk [tilespmem:v16+s15+$0x0], $0xffff  }
0x4e9: {  	s3 =	rddreg [dreg:$0x16];
	[tilespmem:s24+$0x0] =	vst v3  }
0x4ea: {  	s2 =	sor.u32 s29, s2;
	s3 =	sshll.u32 s3, $0x13;
	s1 =	rddreg [dreg:$0x15]  }
0x4eb: {  	s28 =	simm.s32 $0x800;
	s30 =	simm.s32 $0x10400;
	s1 =	sor.u32 s3, s1  }
0x4ec: {  	s0 =	sor.u32 s11, s0;
	s25 =	rddreg [dreg:$0x2];
	s1 =	sshrl.u32 s1, $0x3;
	[tilespmem:s2+$0x0] =	vst v62  }
0x4ed: {  	s29 =	simm.s32 $0x20000;
	s3 =	simm.s32 $0x3;
	s26 =	sadd.s32 s25, s1;
	[tilespmem:s0+$0x0] =	vst v63  }
0x4ee: {  	[hbm4b:s26+s28] =	stream.strided.scatter [tilespmem:s30], [sflag:$0x3], $0x2000, s29, s28, $0x38;
	[tilespmem:$0x12400] =	vst v63  }
0x4ef: {  	_ =	swait.ge [sflag:s3], $0x2000  }
0x4f0: {  	s31 =	rddreg [dreg:$0x14]  }
0x4f1: {  	s0 =	sadd.s32 $0x1, s31  }
0x4f2: {  	p0 =	sne.s32 s0, $0x32  }
.Ltmp6:
0x4f3: {  	_ = 	snop;
	(pc) =	sbr.rel @p0 .LBB2_4-.Ltmp6, $3  }
0x4f4: {  	_ =	sdelay $0x1  }
0x4f5: {  	[sflag:s3] =	ssyncset.done $0x0  }
0x4f6: {  	s24 =	simm.s32 $0x400;
	[sflag:s3] =	ssyncadd.s32 $0xFFFFE000  }
0x4f7: {  	s1 =	rddreg [dreg:$0x13]  }
0x4f8: {  	s0 =	rddreg [dreg:$0x12];
	s1 =	sadd.s32 $0x1, s1  }
0x4f9: {  	p0 =	sne.s32 s1, s0  }
.Ltmp7:
0x4fa: {  	_ = 	snop;
	(pc) =	sbr.rel @p0 .LBB2_1-.Ltmp7, $1  }
0x4fb: {  	_ =	sdelay $0x3  }
0x4fc: {  	_ =	sfence.sel $0x180000  }
0x4fd: {  	[bflag:$0x0] =	sbarrier.arrive $0xFFFF  }
0x4fe: {  	_ =	strace $0x90000047  }
0x4ff: {  	s0 =	stileid.u32;
	[bflag:$0x2] =	sbarrier.arrive $0xFFFF  }
0x500: {  	p0 =	sne.s32 s0, $0x0;
	s0 =	rddreg [dreg:$0x3]  }
0x501: {  	s0 =	sadd.s32 @!p0 $0x100000, s0  }
0x502: {  	[sflag:s0] =	ssyncadd.tile.s32 @!p0 $0x1;
	_ =	shalt  }
.Lfunc_end2:
_tile_overlayer_lowered:
.L_overlay_start_2:
0x503: {  	(tag) =	ssettag $0x2  }
0x504: {  	s0 =	rddreg [dreg:$0x0];
	s2 =	stileid.u32  }
0x505: {  	s1 =	rddreg [dreg:$0x1];
	p0 =	sne.s32 s2, $0x0  }
0x506: {  	s3 =	rddreg [dreg:$0x2];
	[bflag:$0x3] =	sbarrier.arrive $0xFFFF;
	s2 =	simm.s32 @!p0 $0x1C03  }
0x507: {  	[timem:s3], [sflag:s2] =	dma.local @!p0 [hbm:s0], s1  }
0x508: {  	s0 =	simm.s32 @!p0 $0x3  }
0x509: {  	_ =	swait.ge @!p0 [sflag:s0], s1  }
0x50a: {  	s1 =	ssub.s32 @!p0 $0x0, s1;
	[sflag:s0] =	ssyncset.done @!p0 $0x0  }
0x50b: {  	[sflag:s0] =	ssyncadd.s32 @!p0 s1  }
0x50c: {  	[bflag:$0x3] =	sbarrier.arrive $0xFFFF  }
0x50d: {  	_ =	shalt  }

</sc_bundles>
